<compile_context>
chip_gen: v7x
topology: tpu7x:2x2x1
jax: 0.10.2.dev20260603
libtpu: 0.0.44.dev20260713+nightly
codegen_flags: <defaults>
</compile_context>

<pallas_src>
import functools

import jax
import jax.numpy as jnp
from jax import lax
from jax.experimental import pallas as pl
from jax.experimental.pallas import tpu as pltpu
from jax.experimental.pallas import tpu_sc as plsc

B = 4
N = 65536
NSEG = N // B
M = (NSEG + 15) // 16
SLOTS = 8
PER_TILE = NSEG // SLOTS
VEC = 16
NVEC_ALL = N // VEC
NVEC_T = PER_TILE // VEC
BIGI = 1 << 30

_mesh = plsc.VectorSubcoreMesh(
    core_axis_name="c", subcore_axis_name="s", num_cores=2, num_subcores=16
)


def _bcast(vec, field):
    idx = jnp.full((VEC,), 1, jnp.int32) * field
    return vec.at[idx].get(mode="promise_in_bounds")


@functools.partial(
    pl.kernel,
    out_type=jax.ShapeDtypeStruct((B * M * 4,), jnp.float32),
    mesh=_mesh,
    scratch_types=[
        pltpu.VMEM((N,), jnp.float32),
        pltpu.VMEM((PER_TILE + VEC,), jnp.int32),
        pltpu.VMEM((PER_TILE + VEC,), jnp.float32),
        pltpu.VMEM((PER_TILE + VEC,), jnp.float32),
        pltpu.VMEM((PER_TILE + VEC,), jnp.float32),
        pltpu.VMEM((PER_TILE,), jnp.float32),
        pltpu.VMEM((VEC,), jnp.float32),
        pltpu.VMEM((SLOTS, VEC), jnp.float32),
        pltpu.VMEM((M * 4 + VEC,), jnp.float32),
        pltpu.VMEM_SHARED((4, 16, VEC), jnp.float32),
    ],
    compiler_params=pltpu.CompilerParams(needs_layout_passes=False),
)
def _fps_kernel(b_hbm, x_hbm, y_hbm, z_hbm, out_hbm,
                b_v, idx_v, xs, ys, zs, dists, cand_v, grp_v, out_v, shared):
    c = lax.axis_index("c")
    s = lax.axis_index("s")
    k = 2 * c + s // SLOTS
    slot = s % SLOTS
    k_f = k.astype(jnp.float32)
    lo = slot * PER_TILE
    g8 = (s // SLOTS) * SLOTS
    lane = lax.iota(jnp.int32, VEC)
    z16 = jnp.zeros((VEC,), jnp.int32)

    cand_v[...] = jnp.zeros((VEC,), jnp.float32)
    pltpu.sync_copy(cand_v, shared.at[0, s])
    pltpu.sync_copy(b_hbm, b_v)
    idx_v[pl.ds(PER_TILE, VEC)] = z16

    def scan_body(v, carry):
        cnt, w = carry
        bv = b_v[pl.ds(v * VEC, VEC)]
        m = bv == k_f
        mi = jnp.where(m, 1, 0).astype(jnp.int32)
        ranks = plsc.cumsum(mi) + (cnt - 1)
        selm = jnp.logical_and(
            m, jnp.logical_and(ranks >= lo, ranks < lo + PER_TILE))
        idxv = lane + v * VEC
        plsc.store_compressed(idx_v.at[pl.ds(w, VEC)], idxv, mask=selm)
        return (cnt + jnp.sum(mi),
                w + jnp.sum(jnp.where(selm, 1, 0).astype(jnp.int32)))

    OCT = NVEC_ALL // SLOTS

    def count_body(v, acc):
        bv = b_v[pl.ds(v * VEC, VEC)]
        return acc + jnp.where(bv == k_f, 1, 0).astype(jnp.int32)

    cnt_vec = lax.fori_loop(slot * OCT, (slot + 1) * OCT, count_body, z16)
    my_cnt = jnp.sum(cnt_vec).astype(jnp.float32)
    cand_v[...] = jnp.where(lane == 0, my_cnt, 0.0)
    pltpu.sync_copy(cand_v, shared.at[3, s])
    plsc.subcore_barrier()
    pltpu.sync_copy(shared.at[3, pl.ds(g8, SLOTS)], grp_v)
    colcnt_f = jnp.zeros((VEC,), jnp.float32)
    for t in range(SLOTS):
        colcnt_f = jnp.where(lane == t, _bcast(grp_v[t], 0), colcnt_f)
    colcnt = colcnt_f.astype(jnp.int32)
    bases_f = (plsc.cumsum(colcnt) - colcnt).astype(jnp.float32)

    def oct_body(o, w):
        base = jnp.max(_bcast(bases_f, o)).astype(jnp.int32)
        ocnt = jnp.max(_bcast(colcnt_f, o)).astype(jnp.int32)

        def run(wc):
            _, w2 = lax.fori_loop(o * OCT, (o + 1) * OCT, scan_body,
                                  (base, wc))
            return w2

        def skip(wc):
            return wc

        take = jnp.logical_and(w < PER_TILE, base + ocnt > lo)
        return lax.cond(take, run, skip, w)

    lax.fori_loop(0, SLOTS, oct_body, jnp.int32(0))

    pltpu.sync_copy(x_hbm.at[idx_v], xs)
    pltpu.sync_copy(y_hbm.at[idx_v], ys)
    pltpu.sync_copy(z_hbm.at[idx_v], zs)

    def init_d(j, _):
        dists[pl.ds(j * VEC, VEC)] = jnp.full((VEC,), 1e10, jnp.float32)
        return 0

    lax.fori_loop(0, NVEC_T, init_d, 0)

    def fold(par):
        pltpu.sync_copy(shared.at[par, pl.ds(g8, SLOTS)], grp_v)
        bc = grp_v[0]
        for t in range(1, SLOTS):
            r = grp_v[t]
            rm = _bcast(r, 0)
            rg = _bcast(r, 1)
            bm = _bcast(bc, 0)
            bg = _bcast(bc, 1)
            better = jnp.logical_or(
                rm > bm, jnp.logical_and(rm == bm, rg < bg))
            bc = jnp.where(better, r, bc)
        return bc

    def emit_row(i, bc):
        v = bc.at[jnp.minimum(lane + 2, 15)].get(mode="promise_in_bounds")
        v = jnp.where(lane == 0, k_f, v)
        plsc.store_compressed(out_v.at[pl.ds(i * 4, VEC)], v, mask=lane < 4)

    first = jnp.where(slot == 0, jnp.float32(0.0), jnp.float32(-1.0))
    oi0 = _bcast(idx_v[pl.ds(0, VEC)].astype(jnp.float32), 0)
    x0 = _bcast(xs[pl.ds(0, VEC)], 0)
    y0 = _bcast(ys[pl.ds(0, VEC)], 0)
    z0 = _bcast(zs[pl.ds(0, VEC)], 0)
    cand0 = jnp.where(
        lane == 0, first,
        jnp.where(lane == 1, 0.0,
                  jnp.where(lane == 2, oi0,
                            jnp.where(lane == 3, x0,
                                      jnp.where(lane == 4, y0,
                                                jnp.where(lane == 5, z0,
                                                          0.0))))))
    cand_v[...] = cand0
    pltpu.sync_copy(cand_v, shared.at[1, s])
    plsc.subcore_barrier()
    bc0 = fold(jnp.int32(1))

    @pl.when(slot == 0)
    def _():
        emit_row(0, bc0)

    qx0 = _bcast(bc0, 3)
    qy0 = _bcast(bc0, 4)
    qz0 = _bcast(bc0, 5)

    def step(i, q):
        qx, qy, qz = q

        def inner(j, ic):
            bv, bj = ic
            sl = pl.ds(j * VEC, VEC)
            dx = xs[sl] - qx
            dy = ys[sl] - qy
            dz = zs[sl] - qz
            d = dx * dx + dy * dy + dz * dz
            nd = jnp.minimum(dists[sl], d)
            dists[sl] = nd
            upd = nd > bv
            return jnp.where(upd, nd, bv), jnp.where(upd, j, bj)

        bv, bj = plsc.parallel_loop(
            0, NVEC_T, 1, unroll=16,
            carry=(jnp.full((VEC,), -1.0, jnp.float32), z16))(inner)
        mx = jnp.max(bv)
        pos = bj * VEC + lane
        lidx = jnp.min(jnp.where(bv == mx, pos, BIGI))
        jv = lidx // VEC
        ln = lidx % VEC
        wsl = pl.ds(jv * VEC, VEC)
        wx = _bcast(xs[wsl], ln)
        wy = _bcast(ys[wsl], ln)
        wz = _bcast(zs[wsl], ln)
        oi = _bcast(idx_v[wsl].astype(jnp.float32), ln)
        gr = (lo + lidx).astype(jnp.float32)
        cand = jnp.where(
            lane == 0, mx,
            jnp.where(lane == 1, gr,
                      jnp.where(lane == 2, oi,
                                jnp.where(lane == 3, wx,
                                          jnp.where(lane == 4, wy,
                                                    jnp.where(lane == 5, wz,
                                                              0.0))))))
        cand_v[...] = cand
        par = 1 + i % 2
        pltpu.sync_copy(cand_v, shared.at[par, s])
        plsc.subcore_barrier()
        bc = fold(par)

        @pl.when(slot == 0)
        def _():
            emit_row(i, bc)

        return _bcast(bc, 3), _bcast(bc, 4), _bcast(bc, 5)

    lax.fori_loop(1, M, step, (qx0, qy0, qz0))

    @pl.when(slot == 0)
    def _():
        pltpu.sync_copy(out_v.at[pl.ds(0, M * 4)],
                        out_hbm.at[pl.ds(k * M * 4, M * 4)])


def kernel(point_bxyz):
    b = point_bxyz[:, 0]
    x = point_bxyz[:, 1]
    y = point_bxyz[:, 2]
    z = point_bxyz[:, 3]
    return _fps_kernel(b, x, y, z).reshape(B * M, 4)

# --- scband reference (transcript-rebuilt; emitter-appended) ---
"""Pipeline reference for scband-fpssampler-7876970020952 (READ-ONLY COPY).

The authoritative reference and input builder live on the scoring server;
editing this copy changes nothing except your own understanding.
"""

import jax, jax.numpy as jnp
import numpy as np

STRIDE = 16


def setup_inputs(seed: int = 0) -> dict:
    key = jax.random.key(seed)
    B, n = 4, 16384
    kxyz, kperm = jax.random.split(key)
    xyz = jax.random.normal(kxyz, (B * n, 3), dtype=jnp.float32) * 10.0
    b = jnp.repeat(jnp.arange(B, dtype=jnp.float32), n)
    point_bxyz = jnp.concatenate([b[:, None], xyz], axis=1)
    # interleave batches so the sort in the forward pass is nontrivial
    perm = jax.random.permutation(kperm, B * n)
    point_bxyz = point_bxyz[perm]
    return {"point_bxyz": point_bxyz}


def _fps_single(xyz, m):
    # standard furthest point sampling over one batch segment
    n = xyz.shape[0]

    def body(i, carry):
        dists, last, sel = carry
        d = jnp.sum((xyz - xyz[last]) ** 2, axis=-1)
        dists = jnp.minimum(dists, d)
        nxt = jnp.argmax(dists).astype(jnp.int32)
        sel = sel.at[i].set(nxt)
        return (dists, nxt, sel)

    sel = jnp.zeros((m,), dtype=jnp.int32)  # first sampled index is 0 (segment start)
    dists = jnp.full((n,), 1e10, dtype=jnp.float32)
    dists, last, sel = jax.lax.fori_loop(1, m, body, (dists, jnp.int32(0), sel))
    return sel


def compute_fps_indices(point_bxyz, stride):
    # bxyz_to_xyz_index_offset: sort points by batch id, compute per-batch offsets
    batch_size = 4  # fixed number of equal-size batch segments by construction
    order = jnp.argsort(point_bxyz[:, 0])  # stable sort, like torch.sort indices
    point_xyz = point_bxyz[order][:, 1:4]
    n = point_bxyz.shape[0] // batch_size  # equal-size batch segments by construction
    m = (n + stride - 1) // stride  # per-segment sample count, matches new_offset math
    xyz_b = point_xyz.reshape(batch_size, n, 3)
    sel = jax.vmap(lambda x: _fps_single(x, m))(xyz_b)  # [B, m] local indices
    seg_starts = jnp.arange(batch_size, dtype=jnp.int32) * n
    fps_idx_sorted = (sel + seg_starts[:, None]).reshape(-1)
    # map back through the sort permutation: fps_idx = point_indices[fps_idx]
    fps_idx = order[fps_idx_sorted]
    return fps_idx


def reference(point_bxyz):
    # FPSSampler.forward with stride != 1
    fps_idx = compute_fps_indices(point_bxyz, STRIDE)
    return point_bxyz[fps_idx]

if __name__ == "__main__":
    import jax
    _d = setup_inputs()
    print(jax.jit(kernel)(*tuple(_d.values())))

</pallas_src>

<mosaic_0001>
#map = affine_map<(d0, d1) -> (0)>
module attributes {stable_mosaic.version = 14 : i64} {
  func.func @_fps_kernel(%arg0: i32, %arg1: i32, %arg2: memref<65536xf32, #tpu.memory_space<hbm>>, %arg3: memref<65536xf32, #tpu.memory_space<hbm>>, %arg4: memref<65536xf32, #tpu.memory_space<hbm>>, %arg5: memref<65536xf32, #tpu.memory_space<hbm>>, %arg6: memref<16384xf32, #tpu.memory_space<hbm>>, %arg7: memref<65536xf32, #tpu.memory_space<vmem>>, %arg8: memref<2064xi32, #tpu.memory_space<vmem>>, %arg9: memref<2064xf32, #tpu.memory_space<vmem>>, %arg10: memref<2064xf32, #tpu.memory_space<vmem>>, %arg11: memref<2064xf32, #tpu.memory_space<vmem>>, %arg12: memref<2048xf32, #tpu.memory_space<vmem>>, %arg13: memref<16xf32, #tpu.memory_space<vmem>>, %arg14: memref<8x16xf32, #tpu.memory_space<vmem>>, %arg15: memref<4112xf32, #tpu.memory_space<vmem>>, %arg16: memref<4x16x16xf32, #tpu.memory_space<vmem_shared>>) attributes {dimension_semantics = [#tpu.dimension_semantics<core_parallel>, #tpu.dimension_semantics<subcore_parallel>], iteration_bounds = array<i64: 2, 16>, scalar_prefetch = 0 : i64, scratch_operands = 10 : i64, tpu.core_type = #tpu.core_type<sc_vector_subcore>, window_params = [{transform_indices = #map}, {transform_indices = #map}, {transform_indices = #map}, {transform_indices = #map}, {transform_indices = #map}]} {
    %mul3A = arith.constant 2 : i32
    %mul3A_0 = arith.muli %mul3A, %arg0 : i32
    %jit3A = arith.constant 8 : i32
    %div3A = arith.divsi %arg1, %jit3A : i32
    %sign3A = arith.constant 0 : i32
    %sign3A_1 = arith.cmpi sgt, %arg1, %sign3A : i32
    %sign3A_2 = arith.extui %sign3A_1 : i1 to i32
    %sign3A_3 = arith.constant 0 : i32
    %sign3A_4 = arith.cmpi slt, %arg1, %sign3A_3 : i32
    %sign3A_5 = arith.extui %sign3A_4 : i1 to i32
    %sign3A_6 = arith.subi %sign3A_2, %sign3A_5 : i32
    %sign3A_7 = arith.constant 0 : i32
    %sign3A_8 = arith.cmpi sgt, %jit3A, %sign3A_7 : i32
    %sign3A_9 = arith.extui %sign3A_8 : i1 to i32
    %sign3A_10 = arith.constant 0 : i32
    %sign3A_11 = arith.cmpi slt, %jit3A, %sign3A_10 : i32
    %sign3A_12 = arith.extui %sign3A_11 : i1 to i32
    %sign3A_13 = arith.subi %sign3A_9, %sign3A_12 : i32
    %ne3A = arith.cmpi ne, %sign3A_6, %sign3A_13 : i32
    %rem3A = arith.remsi %arg1, %jit3A : i32
    %ne3A_14 = arith.constant 0 : i32
    %ne3A_15 = arith.cmpi ne, %rem3A, %ne3A_14 : i32
    %and3A = arith.andi %ne3A, %ne3A_15 : i1
    %sub3A = arith.constant 1 : i32
    %sub3A_16 = arith.subi %div3A, %sub3A : i32
    %select_n3A = arith.select %and3A, %sub3A_16, %div3A : i32
    %add3A = arith.addi %mul3A_0, %select_n3A : i32
    %jit3A_17 = arith.constant 8 : i32
    %eq3A = arith.constant 0 : i32
    %eq3A_18 = arith.cmpi eq, %jit3A_17, %eq3A : i32
    %jit3A_19 = arith.constant 1 : i32
    %select_n3A_20 = arith.select %eq3A_18, %jit3A_19, %jit3A_17 : i32
    %rem3A_21 = arith.remsi %arg1, %select_n3A_20 : i32
    %ne3A_22 = arith.constant 0 : i32
    %ne3A_23 = arith.cmpi ne, %rem3A_21, %ne3A_22 : i32
    %lt3A = arith.constant 0 : i32
    %lt3A_24 = arith.cmpi slt, %rem3A_21, %lt3A : i32
    %lt3A_25 = arith.constant 0 : i32
    %lt3A_26 = arith.cmpi slt, %select_n3A_20, %lt3A_25 : i32
    %ne3A_27 = arith.xori %lt3A_24, %lt3A_26 : i1
    %and3A_28 = arith.andi %ne3A_27, %ne3A_23 : i1
    %add3A_29 = arith.addi %rem3A_21, %select_n3A_20 : i32
    %select_n3A_30 = arith.select %and3A_28, %add3A_29, %rem3A_21 : i32
    %convert_element_type3A = arith.sitofp %add3A : i32 to f32
    %mul3A_31 = arith.constant 2048 : i32
    %mul3A_32 = arith.muli %select_n3A_30, %mul3A_31 : i32
    %jit3A_33 = arith.constant 8 : i32
    %div3A_34 = arith.divsi %arg1, %jit3A_33 : i32
    %sign3A_35 = arith.constant 0 : i32
    %sign3A_36 = arith.cmpi sgt, %arg1, %sign3A_35 : i32
    %sign3A_37 = arith.extui %sign3A_36 : i1 to i32
    %sign3A_38 = arith.constant 0 : i32
    %sign3A_39 = arith.cmpi slt, %arg1, %sign3A_38 : i32
    %sign3A_40 = arith.extui %sign3A_39 : i1 to i32
    %sign3A_41 = arith.subi %sign3A_37, %sign3A_40 : i32
    %sign3A_42 = arith.constant 0 : i32
    %sign3A_43 = arith.cmpi sgt, %jit3A_33, %sign3A_42 : i32
    %sign3A_44 = arith.extui %sign3A_43 : i1 to i32
    %sign3A_45 = arith.constant 0 : i32
    %sign3A_46 = arith.cmpi slt, %jit3A_33, %sign3A_45 : i32
    %sign3A_47 = arith.extui %sign3A_46 : i1 to i32
    %sign3A_48 = arith.subi %sign3A_44, %sign3A_47 : i32
    %ne3A_49 = arith.cmpi ne, %sign3A_41, %sign3A_48 : i32
    %rem3A_50 = arith.remsi %arg1, %jit3A_33 : i32
    %ne3A_51 = arith.constant 0 : i32
    %ne3A_52 = arith.cmpi ne, %rem3A_50, %ne3A_51 : i32
    %and3A_53 = arith.andi %ne3A_49, %ne3A_52 : i1
    %sub3A_54 = arith.constant 1 : i32
    %sub3A_55 = arith.subi %div3A_34, %sub3A_54 : i32
    %select_n3A_56 = arith.select %and3A_53, %sub3A_55, %div3A_34 : i32
    %mul3A_57 = arith.constant 8 : i32
    %mul3A_58 = arith.muli %select_n3A_56, %mul3A_57 : i32
    %iota3A = tpu.iota {dimensions = array<i32: 0>} : vector<16xi32>
    %broadcast_in_dim3A = arith.constant 0 : i32
    %broadcast_in_dim3A_59 = vector.broadcast %broadcast_in_dim3A : i32 to vector<16xi32>
    %broadcast_in_dim3A_60 = arith.constant 0.000000e+00 : f32
    %broadcast_in_dim3A_61 = vector.broadcast %broadcast_in_dim3A_60 : f32 to vector<16xf32>
    %swap3A = arith.constant 0 : index
    %swap3A_62 = tpu.vector_load %arg13[%swap3A] {strides = array<i32>} : memref<16xf32, #tpu.memory_space<vmem>>, vector<16xf32>,
    tpu.vector_store %arg13[%swap3A], %broadcast_in_dim3A_61 {strides = array<i32>} : memref<16xf32, #tpu.memory_space<vmem>>, vector<16xf32>,
    %run_scoped3A = arith.constant 0 : i32
    "tpu.region"() ({
      %run_scoped3A_957 = tpu.sem_alloc : memref<!tpu.dma_semaphore, #tpu.memory_space<semaphore_mem>>
      %dma_start3A = arith.constant 0 : i32
      %dma_start3A_958 = tpu.memref_slice %arg16[%run_scoped3A, %arg1, %dma_start3A] : memref<4x16x16xf32, #tpu.memory_space<vmem_shared>> -> memref<1x1x16xf32, #tpu.memory_space<vmem_shared>>
      %dma_start3A_959 = tpu.memref_squeeze %dma_start3A_958 : memref<1x1x16xf32, #tpu.memory_space<vmem_shared>> -> memref<16xf32, #tpu.memory_space<vmem_shared>>
      %dma_start3A_960 = arith.constant 0 : i32
      %dma_start3A_961 = tpu.memref_slice %arg16[%run_scoped3A, %arg1, %dma_start3A_960] : memref<4x16x16xf32, #tpu.memory_space<vmem_shared>> -> memref<1x1x16xf32, #tpu.memory_space<vmem_shared>>
      %dma_start3A_962 = tpu.memref_squeeze %dma_start3A_961 : memref<1x1x16xf32, #tpu.memory_space<vmem_shared>> -> memref<16xf32, #tpu.memory_space<vmem_shared>>
      tpu.enqueue_dma source(%arg13 : memref<16xf32, #tpu.memory_space<vmem>>) target(%dma_start3A_962 : memref<16xf32, #tpu.memory_space<vmem_shared>>) target_semaphore(%run_scoped3A_957 : memref<!tpu.dma_semaphore, #tpu.memory_space<semaphore_mem>>)
      %dma_wait3A = arith.constant 0 : i32
      %dma_wait3A_963 = tpu.memref_slice %arg16[%run_scoped3A, %arg1, %dma_wait3A] : memref<4x16x16xf32, #tpu.memory_space<vmem_shared>> -> memref<1x1x16xf32, #tpu.memory_space<vmem_shared>>
      %dma_wait3A_964 = tpu.memref_squeeze %dma_wait3A_963 : memref<1x1x16xf32, #tpu.memory_space<vmem_shared>> -> memref<16xf32, #tpu.memory_space<vmem_shared>>
      %dma_wait3A_965 = arith.constant 0 : i32
      %dma_wait3A_966 = tpu.memref_slice %arg16[%run_scoped3A, %arg1, %dma_wait3A_965] : memref<4x16x16xf32, #tpu.memory_space<vmem_shared>> -> memref<1x1x16xf32, #tpu.memory_space<vmem_shared>>
      %dma_wait3A_967 = tpu.memref_squeeze %dma_wait3A_966 : memref<1x1x16xf32, #tpu.memory_space<vmem_shared>> -> memref<16xf32, #tpu.memory_space<vmem_shared>>
      tpu.wait_dma2 semaphore(%run_scoped3A_957 : memref<!tpu.dma_semaphore, #tpu.memory_space<semaphore_mem>>) src(%arg13 : memref<16xf32, #tpu.memory_space<vmem>>) dst(%dma_wait3A_967 : memref<16xf32, #tpu.memory_space<vmem_shared>>)
      tpu.yield
    }) : () -> ()
    "tpu.region"() ({
      %run_scoped3A_957 = tpu.sem_alloc : memref<!tpu.dma_semaphore, #tpu.memory_space<semaphore_mem>>
      tpu.enqueue_dma source(%arg2 : memref<65536xf32, #tpu.memory_space<hbm>>) target(%arg7 : memref<65536xf32, #tpu.memory_space<vmem>>) target_semaphore(%run_scoped3A_957 : memref<!tpu.dma_semaphore, #tpu.memory_space<semaphore_mem>>)
      tpu.wait_dma2 semaphore(%run_scoped3A_957 : memref<!tpu.dma_semaphore, #tpu.memory_space<semaphore_mem>>) src(%arg2 : memref<65536xf32, #tpu.memory_space<hbm>>) dst(%arg7 : memref<65536xf32, #tpu.memory_space<vmem>>)
      tpu.yield
    }) : () -> ()
    %swap3A_63 = arith.constant 2048 : index
    %swap3A_64 = tpu.vector_load %arg8[%swap3A_63] {strides = array<i32>} : memref<2064xi32, #tpu.memory_space<vmem>>, vector<16xi32>,
    tpu.vector_store %arg8[%swap3A_63], %broadcast_in_dim3A_59 {strides = array<i32>} : memref<2064xi32, #tpu.memory_space<vmem>>, vector<16xi32>,
    %mul3A_65 = arith.constant 512 : i32
    %mul3A_66 = arith.muli %select_n3A_30, %mul3A_65 : i32
    %add3A_67 = arith.constant 1 : i32
    %add3A_68 = arith.addi %select_n3A_30, %add3A_67 : i32
    %mul3A_69 = arith.constant 512 : i32
    %mul3A_70 = arith.muli %add3A_68, %mul3A_69 : i32
    %while3A = arith.subi %mul3A_70, %mul3A_66 : i32
    %while3A_71 = arith.addi %mul3A_66, %while3A : i32
    %while3A_72 = arith.constant 1 : i32
    %while3A_73 = arith.divsi %while3A, %while3A_72 : i32
    %while3A_74 = arith.muli %while3A_73, %while3A_72 : i32
    %while3A_75 = arith.addi %mul3A_66, %while3A_74 : i32
    %while3A_76 = arith.constant 1 : i32
    %while3A_77 = scf.for %while3A_957 = %mul3A_66 to %while3A_75 step %while3A_76 iter_args(%while3A_958 = %broadcast_in_dim3A_59) -> (vector<16xi32>)  : i32 {
      %mul3A_959 = arith.constant 16 : i32
      %mul3A_960 = arith.muli %while3A_957, %mul3A_959 : i32
      %get3A_961 = arith.index_cast %mul3A_960 : i32 to index
      %get3A_962 = tpu.vector_load %arg7[%get3A_961] {strides = array<i32>} : memref<65536xf32, #tpu.memory_space<vmem>>, vector<16xf32>,
      %eq3A_963 = vector.broadcast %convert_element_type3A : f32 to vector<16xf32>
      %eq3A_964 = arith.cmpf oeq, %get3A_962, %eq3A_963 : vector<16xf32>
      %jit3A_965 = arith.constant 1 : i32
      %jit3A_966 = arith.constant 0 : i32
      %broadcast_in_dim3A_967 = vector.broadcast %jit3A_965 : i32 to vector<16xi32>
      %broadcast_in_dim3A_968 = vector.broadcast %jit3A_966 : i32 to vector<16xi32>
      %select_n3A_969 = arith.select %eq3A_964, %broadcast_in_dim3A_967, %broadcast_in_dim3A_968 : vector<16xi1>, vector<16xi32>
      %add3A_970 = arith.addi %while3A_958, %select_n3A_969 : vector<16xi32>
      scf.yield %add3A_970 : vector<16xi32>
    }
    %while3A_78 = arith.constant 1 : i32
    %while3A_79 = scf.for %while3A_957 = %while3A_75 to %while3A_71 step %while3A_78 iter_args(%while3A_958 = %while3A_77) -> (vector<16xi32>)  : i32 {
      %mul3A_959 = arith.constant 16 : i32
      %mul3A_960 = arith.muli %while3A_957, %mul3A_959 : i32
      %get3A_961 = arith.index_cast %mul3A_960 : i32 to index
      %get3A_962 = tpu.vector_load %arg7[%get3A_961] {strides = array<i32>} : memref<65536xf32, #tpu.memory_space<vmem>>, vector<16xf32>,
      %eq3A_963 = vector.broadcast %convert_element_type3A : f32 to vector<16xf32>
      %eq3A_964 = arith.cmpf oeq, %get3A_962, %eq3A_963 : vector<16xf32>
      %jit3A_965 = arith.constant 1 : i32
      %jit3A_966 = arith.constant 0 : i32
      %broadcast_in_dim3A_967 = vector.broadcast %jit3A_965 : i32 to vector<16xi32>
      %broadcast_in_dim3A_968 = vector.broadcast %jit3A_966 : i32 to vector<16xi32>
      %select_n3A_969 = arith.select %eq3A_964, %broadcast_in_dim3A_967, %broadcast_in_dim3A_968 : vector<16xi1>, vector<16xi32>
      %add3A_970 = arith.addi %while3A_958, %select_n3A_969 : vector<16xi32>
      scf.yield %add3A_970 : vector<16xi32>
    }
    %reduce_sum3A = arith.constant true
    %reduce_sum3A_80 = vector.broadcast %reduce_sum3A : i1 to vector<16xi1>
    %reduce_sum3A_81 = tpu.scan <sum>, %while3A_79 masked %reduce_sum3A_80 : vector<16xi32>, vector<16xi1> -> vector<16xi32>
    %reduce_sum3A_82 = vector.extract %reduce_sum3A_81[15] : i32 from vector<16xi32>
    %convert_element_type3A_83 = arith.sitofp %reduce_sum3A_82 : i32 to f32
    %eq3A_84 = arith.constant 0 : i32
    %eq3A_85 = vector.broadcast %eq3A_84 : i32 to vector<16xi32>
    %eq3A_86 = arith.cmpi eq, %iota3A, %eq3A_85 : vector<16xi32>
    %jit3A_87 = arith.constant 0.000000e+00 : f32
    %broadcast_in_dim3A_88 = vector.broadcast %convert_element_type3A_83 : f32 to vector<16xf32>
    %broadcast_in_dim3A_89 = vector.broadcast %jit3A_87 : f32 to vector<16xf32>
    %select_n3A_90 = arith.select %eq3A_86, %broadcast_in_dim3A_88, %broadcast_in_dim3A_89 : vector<16xi1>, vector<16xf32>
    %swap3A_91 = arith.constant 0 : index
    %swap3A_92 = tpu.vector_load %arg13[%swap3A_91] {strides = array<i32>} : memref<16xf32, #tpu.memory_space<vmem>>, vector<16xf32>,
    tpu.vector_store %arg13[%swap3A_91], %select_n3A_90 {strides = array<i32>} : memref<16xf32, #tpu.memory_space<vmem>>, vector<16xf32>,
    %run_scoped3A_93 = arith.constant 3 : i32
    "tpu.region"() ({
      %run_scoped3A_957 = tpu.sem_alloc : memref<!tpu.dma_semaphore, #tpu.memory_space<semaphore_mem>>
      %dma_start3A = arith.constant 0 : i32
      %dma_start3A_958 = tpu.memref_slice %arg16[%run_scoped3A_93, %arg1, %dma_start3A] : memref<4x16x16xf32, #tpu.memory_space<vmem_shared>> -> memref<1x1x16xf32, #tpu.memory_space<vmem_shared>>
      %dma_start3A_959 = tpu.memref_squeeze %dma_start3A_958 : memref<1x1x16xf32, #tpu.memory_space<vmem_shared>> -> memref<16xf32, #tpu.memory_space<vmem_shared>>
      %dma_start3A_960 = arith.constant 0 : i32
      %dma_start3A_961 = tpu.memref_slice %arg16[%run_scoped3A_93, %arg1, %dma_start3A_960] : memref<4x16x16xf32, #tpu.memory_space<vmem_shared>> -> memref<1x1x16xf32, #tpu.memory_space<vmem_shared>>
      %dma_start3A_962 = tpu.memref_squeeze %dma_start3A_961 : memref<1x1x16xf32, #tpu.memory_space<vmem_shared>> -> memref<16xf32, #tpu.memory_space<vmem_shared>>
      tpu.enqueue_dma source(%arg13 : memref<16xf32, #tpu.memory_space<vmem>>) target(%dma_start3A_962 : memref<16xf32, #tpu.memory_space<vmem_shared>>) target_semaphore(%run_scoped3A_957 : memref<!tpu.dma_semaphore, #tpu.memory_space<semaphore_mem>>)
      %dma_wait3A = arith.constant 0 : i32
      %dma_wait3A_963 = tpu.memref_slice %arg16[%run_scoped3A_93, %arg1, %dma_wait3A] : memref<4x16x16xf32, #tpu.memory_space<vmem_shared>> -> memref<1x1x16xf32, #tpu.memory_space<vmem_shared>>
      %dma_wait3A_964 = tpu.memref_squeeze %dma_wait3A_963 : memref<1x1x16xf32, #tpu.memory_space<vmem_shared>> -> memref<16xf32, #tpu.memory_space<vmem_shared>>
      %dma_wait3A_965 = arith.constant 0 : i32
      %dma_wait3A_966 = tpu.memref_slice %arg16[%run_scoped3A_93, %arg1, %dma_wait3A_965] : memref<4x16x16xf32, #tpu.memory_space<vmem_shared>> -> memref<1x1x16xf32, #tpu.memory_space<vmem_shared>>
      %dma_wait3A_967 = tpu.memref_squeeze %dma_wait3A_966 : memref<1x1x16xf32, #tpu.memory_space<vmem_shared>> -> memref<16xf32, #tpu.memory_space<vmem_shared>>
      tpu.wait_dma2 semaphore(%run_scoped3A_957 : memref<!tpu.dma_semaphore, #tpu.memory_space<semaphore_mem>>) src(%arg13 : memref<16xf32, #tpu.memory_space<vmem>>) dst(%dma_wait3A_967 : memref<16xf32, #tpu.memory_space<vmem_shared>>)
      tpu.yield
    }) : () -> ()
    %barrier3A = arith.constant 0 : index
    tpu.barrier barrier_id(%barrier3A)
    %run_scoped3A_94 = arith.constant 3 : i32
    "tpu.region"() ({
      %run_scoped3A_957 = tpu.sem_alloc : memref<!tpu.dma_semaphore, #tpu.memory_space<semaphore_mem>>
      %dma_start3A = arith.constant 0 : i32
      %dma_start3A_958 = tpu.memref_slice %arg16[%run_scoped3A_94, %mul3A_58, %dma_start3A] : memref<4x16x16xf32, #tpu.memory_space<vmem_shared>> -> memref<1x8x16xf32, #tpu.memory_space<vmem_shared>>
      %dma_start3A_959 = tpu.memref_squeeze %dma_start3A_958 : memref<1x8x16xf32, #tpu.memory_space<vmem_shared>> -> memref<8x16xf32, #tpu.memory_space<vmem_shared>>
      %dma_start3A_960 = arith.constant 0 : i32
      %dma_start3A_961 = tpu.memref_slice %arg16[%run_scoped3A_94, %mul3A_58, %dma_start3A_960] : memref<4x16x16xf32, #tpu.memory_space<vmem_shared>> -> memref<1x8x16xf32, #tpu.memory_space<vmem_shared>>
      %dma_start3A_962 = tpu.memref_squeeze %dma_start3A_961 : memref<1x8x16xf32, #tpu.memory_space<vmem_shared>> -> memref<8x16xf32, #tpu.memory_space<vmem_shared>>
      tpu.enqueue_dma source(%dma_start3A_962 : memref<8x16xf32, #tpu.memory_space<vmem_shared>>) target(%arg14 : memref<8x16xf32, #tpu.memory_space<vmem>>) target_semaphore(%run_scoped3A_957 : memref<!tpu.dma_semaphore, #tpu.memory_space<semaphore_mem>>)
      %dma_wait3A = arith.constant 0 : i32
      %dma_wait3A_963 = tpu.memref_slice %arg16[%run_scoped3A_94, %mul3A_58, %dma_wait3A] : memref<4x16x16xf32, #tpu.memory_space<vmem_shared>> -> memref<1x8x16xf32, #tpu.memory_space<vmem_shared>>
      %dma_wait3A_964 = tpu.memref_squeeze %dma_wait3A_963 : memref<1x8x16xf32, #tpu.memory_space<vmem_shared>> -> memref<8x16xf32, #tpu.memory_space<vmem_shared>>
      %dma_wait3A_965 = arith.constant 0 : i32
      %dma_wait3A_966 = tpu.memref_slice %arg16[%run_scoped3A_94, %mul3A_58, %dma_wait3A_965] : memref<4x16x16xf32, #tpu.memory_space<vmem_shared>> -> memref<1x8x16xf32, #tpu.memory_space<vmem_shared>>
      %dma_wait3A_967 = tpu.memref_squeeze %dma_wait3A_966 : memref<1x8x16xf32, #tpu.memory_space<vmem_shared>> -> memref<8x16xf32, #tpu.memory_space<vmem_shared>>
      tpu.wait_dma2 semaphore(%run_scoped3A_957 : memref<!tpu.dma_semaphore, #tpu.memory_space<semaphore_mem>>) src(%dma_wait3A_967 : memref<8x16xf32, #tpu.memory_space<vmem_shared>>) dst(%arg14 : memref<8x16xf32, #tpu.memory_space<vmem>>)
      tpu.yield
    }) : () -> ()
    %broadcast_in_dim3A_95 = arith.constant 0.000000e+00 : f32
    %broadcast_in_dim3A_96 = vector.broadcast %broadcast_in_dim3A_95 : f32 to vector<16xf32>
    %eq3A_97 = arith.constant 0 : i32
    %eq3A_98 = vector.broadcast %eq3A_97 : i32 to vector<16xi32>
    %eq3A_99 = arith.cmpi eq, %iota3A, %eq3A_98 : vector<16xi32>
    %get3A = arith.constant 0 : i32
    %get3A_100 = arith.index_cast %get3A : i32 to index
    %get3A_101 = arith.constant 0 : index
    %get3A_102 = tpu.vector_load %arg14[%get3A_100, %get3A_101] {strides = array<i32>} : memref<8x16xf32, #tpu.memory_space<vmem>>, vector<16xf32>,
    %broadcast_in_dim3A_103 = arith.constant 1 : i32
    %broadcast_in_dim3A_104 = vector.broadcast %broadcast_in_dim3A_103 : i32 to vector<16xi32>
    %mul3A_105 = arith.constant 0 : i32
    %mul3A_106 = vector.broadcast %mul3A_105 : i32 to vector<16xi32>
    %mul3A_107 = arith.muli %broadcast_in_dim3A_104, %mul3A_106 : vector<16xi32>
    %lt3A_108 = arith.constant 0 : i32
    %lt3A_109 = vector.broadcast %lt3A_108 : i32 to vector<16xi32>
    %lt3A_110 = arith.cmpi slt, %mul3A_107, %lt3A_109 : vector<16xi32>
    %add3A_111 = arith.constant 16 : i32
    %add3A_112 = vector.broadcast %add3A_111 : i32 to vector<16xi32>
    %add3A_113 = arith.addi %mul3A_107, %add3A_112 : vector<16xi32>
    %select_n3A_114 = arith.select %lt3A_110, %add3A_113, %mul3A_107 : vector<16xi1>, vector<16xi32>
    %broadcast_in_dim3A_115 = vector.shape_cast %select_n3A_114 : vector<16xi32> to vector<16x1xi32>
    %gather3A = vector.shape_cast %broadcast_in_dim3A_115 : vector<16x1xi32> to vector<16xi32>
    %gather3A_116 = tpu.dynamic_gather %get3A_102[%gather3A] in [0] : vector<16xf32>, vector<16xi32> -> vector<16xf32>
    %select_n3A_117 = arith.select %eq3A_99, %gather3A_116, %broadcast_in_dim3A_96 : vector<16xi1>, vector<16xf32>
    %eq3A_118 = arith.constant 1 : i32
    %eq3A_119 = vector.broadcast %eq3A_118 : i32 to vector<16xi32>
    %eq3A_120 = arith.cmpi eq, %iota3A, %eq3A_119 : vector<16xi32>
    %get3A_121 = arith.constant 1 : i32
    %get3A_122 = arith.index_cast %get3A_121 : i32 to index
    %get3A_123 = arith.constant 0 : index
    %get3A_124 = tpu.vector_load %arg14[%get3A_122, %get3A_123] {strides = array<i32>} : memref<8x16xf32, #tpu.memory_space<vmem>>, vector<16xf32>,
    %broadcast_in_dim3A_125 = arith.constant 1 : i32
    %broadcast_in_dim3A_126 = vector.broadcast %broadcast_in_dim3A_125 : i32 to vector<16xi32>
    %mul3A_127 = arith.constant 0 : i32
    %mul3A_128 = vector.broadcast %mul3A_127 : i32 to vector<16xi32>
    %mul3A_129 = arith.muli %broadcast_in_dim3A_126, %mul3A_128 : vector<16xi32>
    %lt3A_130 = arith.constant 0 : i32
    %lt3A_131 = vector.broadcast %lt3A_130 : i32 to vector<16xi32>
    %lt3A_132 = arith.cmpi slt, %mul3A_129, %lt3A_131 : vector<16xi32>
    %add3A_133 = arith.constant 16 : i32
    %add3A_134 = vector.broadcast %add3A_133 : i32 to vector<16xi32>
    %add3A_135 = arith.addi %mul3A_129, %add3A_134 : vector<16xi32>
    %select_n3A_136 = arith.select %lt3A_132, %add3A_135, %mul3A_129 : vector<16xi1>, vector<16xi32>
    %broadcast_in_dim3A_137 = vector.shape_cast %select_n3A_136 : vector<16xi32> to vector<16x1xi32>
    %gather3A_138 = vector.shape_cast %broadcast_in_dim3A_137 : vector<16x1xi32> to vector<16xi32>
    %gather3A_139 = tpu.dynamic_gather %get3A_124[%gather3A_138] in [0] : vector<16xf32>, vector<16xi32> -> vector<16xf32>
    %select_n3A_140 = arith.select %eq3A_120, %gather3A_139, %select_n3A_117 : vector<16xi1>, vector<16xf32>
    %eq3A_141 = arith.constant 2 : i32
    %eq3A_142 = vector.broadcast %eq3A_141 : i32 to vector<16xi32>
    %eq3A_143 = arith.cmpi eq, %iota3A, %eq3A_142 : vector<16xi32>
    %get3A_144 = arith.constant 2 : i32
    %get3A_145 = arith.index_cast %get3A_144 : i32 to index
    %get3A_146 = arith.constant 0 : index
    %get3A_147 = tpu.vector_load %arg14[%get3A_145, %get3A_146] {strides = array<i32>} : memref<8x16xf32, #tpu.memory_space<vmem>>, vector<16xf32>,
    %broadcast_in_dim3A_148 = arith.constant 1 : i32
    %broadcast_in_dim3A_149 = vector.broadcast %broadcast_in_dim3A_148 : i32 to vector<16xi32>
    %mul3A_150 = arith.constant 0 : i32
    %mul3A_151 = vector.broadcast %mul3A_150 : i32 to vector<16xi32>
    %mul3A_152 = arith.muli %broadcast_in_dim3A_149, %mul3A_151 : vector<16xi32>
    %lt3A_153 = arith.constant 0 : i32
    %lt3A_154 = vector.broadcast %lt3A_153 : i32 to vector<16xi32>
    %lt3A_155 = arith.cmpi slt, %mul3A_152, %lt3A_154 : vector<16xi32>
    %add3A_156 = arith.constant 16 : i32
    %add3A_157 = vector.broadcast %add3A_156 : i32 to vector<16xi32>
    %add3A_158 = arith.addi %mul3A_152, %add3A_157 : vector<16xi32>
    %select_n3A_159 = arith.select %lt3A_155, %add3A_158, %mul3A_152 : vector<16xi1>, vector<16xi32>
    %broadcast_in_dim3A_160 = vector.shape_cast %select_n3A_159 : vector<16xi32> to vector<16x1xi32>
    %gather3A_161 = vector.shape_cast %broadcast_in_dim3A_160 : vector<16x1xi32> to vector<16xi32>
    %gather3A_162 = tpu.dynamic_gather %get3A_147[%gather3A_161] in [0] : vector<16xf32>, vector<16xi32> -> vector<16xf32>
    %select_n3A_163 = arith.select %eq3A_143, %gather3A_162, %select_n3A_140 : vector<16xi1>, vector<16xf32>
    %eq3A_164 = arith.constant 3 : i32
    %eq3A_165 = vector.broadcast %eq3A_164 : i32 to vector<16xi32>
    %eq3A_166 = arith.cmpi eq, %iota3A, %eq3A_165 : vector<16xi32>
    %get3A_167 = arith.constant 3 : i32
    %get3A_168 = arith.index_cast %get3A_167 : i32 to index
    %get3A_169 = arith.constant 0 : index
    %get3A_170 = tpu.vector_load %arg14[%get3A_168, %get3A_169] {strides = array<i32>} : memref<8x16xf32, #tpu.memory_space<vmem>>, vector<16xf32>,
    %broadcast_in_dim3A_171 = arith.constant 1 : i32
    %broadcast_in_dim3A_172 = vector.broadcast %broadcast_in_dim3A_171 : i32 to vector<16xi32>
    %mul3A_173 = arith.constant 0 : i32
    %mul3A_174 = vector.broadcast %mul3A_173 : i32 to vector<16xi32>
    %mul3A_175 = arith.muli %broadcast_in_dim3A_172, %mul3A_174 : vector<16xi32>
    %lt3A_176 = arith.constant 0 : i32
    %lt3A_177 = vector.broadcast %lt3A_176 : i32 to vector<16xi32>
    %lt3A_178 = arith.cmpi slt, %mul3A_175, %lt3A_177 : vector<16xi32>
    %add3A_179 = arith.constant 16 : i32
    %add3A_180 = vector.broadcast %add3A_179 : i32 to vector<16xi32>
    %add3A_181 = arith.addi %mul3A_175, %add3A_180 : vector<16xi32>
    %select_n3A_182 = arith.select %lt3A_178, %add3A_181, %mul3A_175 : vector<16xi1>, vector<16xi32>
    %broadcast_in_dim3A_183 = vector.shape_cast %select_n3A_182 : vector<16xi32> to vector<16x1xi32>
    %gather3A_184 = vector.shape_cast %broadcast_in_dim3A_183 : vector<16x1xi32> to vector<16xi32>
    %gather3A_185 = tpu.dynamic_gather %get3A_170[%gather3A_184] in [0] : vector<16xf32>, vector<16xi32> -> vector<16xf32>
    %select_n3A_186 = arith.select %eq3A_166, %gather3A_185, %select_n3A_163 : vector<16xi1>, vector<16xf32>
    %eq3A_187 = arith.constant 4 : i32
    %eq3A_188 = vector.broadcast %eq3A_187 : i32 to vector<16xi32>
    %eq3A_189 = arith.cmpi eq, %iota3A, %eq3A_188 : vector<16xi32>
    %get3A_190 = arith.constant 4 : i32
    %get3A_191 = arith.index_cast %get3A_190 : i32 to index
    %get3A_192 = arith.constant 0 : index
    %get3A_193 = tpu.vector_load %arg14[%get3A_191, %get3A_192] {strides = array<i32>} : memref<8x16xf32, #tpu.memory_space<vmem>>, vector<16xf32>,
    %broadcast_in_dim3A_194 = arith.constant 1 : i32
    %broadcast_in_dim3A_195 = vector.broadcast %broadcast_in_dim3A_194 : i32 to vector<16xi32>
    %mul3A_196 = arith.constant 0 : i32
    %mul3A_197 = vector.broadcast %mul3A_196 : i32 to vector<16xi32>
    %mul3A_198 = arith.muli %broadcast_in_dim3A_195, %mul3A_197 : vector<16xi32>
    %lt3A_199 = arith.constant 0 : i32
    %lt3A_200 = vector.broadcast %lt3A_199 : i32 to vector<16xi32>
    %lt3A_201 = arith.cmpi slt, %mul3A_198, %lt3A_200 : vector<16xi32>
    %add3A_202 = arith.constant 16 : i32
    %add3A_203 = vector.broadcast %add3A_202 : i32 to vector<16xi32>
    %add3A_204 = arith.addi %mul3A_198, %add3A_203 : vector<16xi32>
    %select_n3A_205 = arith.select %lt3A_201, %add3A_204, %mul3A_198 : vector<16xi1>, vector<16xi32>
    %broadcast_in_dim3A_206 = vector.shape_cast %select_n3A_205 : vector<16xi32> to vector<16x1xi32>
    %gather3A_207 = vector.shape_cast %broadcast_in_dim3A_206 : vector<16x1xi32> to vector<16xi32>
    %gather3A_208 = tpu.dynamic_gather %get3A_193[%gather3A_207] in [0] : vector<16xf32>, vector<16xi32> -> vector<16xf32>
    %select_n3A_209 = arith.select %eq3A_189, %gather3A_208, %select_n3A_186 : vector<16xi1>, vector<16xf32>
    %eq3A_210 = arith.constant 5 : i32
    %eq3A_211 = vector.broadcast %eq3A_210 : i32 to vector<16xi32>
    %eq3A_212 = arith.cmpi eq, %iota3A, %eq3A_211 : vector<16xi32>
    %get3A_213 = arith.constant 5 : i32
    %get3A_214 = arith.index_cast %get3A_213 : i32 to index
    %get3A_215 = arith.constant 0 : index
    %get3A_216 = tpu.vector_load %arg14[%get3A_214, %get3A_215] {strides = array<i32>} : memref<8x16xf32, #tpu.memory_space<vmem>>, vector<16xf32>,
    %broadcast_in_dim3A_217 = arith.constant 1 : i32
    %broadcast_in_dim3A_218 = vector.broadcast %broadcast_in_dim3A_217 : i32 to vector<16xi32>
    %mul3A_219 = arith.constant 0 : i32
    %mul3A_220 = vector.broadcast %mul3A_219 : i32 to vector<16xi32>
    %mul3A_221 = arith.muli %broadcast_in_dim3A_218, %mul3A_220 : vector<16xi32>
    %lt3A_222 = arith.constant 0 : i32
    %lt3A_223 = vector.broadcast %lt3A_222 : i32 to vector<16xi32>
    %lt3A_224 = arith.cmpi slt, %mul3A_221, %lt3A_223 : vector<16xi32>
    %add3A_225 = arith.constant 16 : i32
    %add3A_226 = vector.broadcast %add3A_225 : i32 to vector<16xi32>
    %add3A_227 = arith.addi %mul3A_221, %add3A_226 : vector<16xi32>
    %select_n3A_228 = arith.select %lt3A_224, %add3A_227, %mul3A_221 : vector<16xi1>, vector<16xi32>
    %broadcast_in_dim3A_229 = vector.shape_cast %select_n3A_228 : vector<16xi32> to vector<16x1xi32>
    %gather3A_230 = vector.shape_cast %broadcast_in_dim3A_229 : vector<16x1xi32> to vector<16xi32>
    %gather3A_231 = tpu.dynamic_gather %get3A_216[%gather3A_230] in [0] : vector<16xf32>, vector<16xi32> -> vector<16xf32>
    %select_n3A_232 = arith.select %eq3A_212, %gather3A_231, %select_n3A_209 : vector<16xi1>, vector<16xf32>
    %eq3A_233 = arith.constant 6 : i32
    %eq3A_234 = vector.broadcast %eq3A_233 : i32 to vector<16xi32>
    %eq3A_235 = arith.cmpi eq, %iota3A, %eq3A_234 : vector<16xi32>
    %get3A_236 = arith.constant 6 : i32
    %get3A_237 = arith.index_cast %get3A_236 : i32 to index
    %get3A_238 = arith.constant 0 : index
    %get3A_239 = tpu.vector_load %arg14[%get3A_237, %get3A_238] {strides = array<i32>} : memref<8x16xf32, #tpu.memory_space<vmem>>, vector<16xf32>,
    %broadcast_in_dim3A_240 = arith.constant 1 : i32
    %broadcast_in_dim3A_241 = vector.broadcast %broadcast_in_dim3A_240 : i32 to vector<16xi32>
    %mul3A_242 = arith.constant 0 : i32
    %mul3A_243 = vector.broadcast %mul3A_242 : i32 to vector<16xi32>
    %mul3A_244 = arith.muli %broadcast_in_dim3A_241, %mul3A_243 : vector<16xi32>
    %lt3A_245 = arith.constant 0 : i32
    %lt3A_246 = vector.broadcast %lt3A_245 : i32 to vector<16xi32>
    %lt3A_247 = arith.cmpi slt, %mul3A_244, %lt3A_246 : vector<16xi32>
    %add3A_248 = arith.constant 16 : i32
    %add3A_249 = vector.broadcast %add3A_248 : i32 to vector<16xi32>
    %add3A_250 = arith.addi %mul3A_244, %add3A_249 : vector<16xi32>
    %select_n3A_251 = arith.select %lt3A_247, %add3A_250, %mul3A_244 : vector<16xi1>, vector<16xi32>
    %broadcast_in_dim3A_252 = vector.shape_cast %select_n3A_251 : vector<16xi32> to vector<16x1xi32>
    %gather3A_253 = vector.shape_cast %broadcast_in_dim3A_252 : vector<16x1xi32> to vector<16xi32>
    %gather3A_254 = tpu.dynamic_gather %get3A_239[%gather3A_253] in [0] : vector<16xf32>, vector<16xi32> -> vector<16xf32>
    %select_n3A_255 = arith.select %eq3A_235, %gather3A_254, %select_n3A_232 : vector<16xi1>, vector<16xf32>
    %eq3A_256 = arith.constant 7 : i32
    %eq3A_257 = vector.broadcast %eq3A_256 : i32 to vector<16xi32>
    %eq3A_258 = arith.cmpi eq, %iota3A, %eq3A_257 : vector<16xi32>
    %get3A_259 = arith.constant 7 : i32
    %get3A_260 = arith.index_cast %get3A_259 : i32 to index
    %get3A_261 = arith.constant 0 : index
    %get3A_262 = tpu.vector_load %arg14[%get3A_260, %get3A_261] {strides = array<i32>} : memref<8x16xf32, #tpu.memory_space<vmem>>, vector<16xf32>,
    %broadcast_in_dim3A_263 = arith.constant 1 : i32
    %broadcast_in_dim3A_264 = vector.broadcast %broadcast_in_dim3A_263 : i32 to vector<16xi32>
    %mul3A_265 = arith.constant 0 : i32
    %mul3A_266 = vector.broadcast %mul3A_265 : i32 to vector<16xi32>
    %mul3A_267 = arith.muli %broadcast_in_dim3A_264, %mul3A_266 : vector<16xi32>
    %lt3A_268 = arith.constant 0 : i32
    %lt3A_269 = vector.broadcast %lt3A_268 : i32 to vector<16xi32>
    %lt3A_270 = arith.cmpi slt, %mul3A_267, %lt3A_269 : vector<16xi32>
    %add3A_271 = arith.constant 16 : i32
    %add3A_272 = vector.broadcast %add3A_271 : i32 to vector<16xi32>
    %add3A_273 = arith.addi %mul3A_267, %add3A_272 : vector<16xi32>
    %select_n3A_274 = arith.select %lt3A_270, %add3A_273, %mul3A_267 : vector<16xi1>, vector<16xi32>
    %broadcast_in_dim3A_275 = vector.shape_cast %select_n3A_274 : vector<16xi32> to vector<16x1xi32>
    %gather3A_276 = vector.shape_cast %broadcast_in_dim3A_275 : vector<16x1xi32> to vector<16xi32>
    %gather3A_277 = tpu.dynamic_gather %get3A_262[%gather3A_276] in [0] : vector<16xf32>, vector<16xi32> -> vector<16xf32>
    %select_n3A_278 = arith.select %eq3A_258, %gather3A_277, %select_n3A_255 : vector<16xi1>, vector<16xf32>
    %convert_element_type3A_279 = arith.fptosi %select_n3A_278 : vector<16xf32> to vector<16xi32>
    %broadcast_in_dim3A_280 = arith.constant true
    %broadcast_in_dim3A_281 = vector.broadcast %broadcast_in_dim3A_280 : i1 to vector<16xi1>
    %masked_cumsum3A = tpu.scan <sum>, %convert_element_type3A_279 masked %broadcast_in_dim3A_281 : vector<16xi32>, vector<16xi1> -> vector<16xi32>
    %sub3A_282 = arith.subi %masked_cumsum3A, %convert_element_type3A_279 : vector<16xi32>
    %convert_element_type3A_283 = arith.sitofp %sub3A_282 : vector<16xi32> to vector<16xf32>
    %scan3A = arith.constant 0 : i32
    %scan3A_284 = arith.constant 0 : i32
    %scan3A_285 = arith.constant 8 : i32
    %scan3A_286 = arith.addi %scan3A_284, %scan3A_285 : i32
    %scan3A_287 = arith.constant 1 : i32
    %scan3A_288 = scf.for %scan3A_957 = %scan3A_284 to %scan3A_286 step %scan3A_287 iter_args(%scan3A_958 = %scan3A) -> (i32)  : i32 {
      %broadcast_in_dim3A_959 = arith.constant 1 : i32
      %broadcast_in_dim3A_960 = vector.broadcast %broadcast_in_dim3A_959 : i32 to vector<16xi32>
      %mul3A_961 = vector.broadcast %scan3A_957 : i32 to vector<16xi32>
      %mul3A_962 = arith.muli %broadcast_in_dim3A_960, %mul3A_961 : vector<16xi32>
      %lt3A_963 = arith.constant 0 : i32
      %lt3A_964 = vector.broadcast %lt3A_963 : i32 to vector<16xi32>
      %lt3A_965 = arith.cmpi slt, %mul3A_962, %lt3A_964 : vector<16xi32>
      %add3A_966 = arith.constant 16 : i32
      %add3A_967 = vector.broadcast %add3A_966 : i32 to vector<16xi32>
      %add3A_968 = arith.addi %mul3A_962, %add3A_967 : vector<16xi32>
      %select_n3A_969 = arith.select %lt3A_965, %add3A_968, %mul3A_962 : vector<16xi1>, vector<16xi32>
      %broadcast_in_dim3A_970 = vector.shape_cast %select_n3A_969 : vector<16xi32> to vector<16x1xi32>
      %gather3A_971 = vector.shape_cast %broadcast_in_dim3A_970 : vector<16x1xi32> to vector<16xi32>
      %gather3A_972 = tpu.dynamic_gather %convert_element_type3A_283[%gather3A_971] in [0] : vector<16xf32>, vector<16xi32> -> vector<16xf32>
      %reduce_max3A = arith.constant true
      %reduce_max3A_973 = vector.broadcast %reduce_max3A : i1 to vector<16xi1>
      %reduce_max3A_974 = tpu.scan <max>, %gather3A_972 masked %reduce_max3A_973 : vector<16xf32>, vector<16xi1> -> vector<16xf32>
      %reduce_max3A_975 = vector.extract %reduce_max3A_974[15] : f32 from vector<16xf32>
      %convert_element_type3A_976 = arith.fptosi %reduce_max3A_975 : f32 to i32
      %broadcast_in_dim3A_977 = arith.constant 1 : i32
      %broadcast_in_dim3A_978 = vector.broadcast %broadcast_in_dim3A_977 : i32 to vector<16xi32>
      %mul3A_979 = vector.broadcast %scan3A_957 : i32 to vector<16xi32>
      %mul3A_980 = arith.muli %broadcast_in_dim3A_978, %mul3A_979 : vector<16xi32>
      %lt3A_981 = arith.constant 0 : i32
      %lt3A_982 = vector.broadcast %lt3A_981 : i32 to vector<16xi32>
      %lt3A_983 = arith.cmpi slt, %mul3A_980, %lt3A_982 : vector<16xi32>
      %add3A_984 = arith.constant 16 : i32
      %add3A_985 = vector.broadcast %add3A_984 : i32 to vector<16xi32>
      %add3A_986 = arith.addi %mul3A_980, %add3A_985 : vector<16xi32>
      %select_n3A_987 = arith.select %lt3A_983, %add3A_986, %mul3A_980 : vector<16xi1>, vector<16xi32>
      %broadcast_in_dim3A_988 = vector.shape_cast %select_n3A_987 : vector<16xi32> to vector<16x1xi32>
      %gather3A_989 = vector.shape_cast %broadcast_in_dim3A_988 : vector<16x1xi32> to vector<16xi32>
      %gather3A_990 = tpu.dynamic_gather %select_n3A_278[%gather3A_989] in [0] : vector<16xf32>, vector<16xi32> -> vector<16xf32>
      %reduce_max3A_991 = arith.constant true
      %reduce_max3A_992 = vector.broadcast %reduce_max3A_991 : i1 to vector<16xi1>
      %reduce_max3A_993 = tpu.scan <max>, %gather3A_990 masked %reduce_max3A_992 : vector<16xf32>, vector<16xi1> -> vector<16xf32>
      %reduce_max3A_994 = vector.extract %reduce_max3A_993[15] : f32 from vector<16xf32>
      %convert_element_type3A_995 = arith.fptosi %reduce_max3A_994 : f32 to i32
      %lt3A_996 = arith.constant 2048 : i32
      %lt3A_997 = arith.cmpi slt, %scan3A_958, %lt3A_996 : i32
      %add3A_998 = arith.addi %convert_element_type3A_976, %convert_element_type3A_995 : i32
      %gt3A_999 = arith.cmpi sgt, %add3A_998, %mul3A_32 : i32
      %and3A_1000 = arith.andi %lt3A_997, %gt3A_999 : i1
      %convert_element_type3A_1001 = arith.extui %and3A_1000 : i1 to i32
      %cond3A_1002 = arith.constant 0 : i32
      %cond3A_1003 = arith.cmpi ne, %convert_element_type3A_1001, %cond3A_1002 : i32
      %cond3A_1004 = scf.if %cond3A_1003 -> (i32) {
        %mul3A_1005 = arith.constant 512 : i32
        %mul3A_1006 = arith.muli %scan3A_957, %mul3A_1005 : i32
        %add3A_1007 = arith.constant 1 : i32
        %add3A_1008 = arith.addi %scan3A_957, %add3A_1007 : i32
        %mul3A_1009 = arith.constant 512 : i32
        %mul3A_1010 = arith.muli %add3A_1008, %mul3A_1009 : i32
        %while3A_1011 = arith.subi %mul3A_1010, %mul3A_1006 : i32
        %while3A_1012 = arith.addi %mul3A_1006, %while3A_1011 : i32
        %while3A_1013 = arith.constant 1 : i32
        %while3A_1014 = arith.divsi %while3A_1011, %while3A_1013 : i32
        %while3A_1015 = arith.muli %while3A_1014, %while3A_1013 : i32
        %while3A_1016 = arith.addi %mul3A_1006, %while3A_1015 : i32
        %while3A_1017 = arith.constant 1 : i32
        %while3A_1018:2 = scf.for %while3A_1021 = %mul3A_1006 to %while3A_1016 step %while3A_1017 iter_args(%while3A_1022 = %convert_element_type3A_976, %while3A_1023 = %scan3A_958) -> (i32, i32)  : i32 {
          %mul3A_1024 = arith.constant 16 : i32
          %mul3A_1025 = arith.muli %while3A_1021, %mul3A_1024 : i32
          %get3A_1026 = arith.index_cast %mul3A_1025 : i32 to index
          %get3A_1027 = tpu.vector_load %arg7[%get3A_1026] {strides = array<i32>} : memref<65536xf32, #tpu.memory_space<vmem>>, vector<16xf32>,
          %eq3A_1028 = vector.broadcast %convert_element_type3A : f32 to vector<16xf32>
          %eq3A_1029 = arith.cmpf oeq, %get3A_1027, %eq3A_1028 : vector<16xf32>
          %jit3A_1030 = arith.constant 1 : i32
          %jit3A_1031 = arith.constant 0 : i32
          %broadcast_in_dim3A_1032 = vector.broadcast %jit3A_1030 : i32 to vector<16xi32>
          %broadcast_in_dim3A_1033 = vector.broadcast %jit3A_1031 : i32 to vector<16xi32>
          %select_n3A_1034 = arith.select %eq3A_1029, %broadcast_in_dim3A_1032, %broadcast_in_dim3A_1033 : vector<16xi1>, vector<16xi32>
          %broadcast_in_dim3A_1035 = arith.constant true
          %broadcast_in_dim3A_1036 = vector.broadcast %broadcast_in_dim3A_1035 : i1 to vector<16xi1>
          %masked_cumsum3A_1037 = tpu.scan <sum>, %select_n3A_1034 masked %broadcast_in_dim3A_1036 : vector<16xi32>, vector<16xi1> -> vector<16xi32>
          %sub3A_1038 = arith.constant 1 : i32
          %sub3A_1039 = arith.subi %while3A_1022, %sub3A_1038 : i32
          %add3A_1040 = vector.broadcast %sub3A_1039 : i32 to vector<16xi32>
          %add3A_1041 = arith.addi %masked_cumsum3A_1037, %add3A_1040 : vector<16xi32>
          %ge3A = vector.broadcast %mul3A_32 : i32 to vector<16xi32>
          %ge3A_1042 = arith.cmpi sge, %add3A_1041, %ge3A : vector<16xi32>
          %add3A_1043 = arith.constant 2048 : i32
          %add3A_1044 = arith.addi %mul3A_32, %add3A_1043 : i32
          %lt3A_1045 = vector.broadcast %add3A_1044 : i32 to vector<16xi32>
          %lt3A_1046 = arith.cmpi slt, %add3A_1041, %lt3A_1045 : vector<16xi32>
          %and3A_1047 = arith.andi %ge3A_1042, %lt3A_1046 : vector<16xi1>
          %and3A_1048 = arith.andi %eq3A_1029, %and3A_1047 : vector<16xi1>
          %mul3A_1049 = arith.constant 16 : i32
          %mul3A_1050 = arith.muli %while3A_1021, %mul3A_1049 : i32
          %add3A_1051 = vector.broadcast %mul3A_1050 : i32 to vector<16xi32>
          %add3A_1052 = arith.addi %iota3A, %add3A_1051 : vector<16xi32>
          %swap3A_1053 = arith.index_cast %while3A_1023 : i32 to index
          %swap3A_1054 = tpu.vector_load %arg8[%swap3A_1053] masked %and3A_1048 {strides = array<i32>} : memref<2064xi32, #tpu.memory_space<vmem>>, vector<16xi32>, vector<16xi1>
          tpu.vector_store %arg8[%swap3A_1053], %add3A_1052 masked %and3A_1048 {strides = array<i32>} : memref<2064xi32, #tpu.memory_space<vmem>>, vector<16xi32>, vector<16xi1>
          %reduce_sum3A_1055 = arith.constant true
          %reduce_sum3A_1056 = vector.broadcast %reduce_sum3A_1055 : i1 to vector<16xi1>
          %reduce_sum3A_1057 = tpu.scan <sum>, %select_n3A_1034 masked %reduce_sum3A_1056 : vector<16xi32>, vector<16xi1> -> vector<16xi32>
          %reduce_sum3A_1058 = vector.extract %reduce_sum3A_1057[15] : i32 from vector<16xi32>
          %add3A_1059 = arith.addi %while3A_1022, %reduce_sum3A_1058 : i32
          %jit3A_1060 = arith.constant 1 : i32
          %jit3A_1061 = arith.constant 0 : i32
          %broadcast_in_dim3A_1062 = vector.broadcast %jit3A_1060 : i32 to vector<16xi32>
          %broadcast_in_dim3A_1063 = vector.broadcast %jit3A_1061 : i32 to vector<16xi32>
          %select_n3A_1064 = arith.select %and3A_1048, %broadcast_in_dim3A_1062, %broadcast_in_dim3A_1063 : vector<16xi1>, vector<16xi32>
          %reduce_sum3A_1065 = arith.constant true
          %reduce_sum3A_1066 = vector.broadcast %reduce_sum3A_1065 : i1 to vector<16xi1>
          %reduce_sum3A_1067 = tpu.scan <sum>, %select_n3A_1064 masked %reduce_sum3A_1066 : vector<16xi32>, vector<16xi1> -> vector<16xi32>
          %reduce_sum3A_1068 = vector.extract %reduce_sum3A_1067[15] : i32 from vector<16xi32>
          %add3A_1069 = arith.addi %while3A_1023, %reduce_sum3A_1068 : i32
          scf.yield %add3A_1059, %add3A_1069 : i32, i32
        }
        %while3A_1019 = arith.constant 1 : i32
        %while3A_1020:2 = scf.for %while3A_1021 = %while3A_1016 to %while3A_1012 step %while3A_1019 iter_args(%while3A_1022 = %while3A_1018#0, %while3A_1023 = %while3A_1018#1) -> (i32, i32)  : i32 {
          %mul3A_1024 = arith.constant 16 : i32
          %mul3A_1025 = arith.muli %while3A_1021, %mul3A_1024 : i32
          %get3A_1026 = arith.index_cast %mul3A_1025 : i32 to index
          %get3A_1027 = tpu.vector_load %arg7[%get3A_1026] {strides = array<i32>} : memref<65536xf32, #tpu.memory_space<vmem>>, vector<16xf32>,
          %eq3A_1028 = vector.broadcast %convert_element_type3A : f32 to vector<16xf32>
          %eq3A_1029 = arith.cmpf oeq, %get3A_1027, %eq3A_1028 : vector<16xf32>
          %jit3A_1030 = arith.constant 1 : i32
          %jit3A_1031 = arith.constant 0 : i32
          %broadcast_in_dim3A_1032 = vector.broadcast %jit3A_1030 : i32 to vector<16xi32>
          %broadcast_in_dim3A_1033 = vector.broadcast %jit3A_1031 : i32 to vector<16xi32>
          %select_n3A_1034 = arith.select %eq3A_1029, %broadcast_in_dim3A_1032, %broadcast_in_dim3A_1033 : vector<16xi1>, vector<16xi32>
          %broadcast_in_dim3A_1035 = arith.constant true
          %broadcast_in_dim3A_1036 = vector.broadcast %broadcast_in_dim3A_1035 : i1 to vector<16xi1>
          %masked_cumsum3A_1037 = tpu.scan <sum>, %select_n3A_1034 masked %broadcast_in_dim3A_1036 : vector<16xi32>, vector<16xi1> -> vector<16xi32>
          %sub3A_1038 = arith.constant 1 : i32
          %sub3A_1039 = arith.subi %while3A_1022, %sub3A_1038 : i32
          %add3A_1040 = vector.broadcast %sub3A_1039 : i32 to vector<16xi32>
          %add3A_1041 = arith.addi %masked_cumsum3A_1037, %add3A_1040 : vector<16xi32>
          %ge3A = vector.broadcast %mul3A_32 : i32 to vector<16xi32>
          %ge3A_1042 = arith.cmpi sge, %add3A_1041, %ge3A : vector<16xi32>
          %add3A_1043 = arith.constant 2048 : i32
          %add3A_1044 = arith.addi %mul3A_32, %add3A_1043 : i32
          %lt3A_1045 = vector.broadcast %add3A_1044 : i32 to vector<16xi32>
          %lt3A_1046 = arith.cmpi slt, %add3A_1041, %lt3A_1045 : vector<16xi32>
          %and3A_1047 = arith.andi %ge3A_1042, %lt3A_1046 : vector<16xi1>
          %and3A_1048 = arith.andi %eq3A_1029, %and3A_1047 : vector<16xi1>
          %mul3A_1049 = arith.constant 16 : i32
          %mul3A_1050 = arith.muli %while3A_1021, %mul3A_1049 : i32
          %add3A_1051 = vector.broadcast %mul3A_1050 : i32 to vector<16xi32>
          %add3A_1052 = arith.addi %iota3A, %add3A_1051 : vector<16xi32>
          %swap3A_1053 = arith.index_cast %while3A_1023 : i32 to index
          %swap3A_1054 = tpu.vector_load %arg8[%swap3A_1053] masked %and3A_1048 {strides = array<i32>} : memref<2064xi32, #tpu.memory_space<vmem>>, vector<16xi32>, vector<16xi1>
          tpu.vector_store %arg8[%swap3A_1053], %add3A_1052 masked %and3A_1048 {strides = array<i32>} : memref<2064xi32, #tpu.memory_space<vmem>>, vector<16xi32>, vector<16xi1>
          %reduce_sum3A_1055 = arith.constant true
          %reduce_sum3A_1056 = vector.broadcast %reduce_sum3A_1055 : i1 to vector<16xi1>
          %reduce_sum3A_1057 = tpu.scan <sum>, %select_n3A_1034 masked %reduce_sum3A_1056 : vector<16xi32>, vector<16xi1> -> vector<16xi32>
          %reduce_sum3A_1058 = vector.extract %reduce_sum3A_1057[15] : i32 from vector<16xi32>
          %add3A_1059 = arith.addi %while3A_1022, %reduce_sum3A_1058 : i32
          %jit3A_1060 = arith.constant 1 : i32
          %jit3A_1061 = arith.constant 0 : i32
          %broadcast_in_dim3A_1062 = vector.broadcast %jit3A_1060 : i32 to vector<16xi32>
          %broadcast_in_dim3A_1063 = vector.broadcast %jit3A_1061 : i32 to vector<16xi32>
          %select_n3A_1064 = arith.select %and3A_1048, %broadcast_in_dim3A_1062, %broadcast_in_dim3A_1063 : vector<16xi1>, vector<16xi32>
          %reduce_sum3A_1065 = arith.constant true
          %reduce_sum3A_1066 = vector.broadcast %reduce_sum3A_1065 : i1 to vector<16xi1>
          %reduce_sum3A_1067 = tpu.scan <sum>, %select_n3A_1064 masked %reduce_sum3A_1066 : vector<16xi32>, vector<16xi1> -> vector<16xi32>
          %reduce_sum3A_1068 = vector.extract %reduce_sum3A_1067[15] : i32 from vector<16xi32>
          %add3A_1069 = arith.addi %while3A_1023, %reduce_sum3A_1068 : i32
          scf.yield %add3A_1059, %add3A_1069 : i32, i32
        }
        scf.yield %while3A_1020#1 : i32
      } else {
        scf.yield %scan3A_958 : i32
      }
      scf.yield %cond3A_1004 : i32
    }
    %scan3A_289 = arith.constant 8 : i32
    "tpu.region"() ({
      %run_scoped3A_957 = tpu.sem_alloc : memref<!tpu.dma_semaphore, #tpu.memory_space<semaphore_mem>>
      %dma_start3A = arith.constant 0 : i32
      %dma_start3A_958 = tpu.memref_slice %arg3[%dma_start3A] : memref<65536xf32, #tpu.memory_space<hbm>> -> memref<65536xf32, #tpu.memory_space<hbm>>
      tpu.enqueue_indirect_dma source(%dma_start3A_958 : memref<65536xf32, #tpu.memory_space<hbm>>) target(%arg9 : memref<2064xf32, #tpu.memory_space<vmem>>) offsets(%arg8 : memref<2064xi32, #tpu.memory_space<vmem>>) semaphore(%run_scoped3A_957 : memref<!tpu.dma_semaphore, #tpu.memory_space<semaphore_mem>>)
      %dma_wait3A = arith.constant 0 : i32
      %dma_wait3A_959 = tpu.memref_slice %arg3[%dma_wait3A] : memref<65536xf32, #tpu.memory_space<hbm>> -> memref<65536xf32, #tpu.memory_space<hbm>>
      tpu.wait_indirect_dma semaphore(%run_scoped3A_957 : memref<!tpu.dma_semaphore, #tpu.memory_space<semaphore_mem>>) src(%dma_wait3A_959 : memref<65536xf32, #tpu.memory_space<hbm>>) dst(%arg9 : memref<2064xf32, #tpu.memory_space<vmem>>)
      tpu.yield
    }) : () -> ()
    "tpu.region"() ({
      %run_scoped3A_957 = tpu.sem_alloc : memref<!tpu.dma_semaphore, #tpu.memory_space<semaphore_mem>>
      %dma_start3A = arith.constant 0 : i32
      %dma_start3A_958 = tpu.memref_slice %arg4[%dma_start3A] : memref<65536xf32, #tpu.memory_space<hbm>> -> memref<65536xf32, #tpu.memory_space<hbm>>
      tpu.enqueue_indirect_dma source(%dma_start3A_958 : memref<65536xf32, #tpu.memory_space<hbm>>) target(%arg10 : memref<2064xf32, #tpu.memory_space<vmem>>) offsets(%arg8 : memref<2064xi32, #tpu.memory_space<vmem>>) semaphore(%run_scoped3A_957 : memref<!tpu.dma_semaphore, #tpu.memory_space<semaphore_mem>>)
      %dma_wait3A = arith.constant 0 : i32
      %dma_wait3A_959 = tpu.memref_slice %arg4[%dma_wait3A] : memref<65536xf32, #tpu.memory_space<hbm>> -> memref<65536xf32, #tpu.memory_space<hbm>>
      tpu.wait_indirect_dma semaphore(%run_scoped3A_957 : memref<!tpu.dma_semaphore, #tpu.memory_space<semaphore_mem>>) src(%dma_wait3A_959 : memref<65536xf32, #tpu.memory_space<hbm>>) dst(%arg10 : memref<2064xf32, #tpu.memory_space<vmem>>)
      tpu.yield
    }) : () -> ()
    "tpu.region"() ({
      %run_scoped3A_957 = tpu.sem_alloc : memref<!tpu.dma_semaphore, #tpu.memory_space<semaphore_mem>>
      %dma_start3A = arith.constant 0 : i32
      %dma_start3A_958 = tpu.memref_slice %arg5[%dma_start3A] : memref<65536xf32, #tpu.memory_space<hbm>> -> memref<65536xf32, #tpu.memory_space<hbm>>
      tpu.enqueue_indirect_dma source(%dma_start3A_958 : memref<65536xf32, #tpu.memory_space<hbm>>) target(%arg11 : memref<2064xf32, #tpu.memory_space<vmem>>) offsets(%arg8 : memref<2064xi32, #tpu.memory_space<vmem>>) semaphore(%run_scoped3A_957 : memref<!tpu.dma_semaphore, #tpu.memory_space<semaphore_mem>>)
      %dma_wait3A = arith.constant 0 : i32
      %dma_wait3A_959 = tpu.memref_slice %arg5[%dma_wait3A] : memref<65536xf32, #tpu.memory_space<hbm>> -> memref<65536xf32, #tpu.memory_space<hbm>>
      tpu.wait_indirect_dma semaphore(%run_scoped3A_957 : memref<!tpu.dma_semaphore, #tpu.memory_space<semaphore_mem>>) src(%dma_wait3A_959 : memref<65536xf32, #tpu.memory_space<hbm>>) dst(%arg11 : memref<2064xf32, #tpu.memory_space<vmem>>)
      tpu.yield
    }) : () -> ()
    %scan3A_290 = arith.constant 0 : i32
    %scan3A_291 = arith.constant 0 : i32
    %scan3A_292 = arith.constant 128 : i32
    %scan3A_293 = arith.addi %scan3A_291, %scan3A_292 : i32
    %scan3A_294 = arith.constant 1 : i32
    %scan3A_295 = scf.for %scan3A_957 = %scan3A_291 to %scan3A_293 step %scan3A_294 iter_args(%scan3A_958 = %scan3A_290) -> (i32)  : i32 {
      %broadcast_in_dim3A_959 = arith.constant 1.000000e+10 : f32
      %broadcast_in_dim3A_960 = vector.broadcast %broadcast_in_dim3A_959 : f32 to vector<16xf32>
      %mul3A_961 = arith.constant 16 : i32
      %mul3A_962 = arith.muli %scan3A_957, %mul3A_961 : i32
      %swap3A_963 = arith.index_cast %mul3A_962 : i32 to index
      %swap3A_964 = tpu.vector_load %arg12[%swap3A_963] {strides = array<i32>} : memref<2048xf32, #tpu.memory_space<vmem>>, vector<16xf32>,
      tpu.vector_store %arg12[%swap3A_963], %broadcast_in_dim3A_960 {strides = array<i32>} : memref<2048xf32, #tpu.memory_space<vmem>>, vector<16xf32>,
      %scan3A_965 = arith.constant 0 : i32
      scf.yield %scan3A_965 : i32
    }
    %scan3A_296 = arith.constant 128 : i32
    %eq3A_297 = arith.constant 0 : i32
    %eq3A_298 = arith.cmpi eq, %select_n3A_30, %eq3A_297 : i32
    %jit3A_299 = arith.constant 0.000000e+00 : f32
    %jit3A_300 = arith.constant -1.000000e+00 : f32
    %select_n3A_301 = arith.select %eq3A_298, %jit3A_299, %jit3A_300 : f32
    %get3A_302 = arith.constant 0 : index
    %get3A_303 = tpu.vector_load %arg8[%get3A_302] {strides = array<i32>} : memref<2064xi32, #tpu.memory_space<vmem>>, vector<16xi32>,
    %convert_element_type3A_304 = arith.sitofp %get3A_303 : vector<16xi32> to vector<16xf32>
    %broadcast_in_dim3A_305 = arith.constant 1 : i32
    %broadcast_in_dim3A_306 = vector.broadcast %broadcast_in_dim3A_305 : i32 to vector<16xi32>
    %mul3A_307 = arith.constant 0 : i32
    %mul3A_308 = vector.broadcast %mul3A_307 : i32 to vector<16xi32>
    %mul3A_309 = arith.muli %broadcast_in_dim3A_306, %mul3A_308 : vector<16xi32>
    %lt3A_310 = arith.constant 0 : i32
    %lt3A_311 = vector.broadcast %lt3A_310 : i32 to vector<16xi32>
    %lt3A_312 = arith.cmpi slt, %mul3A_309, %lt3A_311 : vector<16xi32>
    %add3A_313 = arith.constant 16 : i32
    %add3A_314 = vector.broadcast %add3A_313 : i32 to vector<16xi32>
    %add3A_315 = arith.addi %mul3A_309, %add3A_314 : vector<16xi32>
    %select_n3A_316 = arith.select %lt3A_312, %add3A_315, %mul3A_309 : vector<16xi1>, vector<16xi32>
    %broadcast_in_dim3A_317 = vector.shape_cast %select_n3A_316 : vector<16xi32> to vector<16x1xi32>
    %gather3A_318 = vector.shape_cast %broadcast_in_dim3A_317 : vector<16x1xi32> to vector<16xi32>
    %gather3A_319 = tpu.dynamic_gather %convert_element_type3A_304[%gather3A_318] in [0] : vector<16xf32>, vector<16xi32> -> vector<16xf32>
    %get3A_320 = arith.constant 0 : index
    %get3A_321 = tpu.vector_load %arg9[%get3A_320] {strides = array<i32>} : memref<2064xf32, #tpu.memory_space<vmem>>, vector<16xf32>,
    %broadcast_in_dim3A_322 = arith.constant 1 : i32
    %broadcast_in_dim3A_323 = vector.broadcast %broadcast_in_dim3A_322 : i32 to vector<16xi32>
    %mul3A_324 = arith.constant 0 : i32
    %mul3A_325 = vector.broadcast %mul3A_324 : i32 to vector<16xi32>
    %mul3A_326 = arith.muli %broadcast_in_dim3A_323, %mul3A_325 : vector<16xi32>
    %lt3A_327 = arith.constant 0 : i32
    %lt3A_328 = vector.broadcast %lt3A_327 : i32 to vector<16xi32>
    %lt3A_329 = arith.cmpi slt, %mul3A_326, %lt3A_328 : vector<16xi32>
    %add3A_330 = arith.constant 16 : i32
    %add3A_331 = vector.broadcast %add3A_330 : i32 to vector<16xi32>
    %add3A_332 = arith.addi %mul3A_326, %add3A_331 : vector<16xi32>
    %select_n3A_333 = arith.select %lt3A_329, %add3A_332, %mul3A_326 : vector<16xi1>, vector<16xi32>
    %broadcast_in_dim3A_334 = vector.shape_cast %select_n3A_333 : vector<16xi32> to vector<16x1xi32>
    %gather3A_335 = vector.shape_cast %broadcast_in_dim3A_334 : vector<16x1xi32> to vector<16xi32>
    %gather3A_336 = tpu.dynamic_gather %get3A_321[%gather3A_335] in [0] : vector<16xf32>, vector<16xi32> -> vector<16xf32>
    %get3A_337 = arith.constant 0 : index
    %get3A_338 = tpu.vector_load %arg10[%get3A_337] {strides = array<i32>} : memref<2064xf32, #tpu.memory_space<vmem>>, vector<16xf32>,
    %broadcast_in_dim3A_339 = arith.constant 1 : i32
    %broadcast_in_dim3A_340 = vector.broadcast %broadcast_in_dim3A_339 : i32 to vector<16xi32>
    %mul3A_341 = arith.constant 0 : i32
    %mul3A_342 = vector.broadcast %mul3A_341 : i32 to vector<16xi32>
    %mul3A_343 = arith.muli %broadcast_in_dim3A_340, %mul3A_342 : vector<16xi32>
    %lt3A_344 = arith.constant 0 : i32
    %lt3A_345 = vector.broadcast %lt3A_344 : i32 to vector<16xi32>
    %lt3A_346 = arith.cmpi slt, %mul3A_343, %lt3A_345 : vector<16xi32>
    %add3A_347 = arith.constant 16 : i32
    %add3A_348 = vector.broadcast %add3A_347 : i32 to vector<16xi32>
    %add3A_349 = arith.addi %mul3A_343, %add3A_348 : vector<16xi32>
    %select_n3A_350 = arith.select %lt3A_346, %add3A_349, %mul3A_343 : vector<16xi1>, vector<16xi32>
    %broadcast_in_dim3A_351 = vector.shape_cast %select_n3A_350 : vector<16xi32> to vector<16x1xi32>
    %gather3A_352 = vector.shape_cast %broadcast_in_dim3A_351 : vector<16x1xi32> to vector<16xi32>
    %gather3A_353 = tpu.dynamic_gather %get3A_338[%gather3A_352] in [0] : vector<16xf32>, vector<16xi32> -> vector<16xf32>
    %get3A_354 = arith.constant 0 : index
    %get3A_355 = tpu.vector_load %arg11[%get3A_354] {strides = array<i32>} : memref<2064xf32, #tpu.memory_space<vmem>>, vector<16xf32>,
    %broadcast_in_dim3A_356 = arith.constant 1 : i32
    %broadcast_in_dim3A_357 = vector.broadcast %broadcast_in_dim3A_356 : i32 to vector<16xi32>
    %mul3A_358 = arith.constant 0 : i32
    %mul3A_359 = vector.broadcast %mul3A_358 : i32 to vector<16xi32>
    %mul3A_360 = arith.muli %broadcast_in_dim3A_357, %mul3A_359 : vector<16xi32>
    %lt3A_361 = arith.constant 0 : i32
    %lt3A_362 = vector.broadcast %lt3A_361 : i32 to vector<16xi32>
    %lt3A_363 = arith.cmpi slt, %mul3A_360, %lt3A_362 : vector<16xi32>
    %add3A_364 = arith.constant 16 : i32
    %add3A_365 = vector.broadcast %add3A_364 : i32 to vector<16xi32>
    %add3A_366 = arith.addi %mul3A_360, %add3A_365 : vector<16xi32>
    %select_n3A_367 = arith.select %lt3A_363, %add3A_366, %mul3A_360 : vector<16xi1>, vector<16xi32>
    %broadcast_in_dim3A_368 = vector.shape_cast %select_n3A_367 : vector<16xi32> to vector<16x1xi32>
    %gather3A_369 = vector.shape_cast %broadcast_in_dim3A_368 : vector<16x1xi32> to vector<16xi32>
    %gather3A_370 = tpu.dynamic_gather %get3A_355[%gather3A_369] in [0] : vector<16xf32>, vector<16xi32> -> vector<16xf32>
    %eq3A_371 = arith.constant 0 : i32
    %eq3A_372 = vector.broadcast %eq3A_371 : i32 to vector<16xi32>
    %eq3A_373 = arith.cmpi eq, %iota3A, %eq3A_372 : vector<16xi32>
    %eq3A_374 = arith.constant 1 : i32
    %eq3A_375 = vector.broadcast %eq3A_374 : i32 to vector<16xi32>
    %eq3A_376 = arith.cmpi eq, %iota3A, %eq3A_375 : vector<16xi32>
    %eq3A_377 = arith.constant 2 : i32
    %eq3A_378 = vector.broadcast %eq3A_377 : i32 to vector<16xi32>
    %eq3A_379 = arith.cmpi eq, %iota3A, %eq3A_378 : vector<16xi32>
    %eq3A_380 = arith.constant 3 : i32
    %eq3A_381 = vector.broadcast %eq3A_380 : i32 to vector<16xi32>
    %eq3A_382 = arith.cmpi eq, %iota3A, %eq3A_381 : vector<16xi32>
    %eq3A_383 = arith.constant 4 : i32
    %eq3A_384 = vector.broadcast %eq3A_383 : i32 to vector<16xi32>
    %eq3A_385 = arith.cmpi eq, %iota3A, %eq3A_384 : vector<16xi32>
    %eq3A_386 = arith.constant 5 : i32
    %eq3A_387 = vector.broadcast %eq3A_386 : i32 to vector<16xi32>
    %eq3A_388 = arith.cmpi eq, %iota3A, %eq3A_387 : vector<16xi32>
    %jit3A_389 = arith.constant 0.000000e+00 : f32
    %broadcast_in_dim3A_390 = vector.broadcast %jit3A_389 : f32 to vector<16xf32>
    %select_n3A_391 = arith.select %eq3A_388, %gather3A_370, %broadcast_in_dim3A_390 : vector<16xi1>, vector<16xf32>
    %select_n3A_392 = arith.select %eq3A_385, %gather3A_353, %select_n3A_391 : vector<16xi1>, vector<16xf32>
    %select_n3A_393 = arith.select %eq3A_382, %gather3A_336, %select_n3A_392 : vector<16xi1>, vector<16xf32>
    %select_n3A_394 = arith.select %eq3A_379, %gather3A_319, %select_n3A_393 : vector<16xi1>, vector<16xf32>
    %jit3A_395 = arith.constant 0.000000e+00 : f32
    %broadcast_in_dim3A_396 = vector.broadcast %jit3A_395 : f32 to vector<16xf32>
    %select_n3A_397 = arith.select %eq3A_376, %broadcast_in_dim3A_396, %select_n3A_394 : vector<16xi1>, vector<16xf32>
    %broadcast_in_dim3A_398 = vector.broadcast %select_n3A_301 : f32 to vector<16xf32>
    %select_n3A_399 = arith.select %eq3A_373, %broadcast_in_dim3A_398, %select_n3A_397 : vector<16xi1>, vector<16xf32>
    %swap3A_400 = arith.constant 0 : index
    %swap3A_401 = tpu.vector_load %arg13[%swap3A_400] {strides = array<i32>} : memref<16xf32, #tpu.memory_space<vmem>>, vector<16xf32>,
    tpu.vector_store %arg13[%swap3A_400], %select_n3A_399 {strides = array<i32>} : memref<16xf32, #tpu.memory_space<vmem>>, vector<16xf32>,
    %run_scoped3A_402 = arith.constant 1 : i32
    "tpu.region"() ({
      %run_scoped3A_957 = tpu.sem_alloc : memref<!tpu.dma_semaphore, #tpu.memory_space<semaphore_mem>>
      %dma_start3A = arith.constant 0 : i32
      %dma_start3A_958 = tpu.memref_slice %arg16[%run_scoped3A_402, %arg1, %dma_start3A] : memref<4x16x16xf32, #tpu.memory_space<vmem_shared>> -> memref<1x1x16xf32, #tpu.memory_space<vmem_shared>>
      %dma_start3A_959 = tpu.memref_squeeze %dma_start3A_958 : memref<1x1x16xf32, #tpu.memory_space<vmem_shared>> -> memref<16xf32, #tpu.memory_space<vmem_shared>>
      %dma_start3A_960 = arith.constant 0 : i32
      %dma_start3A_961 = tpu.memref_slice %arg16[%run_scoped3A_402, %arg1, %dma_start3A_960] : memref<4x16x16xf32, #tpu.memory_space<vmem_shared>> -> memref<1x1x16xf32, #tpu.memory_space<vmem_shared>>
      %dma_start3A_962 = tpu.memref_squeeze %dma_start3A_961 : memref<1x1x16xf32, #tpu.memory_space<vmem_shared>> -> memref<16xf32, #tpu.memory_space<vmem_shared>>
      tpu.enqueue_dma source(%arg13 : memref<16xf32, #tpu.memory_space<vmem>>) target(%dma_start3A_962 : memref<16xf32, #tpu.memory_space<vmem_shared>>) target_semaphore(%run_scoped3A_957 : memref<!tpu.dma_semaphore, #tpu.memory_space<semaphore_mem>>)
      %dma_wait3A = arith.constant 0 : i32
      %dma_wait3A_963 = tpu.memref_slice %arg16[%run_scoped3A_402, %arg1, %dma_wait3A] : memref<4x16x16xf32, #tpu.memory_space<vmem_shared>> -> memref<1x1x16xf32, #tpu.memory_space<vmem_shared>>
      %dma_wait3A_964 = tpu.memref_squeeze %dma_wait3A_963 : memref<1x1x16xf32, #tpu.memory_space<vmem_shared>> -> memref<16xf32, #tpu.memory_space<vmem_shared>>
      %dma_wait3A_965 = arith.constant 0 : i32
      %dma_wait3A_966 = tpu.memref_slice %arg16[%run_scoped3A_402, %arg1, %dma_wait3A_965] : memref<4x16x16xf32, #tpu.memory_space<vmem_shared>> -> memref<1x1x16xf32, #tpu.memory_space<vmem_shared>>
      %dma_wait3A_967 = tpu.memref_squeeze %dma_wait3A_966 : memref<1x1x16xf32, #tpu.memory_space<vmem_shared>> -> memref<16xf32, #tpu.memory_space<vmem_shared>>
      tpu.wait_dma2 semaphore(%run_scoped3A_957 : memref<!tpu.dma_semaphore, #tpu.memory_space<semaphore_mem>>) src(%arg13 : memref<16xf32, #tpu.memory_space<vmem>>) dst(%dma_wait3A_967 : memref<16xf32, #tpu.memory_space<vmem_shared>>)
      tpu.yield
    }) : () -> ()
    %barrier3A_403 = arith.constant 0 : index
    tpu.barrier barrier_id(%barrier3A_403)
    %run_scoped3A_404 = arith.constant 1 : i32
    "tpu.region"() ({
      %run_scoped3A_957 = tpu.sem_alloc : memref<!tpu.dma_semaphore, #tpu.memory_space<semaphore_mem>>
      %dma_start3A = arith.constant 0 : i32
      %dma_start3A_958 = tpu.memref_slice %arg16[%run_scoped3A_404, %mul3A_58, %dma_start3A] : memref<4x16x16xf32, #tpu.memory_space<vmem_shared>> -> memref<1x8x16xf32, #tpu.memory_space<vmem_shared>>
      %dma_start3A_959 = tpu.memref_squeeze %dma_start3A_958 : memref<1x8x16xf32, #tpu.memory_space<vmem_shared>> -> memref<8x16xf32, #tpu.memory_space<vmem_shared>>
      %dma_start3A_960 = arith.constant 0 : i32
      %dma_start3A_961 = tpu.memref_slice %arg16[%run_scoped3A_404, %mul3A_58, %dma_start3A_960] : memref<4x16x16xf32, #tpu.memory_space<vmem_shared>> -> memref<1x8x16xf32, #tpu.memory_space<vmem_shared>>
      %dma_start3A_962 = tpu.memref_squeeze %dma_start3A_961 : memref<1x8x16xf32, #tpu.memory_space<vmem_shared>> -> memref<8x16xf32, #tpu.memory_space<vmem_shared>>
      tpu.enqueue_dma source(%dma_start3A_962 : memref<8x16xf32, #tpu.memory_space<vmem_shared>>) target(%arg14 : memref<8x16xf32, #tpu.memory_space<vmem>>) target_semaphore(%run_scoped3A_957 : memref<!tpu.dma_semaphore, #tpu.memory_space<semaphore_mem>>)
      %dma_wait3A = arith.constant 0 : i32
      %dma_wait3A_963 = tpu.memref_slice %arg16[%run_scoped3A_404, %mul3A_58, %dma_wait3A] : memref<4x16x16xf32, #tpu.memory_space<vmem_shared>> -> memref<1x8x16xf32, #tpu.memory_space<vmem_shared>>
      %dma_wait3A_964 = tpu.memref_squeeze %dma_wait3A_963 : memref<1x8x16xf32, #tpu.memory_space<vmem_shared>> -> memref<8x16xf32, #tpu.memory_space<vmem_shared>>
      %dma_wait3A_965 = arith.constant 0 : i32
      %dma_wait3A_966 = tpu.memref_slice %arg16[%run_scoped3A_404, %mul3A_58, %dma_wait3A_965] : memref<4x16x16xf32, #tpu.memory_space<vmem_shared>> -> memref<1x8x16xf32, #tpu.memory_space<vmem_shared>>
      %dma_wait3A_967 = tpu.memref_squeeze %dma_wait3A_966 : memref<1x8x16xf32, #tpu.memory_space<vmem_shared>> -> memref<8x16xf32, #tpu.memory_space<vmem_shared>>
      tpu.wait_dma2 semaphore(%run_scoped3A_957 : memref<!tpu.dma_semaphore, #tpu.memory_space<semaphore_mem>>) src(%dma_wait3A_967 : memref<8x16xf32, #tpu.memory_space<vmem_shared>>) dst(%arg14 : memref<8x16xf32, #tpu.memory_space<vmem>>)
      tpu.yield
    }) : () -> ()
    %get3A_405 = arith.constant 0 : i32
    %get3A_406 = arith.index_cast %get3A_405 : i32 to index
    %get3A_407 = arith.constant 0 : index
    %get3A_408 = tpu.vector_load %arg14[%get3A_406, %get3A_407] {strides = array<i32>} : memref<8x16xf32, #tpu.memory_space<vmem>>, vector<16xf32>,
    %get3A_409 = arith.constant 1 : i32
    %get3A_410 = arith.index_cast %get3A_409 : i32 to index
    %get3A_411 = arith.constant 0 : index
    %get3A_412 = tpu.vector_load %arg14[%get3A_410, %get3A_411] {strides = array<i32>} : memref<8x16xf32, #tpu.memory_space<vmem>>, vector<16xf32>,
    %broadcast_in_dim3A_413 = arith.constant 1 : i32
    %broadcast_in_dim3A_414 = vector.broadcast %broadcast_in_dim3A_413 : i32 to vector<16xi32>
    %mul3A_415 = arith.constant 0 : i32
    %mul3A_416 = vector.broadcast %mul3A_415 : i32 to vector<16xi32>
    %mul3A_417 = arith.muli %broadcast_in_dim3A_414, %mul3A_416 : vector<16xi32>
    %lt3A_418 = arith.constant 0 : i32
    %lt3A_419 = vector.broadcast %lt3A_418 : i32 to vector<16xi32>
    %lt3A_420 = arith.cmpi slt, %mul3A_417, %lt3A_419 : vector<16xi32>
    %add3A_421 = arith.constant 16 : i32
    %add3A_422 = vector.broadcast %add3A_421 : i32 to vector<16xi32>
    %add3A_423 = arith.addi %mul3A_417, %add3A_422 : vector<16xi32>
    %select_n3A_424 = arith.select %lt3A_420, %add3A_423, %mul3A_417 : vector<16xi1>, vector<16xi32>
    %broadcast_in_dim3A_425 = vector.shape_cast %select_n3A_424 : vector<16xi32> to vector<16x1xi32>
    %gather3A_426 = vector.shape_cast %broadcast_in_dim3A_425 : vector<16x1xi32> to vector<16xi32>
    %gather3A_427 = tpu.dynamic_gather %get3A_412[%gather3A_426] in [0] : vector<16xf32>, vector<16xi32> -> vector<16xf32>
    %broadcast_in_dim3A_428 = arith.constant 1 : i32
    %broadcast_in_dim3A_429 = vector.broadcast %broadcast_in_dim3A_428 : i32 to vector<16xi32>
    %mul3A_430 = arith.constant 1 : i32
    %mul3A_431 = vector.broadcast %mul3A_430 : i32 to vector<16xi32>
    %mul3A_432 = arith.muli %broadcast_in_dim3A_429, %mul3A_431 : vector<16xi32>
    %lt3A_433 = arith.constant 0 : i32
    %lt3A_434 = vector.broadcast %lt3A_433 : i32 to vector<16xi32>
    %lt3A_435 = arith.cmpi slt, %mul3A_432, %lt3A_434 : vector<16xi32>
    %add3A_436 = arith.constant 16 : i32
    %add3A_437 = vector.broadcast %add3A_436 : i32 to vector<16xi32>
    %add3A_438 = arith.addi %mul3A_432, %add3A_437 : vector<16xi32>
    %select_n3A_439 = arith.select %lt3A_435, %add3A_438, %mul3A_432 : vector<16xi1>, vector<16xi32>
    %broadcast_in_dim3A_440 = vector.shape_cast %select_n3A_439 : vector<16xi32> to vector<16x1xi32>
    %gather3A_441 = vector.shape_cast %broadcast_in_dim3A_440 : vector<16x1xi32> to vector<16xi32>
    %gather3A_442 = tpu.dynamic_gather %get3A_412[%gather3A_441] in [0] : vector<16xf32>, vector<16xi32> -> vector<16xf32>
    %broadcast_in_dim3A_443 = arith.constant 1 : i32
    %broadcast_in_dim3A_444 = vector.broadcast %broadcast_in_dim3A_443 : i32 to vector<16xi32>
    %mul3A_445 = arith.constant 0 : i32
    %mul3A_446 = vector.broadcast %mul3A_445 : i32 to vector<16xi32>
    %mul3A_447 = arith.muli %broadcast_in_dim3A_444, %mul3A_446 : vector<16xi32>
    %lt3A_448 = arith.constant 0 : i32
    %lt3A_449 = vector.broadcast %lt3A_448 : i32 to vector<16xi32>
    %lt3A_450 = arith.cmpi slt, %mul3A_447, %lt3A_449 : vector<16xi32>
    %add3A_451 = arith.constant 16 : i32
    %add3A_452 = vector.broadcast %add3A_451 : i32 to vector<16xi32>
    %add3A_453 = arith.addi %mul3A_447, %add3A_452 : vector<16xi32>
    %select_n3A_454 = arith.select %lt3A_450, %add3A_453, %mul3A_447 : vector<16xi1>, vector<16xi32>
    %broadcast_in_dim3A_455 = vector.shape_cast %select_n3A_454 : vector<16xi32> to vector<16x1xi32>
    %gather3A_456 = vector.shape_cast %broadcast_in_dim3A_455 : vector<16x1xi32> to vector<16xi32>
    %gather3A_457 = tpu.dynamic_gather %get3A_408[%gather3A_456] in [0] : vector<16xf32>, vector<16xi32> -> vector<16xf32>
    %broadcast_in_dim3A_458 = arith.constant 1 : i32
    %broadcast_in_dim3A_459 = vector.broadcast %broadcast_in_dim3A_458 : i32 to vector<16xi32>
    %mul3A_460 = arith.constant 1 : i32
    %mul3A_461 = vector.broadcast %mul3A_460 : i32 to vector<16xi32>
    %mul3A_462 = arith.muli %broadcast_in_dim3A_459, %mul3A_461 : vector<16xi32>
    %lt3A_463 = arith.constant 0 : i32
    %lt3A_464 = vector.broadcast %lt3A_463 : i32 to vector<16xi32>
    %lt3A_465 = arith.cmpi slt, %mul3A_462, %lt3A_464 : vector<16xi32>
    %add3A_466 = arith.constant 16 : i32
    %add3A_467 = vector.broadcast %add3A_466 : i32 to vector<16xi32>
    %add3A_468 = arith.addi %mul3A_462, %add3A_467 : vector<16xi32>
    %select_n3A_469 = arith.select %lt3A_465, %add3A_468, %mul3A_462 : vector<16xi1>, vector<16xi32>
    %broadcast_in_dim3A_470 = vector.shape_cast %select_n3A_469 : vector<16xi32> to vector<16x1xi32>
    %gather3A_471 = vector.shape_cast %broadcast_in_dim3A_470 : vector<16x1xi32> to vector<16xi32>
    %gather3A_472 = tpu.dynamic_gather %get3A_408[%gather3A_471] in [0] : vector<16xf32>, vector<16xi32> -> vector<16xf32>
    %gt3A = arith.cmpf ogt, %gather3A_427, %gather3A_457 : vector<16xf32>
    %eq3A_473 = arith.cmpf oeq, %gather3A_427, %gather3A_457 : vector<16xf32>
    %lt3A_474 = arith.cmpf olt, %gather3A_442, %gather3A_472 : vector<16xf32>
    %and3A_475 = arith.andi %eq3A_473, %lt3A_474 : vector<16xi1>
    %or3A = arith.ori %gt3A, %and3A_475 : vector<16xi1>
    %select_n3A_476 = arith.select %or3A, %get3A_412, %get3A_408 : vector<16xi1>, vector<16xf32>
    %get3A_477 = arith.constant 2 : i32
    %get3A_478 = arith.index_cast %get3A_477 : i32 to index
    %get3A_479 = arith.constant 0 : index
    %get3A_480 = tpu.vector_load %arg14[%get3A_478, %get3A_479] {strides = array<i32>} : memref<8x16xf32, #tpu.memory_space<vmem>>, vector<16xf32>,
    %broadcast_in_dim3A_481 = arith.constant 1 : i32
    %broadcast_in_dim3A_482 = vector.broadcast %broadcast_in_dim3A_481 : i32 to vector<16xi32>
    %mul3A_483 = arith.constant 0 : i32
    %mul3A_484 = vector.broadcast %mul3A_483 : i32 to vector<16xi32>
    %mul3A_485 = arith.muli %broadcast_in_dim3A_482, %mul3A_484 : vector<16xi32>
    %lt3A_486 = arith.constant 0 : i32
    %lt3A_487 = vector.broadcast %lt3A_486 : i32 to vector<16xi32>
    %lt3A_488 = arith.cmpi slt, %mul3A_485, %lt3A_487 : vector<16xi32>
    %add3A_489 = arith.constant 16 : i32
    %add3A_490 = vector.broadcast %add3A_489 : i32 to vector<16xi32>
    %add3A_491 = arith.addi %mul3A_485, %add3A_490 : vector<16xi32>
    %select_n3A_492 = arith.select %lt3A_488, %add3A_491, %mul3A_485 : vector<16xi1>, vector<16xi32>
    %broadcast_in_dim3A_493 = vector.shape_cast %select_n3A_492 : vector<16xi32> to vector<16x1xi32>
    %gather3A_494 = vector.shape_cast %broadcast_in_dim3A_493 : vector<16x1xi32> to vector<16xi32>
    %gather3A_495 = tpu.dynamic_gather %get3A_480[%gather3A_494] in [0] : vector<16xf32>, vector<16xi32> -> vector<16xf32>
    %broadcast_in_dim3A_496 = arith.constant 1 : i32
    %broadcast_in_dim3A_497 = vector.broadcast %broadcast_in_dim3A_496 : i32 to vector<16xi32>
    %mul3A_498 = arith.constant 1 : i32
    %mul3A_499 = vector.broadcast %mul3A_498 : i32 to vector<16xi32>
    %mul3A_500 = arith.muli %broadcast_in_dim3A_497, %mul3A_499 : vector<16xi32>
    %lt3A_501 = arith.constant 0 : i32
    %lt3A_502 = vector.broadcast %lt3A_501 : i32 to vector<16xi32>
    %lt3A_503 = arith.cmpi slt, %mul3A_500, %lt3A_502 : vector<16xi32>
    %add3A_504 = arith.constant 16 : i32
    %add3A_505 = vector.broadcast %add3A_504 : i32 to vector<16xi32>
    %add3A_506 = arith.addi %mul3A_500, %add3A_505 : vector<16xi32>
    %select_n3A_507 = arith.select %lt3A_503, %add3A_506, %mul3A_500 : vector<16xi1>, vector<16xi32>
    %broadcast_in_dim3A_508 = vector.shape_cast %select_n3A_507 : vector<16xi32> to vector<16x1xi32>
    %gather3A_509 = vector.shape_cast %broadcast_in_dim3A_508 : vector<16x1xi32> to vector<16xi32>
    %gather3A_510 = tpu.dynamic_gather %get3A_480[%gather3A_509] in [0] : vector<16xf32>, vector<16xi32> -> vector<16xf32>
    %broadcast_in_dim3A_511 = arith.constant 1 : i32
    %broadcast_in_dim3A_512 = vector.broadcast %broadcast_in_dim3A_511 : i32 to vector<16xi32>
    %mul3A_513 = arith.constant 0 : i32
    %mul3A_514 = vector.broadcast %mul3A_513 : i32 to vector<16xi32>
    %mul3A_515 = arith.muli %broadcast_in_dim3A_512, %mul3A_514 : vector<16xi32>
    %lt3A_516 = arith.constant 0 : i32
    %lt3A_517 = vector.broadcast %lt3A_516 : i32 to vector<16xi32>
    %lt3A_518 = arith.cmpi slt, %mul3A_515, %lt3A_517 : vector<16xi32>
    %add3A_519 = arith.constant 16 : i32
    %add3A_520 = vector.broadcast %add3A_519 : i32 to vector<16xi32>
    %add3A_521 = arith.addi %mul3A_515, %add3A_520 : vector<16xi32>
    %select_n3A_522 = arith.select %lt3A_518, %add3A_521, %mul3A_515 : vector<16xi1>, vector<16xi32>
    %broadcast_in_dim3A_523 = vector.shape_cast %select_n3A_522 : vector<16xi32> to vector<16x1xi32>
    %gather3A_524 = vector.shape_cast %broadcast_in_dim3A_523 : vector<16x1xi32> to vector<16xi32>
    %gather3A_525 = tpu.dynamic_gather %select_n3A_476[%gather3A_524] in [0] : vector<16xf32>, vector<16xi32> -> vector<16xf32>
    %broadcast_in_dim3A_526 = arith.constant 1 : i32
    %broadcast_in_dim3A_527 = vector.broadcast %broadcast_in_dim3A_526 : i32 to vector<16xi32>
    %mul3A_528 = arith.constant 1 : i32
    %mul3A_529 = vector.broadcast %mul3A_528 : i32 to vector<16xi32>
    %mul3A_530 = arith.muli %broadcast_in_dim3A_527, %mul3A_529 : vector<16xi32>
    %lt3A_531 = arith.constant 0 : i32
    %lt3A_532 = vector.broadcast %lt3A_531 : i32 to vector<16xi32>
    %lt3A_533 = arith.cmpi slt, %mul3A_530, %lt3A_532 : vector<16xi32>
    %add3A_534 = arith.constant 16 : i32
    %add3A_535 = vector.broadcast %add3A_534 : i32 to vector<16xi32>
    %add3A_536 = arith.addi %mul3A_530, %add3A_535 : vector<16xi32>
    %select_n3A_537 = arith.select %lt3A_533, %add3A_536, %mul3A_530 : vector<16xi1>, vector<16xi32>
    %broadcast_in_dim3A_538 = vector.shape_cast %select_n3A_537 : vector<16xi32> to vector<16x1xi32>
    %gather3A_539 = vector.shape_cast %broadcast_in_dim3A_538 : vector<16x1xi32> to vector<16xi32>
    %gather3A_540 = tpu.dynamic_gather %select_n3A_476[%gather3A_539] in [0] : vector<16xf32>, vector<16xi32> -> vector<16xf32>
    %gt3A_541 = arith.cmpf ogt, %gather3A_495, %gather3A_525 : vector<16xf32>
    %eq3A_542 = arith.cmpf oeq, %gather3A_495, %gather3A_525 : vector<16xf32>
    %lt3A_543 = arith.cmpf olt, %gather3A_510, %gather3A_540 : vector<16xf32>
    %and3A_544 = arith.andi %eq3A_542, %lt3A_543 : vector<16xi1>
    %or3A_545 = arith.ori %gt3A_541, %and3A_544 : vector<16xi1>
    %select_n3A_546 = arith.select %or3A_545, %get3A_480, %select_n3A_476 : vector<16xi1>, vector<16xf32>
    %get3A_547 = arith.constant 3 : i32
    %get3A_548 = arith.index_cast %get3A_547 : i32 to index
    %get3A_549 = arith.constant 0 : index
    %get3A_550 = tpu.vector_load %arg14[%get3A_548, %get3A_549] {strides = array<i32>} : memref<8x16xf32, #tpu.memory_space<vmem>>, vector<16xf32>,
    %broadcast_in_dim3A_551 = arith.constant 1 : i32
    %broadcast_in_dim3A_552 = vector.broadcast %broadcast_in_dim3A_551 : i32 to vector<16xi32>
    %mul3A_553 = arith.constant 0 : i32
    %mul3A_554 = vector.broadcast %mul3A_553 : i32 to vector<16xi32>
    %mul3A_555 = arith.muli %broadcast_in_dim3A_552, %mul3A_554 : vector<16xi32>
    %lt3A_556 = arith.constant 0 : i32
    %lt3A_557 = vector.broadcast %lt3A_556 : i32 to vector<16xi32>
    %lt3A_558 = arith.cmpi slt, %mul3A_555, %lt3A_557 : vector<16xi32>
    %add3A_559 = arith.constant 16 : i32
    %add3A_560 = vector.broadcast %add3A_559 : i32 to vector<16xi32>
    %add3A_561 = arith.addi %mul3A_555, %add3A_560 : vector<16xi32>
    %select_n3A_562 = arith.select %lt3A_558, %add3A_561, %mul3A_555 : vector<16xi1>, vector<16xi32>
    %broadcast_in_dim3A_563 = vector.shape_cast %select_n3A_562 : vector<16xi32> to vector<16x1xi32>
    %gather3A_564 = vector.shape_cast %broadcast_in_dim3A_563 : vector<16x1xi32> to vector<16xi32>
    %gather3A_565 = tpu.dynamic_gather %get3A_550[%gather3A_564] in [0] : vector<16xf32>, vector<16xi32> -> vector<16xf32>
    %broadcast_in_dim3A_566 = arith.constant 1 : i32
    %broadcast_in_dim3A_567 = vector.broadcast %broadcast_in_dim3A_566 : i32 to vector<16xi32>
    %mul3A_568 = arith.constant 1 : i32
    %mul3A_569 = vector.broadcast %mul3A_568 : i32 to vector<16xi32>
    %mul3A_570 = arith.muli %broadcast_in_dim3A_567, %mul3A_569 : vector<16xi32>
    %lt3A_571 = arith.constant 0 : i32
    %lt3A_572 = vector.broadcast %lt3A_571 : i32 to vector<16xi32>
    %lt3A_573 = arith.cmpi slt, %mul3A_570, %lt3A_572 : vector<16xi32>
    %add3A_574 = arith.constant 16 : i32
    %add3A_575 = vector.broadcast %add3A_574 : i32 to vector<16xi32>
    %add3A_576 = arith.addi %mul3A_570, %add3A_575 : vector<16xi32>
    %select_n3A_577 = arith.select %lt3A_573, %add3A_576, %mul3A_570 : vector<16xi1>, vector<16xi32>
    %broadcast_in_dim3A_578 = vector.shape_cast %select_n3A_577 : vector<16xi32> to vector<16x1xi32>
    %gather3A_579 = vector.shape_cast %broadcast_in_dim3A_578 : vector<16x1xi32> to vector<16xi32>
    %gather3A_580 = tpu.dynamic_gather %get3A_550[%gather3A_579] in [0] : vector<16xf32>, vector<16xi32> -> vector<16xf32>
    %broadcast_in_dim3A_581 = arith.constant 1 : i32
    %broadcast_in_dim3A_582 = vector.broadcast %broadcast_in_dim3A_581 : i32 to vector<16xi32>
    %mul3A_583 = arith.constant 0 : i32
    %mul3A_584 = vector.broadcast %mul3A_583 : i32 to vector<16xi32>
    %mul3A_585 = arith.muli %broadcast_in_dim3A_582, %mul3A_584 : vector<16xi32>
    %lt3A_586 = arith.constant 0 : i32
    %lt3A_587 = vector.broadcast %lt3A_586 : i32 to vector<16xi32>
    %lt3A_588 = arith.cmpi slt, %mul3A_585, %lt3A_587 : vector<16xi32>
    %add3A_589 = arith.constant 16 : i32
    %add3A_590 = vector.broadcast %add3A_589 : i32 to vector<16xi32>
    %add3A_591 = arith.addi %mul3A_585, %add3A_590 : vector<16xi32>
    %select_n3A_592 = arith.select %lt3A_588, %add3A_591, %mul3A_585 : vector<16xi1>, vector<16xi32>
    %broadcast_in_dim3A_593 = vector.shape_cast %select_n3A_592 : vector<16xi32> to vector<16x1xi32>
    %gather3A_594 = vector.shape_cast %broadcast_in_dim3A_593 : vector<16x1xi32> to vector<16xi32>
    %gather3A_595 = tpu.dynamic_gather %select_n3A_546[%gather3A_594] in [0] : vector<16xf32>, vector<16xi32> -> vector<16xf32>
    %broadcast_in_dim3A_596 = arith.constant 1 : i32
    %broadcast_in_dim3A_597 = vector.broadcast %broadcast_in_dim3A_596 : i32 to vector<16xi32>
    %mul3A_598 = arith.constant 1 : i32
    %mul3A_599 = vector.broadcast %mul3A_598 : i32 to vector<16xi32>
    %mul3A_600 = arith.muli %broadcast_in_dim3A_597, %mul3A_599 : vector<16xi32>
    %lt3A_601 = arith.constant 0 : i32
    %lt3A_602 = vector.broadcast %lt3A_601 : i32 to vector<16xi32>
    %lt3A_603 = arith.cmpi slt, %mul3A_600, %lt3A_602 : vector<16xi32>
    %add3A_604 = arith.constant 16 : i32
    %add3A_605 = vector.broadcast %add3A_604 : i32 to vector<16xi32>
    %add3A_606 = arith.addi %mul3A_600, %add3A_605 : vector<16xi32>
    %select_n3A_607 = arith.select %lt3A_603, %add3A_606, %mul3A_600 : vector<16xi1>, vector<16xi32>
    %broadcast_in_dim3A_608 = vector.shape_cast %select_n3A_607 : vector<16xi32> to vector<16x1xi32>
    %gather3A_609 = vector.shape_cast %broadcast_in_dim3A_608 : vector<16x1xi32> to vector<16xi32>
    %gather3A_610 = tpu.dynamic_gather %select_n3A_546[%gather3A_609] in [0] : vector<16xf32>, vector<16xi32> -> vector<16xf32>
    %gt3A_611 = arith.cmpf ogt, %gather3A_565, %gather3A_595 : vector<16xf32>
    %eq3A_612 = arith.cmpf oeq, %gather3A_565, %gather3A_595 : vector<16xf32>
    %lt3A_613 = arith.cmpf olt, %gather3A_580, %gather3A_610 : vector<16xf32>
    %and3A_614 = arith.andi %eq3A_612, %lt3A_613 : vector<16xi1>
    %or3A_615 = arith.ori %gt3A_611, %and3A_614 : vector<16xi1>
    %select_n3A_616 = arith.select %or3A_615, %get3A_550, %select_n3A_546 : vector<16xi1>, vector<16xf32>
    %get3A_617 = arith.constant 4 : i32
    %get3A_618 = arith.index_cast %get3A_617 : i32 to index
    %get3A_619 = arith.constant 0 : index
    %get3A_620 = tpu.vector_load %arg14[%get3A_618, %get3A_619] {strides = array<i32>} : memref<8x16xf32, #tpu.memory_space<vmem>>, vector<16xf32>,
    %broadcast_in_dim3A_621 = arith.constant 1 : i32
    %broadcast_in_dim3A_622 = vector.broadcast %broadcast_in_dim3A_621 : i32 to vector<16xi32>
    %mul3A_623 = arith.constant 0 : i32
    %mul3A_624 = vector.broadcast %mul3A_623 : i32 to vector<16xi32>
    %mul3A_625 = arith.muli %broadcast_in_dim3A_622, %mul3A_624 : vector<16xi32>
    %lt3A_626 = arith.constant 0 : i32
    %lt3A_627 = vector.broadcast %lt3A_626 : i32 to vector<16xi32>
    %lt3A_628 = arith.cmpi slt, %mul3A_625, %lt3A_627 : vector<16xi32>
    %add3A_629 = arith.constant 16 : i32
    %add3A_630 = vector.broadcast %add3A_629 : i32 to vector<16xi32>
    %add3A_631 = arith.addi %mul3A_625, %add3A_630 : vector<16xi32>
    %select_n3A_632 = arith.select %lt3A_628, %add3A_631, %mul3A_625 : vector<16xi1>, vector<16xi32>
    %broadcast_in_dim3A_633 = vector.shape_cast %select_n3A_632 : vector<16xi32> to vector<16x1xi32>
    %gather3A_634 = vector.shape_cast %broadcast_in_dim3A_633 : vector<16x1xi32> to vector<16xi32>
    %gather3A_635 = tpu.dynamic_gather %get3A_620[%gather3A_634] in [0] : vector<16xf32>, vector<16xi32> -> vector<16xf32>
    %broadcast_in_dim3A_636 = arith.constant 1 : i32
    %broadcast_in_dim3A_637 = vector.broadcast %broadcast_in_dim3A_636 : i32 to vector<16xi32>
    %mul3A_638 = arith.constant 1 : i32
    %mul3A_639 = vector.broadcast %mul3A_638 : i32 to vector<16xi32>
    %mul3A_640 = arith.muli %broadcast_in_dim3A_637, %mul3A_639 : vector<16xi32>
    %lt3A_641 = arith.constant 0 : i32
    %lt3A_642 = vector.broadcast %lt3A_641 : i32 to vector<16xi32>
    %lt3A_643 = arith.cmpi slt, %mul3A_640, %lt3A_642 : vector<16xi32>
    %add3A_644 = arith.constant 16 : i32
    %add3A_645 = vector.broadcast %add3A_644 : i32 to vector<16xi32>
    %add3A_646 = arith.addi %mul3A_640, %add3A_645 : vector<16xi32>
    %select_n3A_647 = arith.select %lt3A_643, %add3A_646, %mul3A_640 : vector<16xi1>, vector<16xi32>
    %broadcast_in_dim3A_648 = vector.shape_cast %select_n3A_647 : vector<16xi32> to vector<16x1xi32>
    %gather3A_649 = vector.shape_cast %broadcast_in_dim3A_648 : vector<16x1xi32> to vector<16xi32>
    %gather3A_650 = tpu.dynamic_gather %get3A_620[%gather3A_649] in [0] : vector<16xf32>, vector<16xi32> -> vector<16xf32>
    %broadcast_in_dim3A_651 = arith.constant 1 : i32
    %broadcast_in_dim3A_652 = vector.broadcast %broadcast_in_dim3A_651 : i32 to vector<16xi32>
    %mul3A_653 = arith.constant 0 : i32
    %mul3A_654 = vector.broadcast %mul3A_653 : i32 to vector<16xi32>
    %mul3A_655 = arith.muli %broadcast_in_dim3A_652, %mul3A_654 : vector<16xi32>
    %lt3A_656 = arith.constant 0 : i32
    %lt3A_657 = vector.broadcast %lt3A_656 : i32 to vector<16xi32>
    %lt3A_658 = arith.cmpi slt, %mul3A_655, %lt3A_657 : vector<16xi32>
    %add3A_659 = arith.constant 16 : i32
    %add3A_660 = vector.broadcast %add3A_659 : i32 to vector<16xi32>
    %add3A_661 = arith.addi %mul3A_655, %add3A_660 : vector<16xi32>
    %select_n3A_662 = arith.select %lt3A_658, %add3A_661, %mul3A_655 : vector<16xi1>, vector<16xi32>
    %broadcast_in_dim3A_663 = vector.shape_cast %select_n3A_662 : vector<16xi32> to vector<16x1xi32>
    %gather3A_664 = vector.shape_cast %broadcast_in_dim3A_663 : vector<16x1xi32> to vector<16xi32>
    %gather3A_665 = tpu.dynamic_gather %select_n3A_616[%gather3A_664] in [0] : vector<16xf32>, vector<16xi32> -> vector<16xf32>
    %broadcast_in_dim3A_666 = arith.constant 1 : i32
    %broadcast_in_dim3A_667 = vector.broadcast %broadcast_in_dim3A_666 : i32 to vector<16xi32>
    %mul3A_668 = arith.constant 1 : i32
    %mul3A_669 = vector.broadcast %mul3A_668 : i32 to vector<16xi32>
    %mul3A_670 = arith.muli %broadcast_in_dim3A_667, %mul3A_669 : vector<16xi32>
    %lt3A_671 = arith.constant 0 : i32
    %lt3A_672 = vector.broadcast %lt3A_671 : i32 to vector<16xi32>
    %lt3A_673 = arith.cmpi slt, %mul3A_670, %lt3A_672 : vector<16xi32>
    %add3A_674 = arith.constant 16 : i32
    %add3A_675 = vector.broadcast %add3A_674 : i32 to vector<16xi32>
    %add3A_676 = arith.addi %mul3A_670, %add3A_675 : vector<16xi32>
    %select_n3A_677 = arith.select %lt3A_673, %add3A_676, %mul3A_670 : vector<16xi1>, vector<16xi32>
    %broadcast_in_dim3A_678 = vector.shape_cast %select_n3A_677 : vector<16xi32> to vector<16x1xi32>
    %gather3A_679 = vector.shape_cast %broadcast_in_dim3A_678 : vector<16x1xi32> to vector<16xi32>
    %gather3A_680 = tpu.dynamic_gather %select_n3A_616[%gather3A_679] in [0] : vector<16xf32>, vector<16xi32> -> vector<16xf32>
    %gt3A_681 = arith.cmpf ogt, %gather3A_635, %gather3A_665 : vector<16xf32>
    %eq3A_682 = arith.cmpf oeq, %gather3A_635, %gather3A_665 : vector<16xf32>
    %lt3A_683 = arith.cmpf olt, %gather3A_650, %gather3A_680 : vector<16xf32>
    %and3A_684 = arith.andi %eq3A_682, %lt3A_683 : vector<16xi1>
    %or3A_685 = arith.ori %gt3A_681, %and3A_684 : vector<16xi1>
    %select_n3A_686 = arith.select %or3A_685, %get3A_620, %select_n3A_616 : vector<16xi1>, vector<16xf32>
    %get3A_687 = arith.constant 5 : i32
    %get3A_688 = arith.index_cast %get3A_687 : i32 to index
    %get3A_689 = arith.constant 0 : index
    %get3A_690 = tpu.vector_load %arg14[%get3A_688, %get3A_689] {strides = array<i32>} : memref<8x16xf32, #tpu.memory_space<vmem>>, vector<16xf32>,
    %broadcast_in_dim3A_691 = arith.constant 1 : i32
    %broadcast_in_dim3A_692 = vector.broadcast %broadcast_in_dim3A_691 : i32 to vector<16xi32>
    %mul3A_693 = arith.constant 0 : i32
    %mul3A_694 = vector.broadcast %mul3A_693 : i32 to vector<16xi32>
    %mul3A_695 = arith.muli %broadcast_in_dim3A_692, %mul3A_694 : vector<16xi32>
    %lt3A_696 = arith.constant 0 : i32
    %lt3A_697 = vector.broadcast %lt3A_696 : i32 to vector<16xi32>
    %lt3A_698 = arith.cmpi slt, %mul3A_695, %lt3A_697 : vector<16xi32>
    %add3A_699 = arith.constant 16 : i32
    %add3A_700 = vector.broadcast %add3A_699 : i32 to vector<16xi32>
    %add3A_701 = arith.addi %mul3A_695, %add3A_700 : vector<16xi32>
    %select_n3A_702 = arith.select %lt3A_698, %add3A_701, %mul3A_695 : vector<16xi1>, vector<16xi32>
    %broadcast_in_dim3A_703 = vector.shape_cast %select_n3A_702 : vector<16xi32> to vector<16x1xi32>
    %gather3A_704 = vector.shape_cast %broadcast_in_dim3A_703 : vector<16x1xi32> to vector<16xi32>
    %gather3A_705 = tpu.dynamic_gather %get3A_690[%gather3A_704] in [0] : vector<16xf32>, vector<16xi32> -> vector<16xf32>
    %broadcast_in_dim3A_706 = arith.constant 1 : i32
    %broadcast_in_dim3A_707 = vector.broadcast %broadcast_in_dim3A_706 : i32 to vector<16xi32>
    %mul3A_708 = arith.constant 1 : i32
    %mul3A_709 = vector.broadcast %mul3A_708 : i32 to vector<16xi32>
    %mul3A_710 = arith.muli %broadcast_in_dim3A_707, %mul3A_709 : vector<16xi32>
    %lt3A_711 = arith.constant 0 : i32
    %lt3A_712 = vector.broadcast %lt3A_711 : i32 to vector<16xi32>
    %lt3A_713 = arith.cmpi slt, %mul3A_710, %lt3A_712 : vector<16xi32>
    %add3A_714 = arith.constant 16 : i32
    %add3A_715 = vector.broadcast %add3A_714 : i32 to vector<16xi32>
    %add3A_716 = arith.addi %mul3A_710, %add3A_715 : vector<16xi32>
    %select_n3A_717 = arith.select %lt3A_713, %add3A_716, %mul3A_710 : vector<16xi1>, vector<16xi32>
    %broadcast_in_dim3A_718 = vector.shape_cast %select_n3A_717 : vector<16xi32> to vector<16x1xi32>
    %gather3A_719 = vector.shape_cast %broadcast_in_dim3A_718 : vector<16x1xi32> to vector<16xi32>
    %gather3A_720 = tpu.dynamic_gather %get3A_690[%gather3A_719] in [0] : vector<16xf32>, vector<16xi32> -> vector<16xf32>
    %broadcast_in_dim3A_721 = arith.constant 1 : i32
    %broadcast_in_dim3A_722 = vector.broadcast %broadcast_in_dim3A_721 : i32 to vector<16xi32>
    %mul3A_723 = arith.constant 0 : i32
    %mul3A_724 = vector.broadcast %mul3A_723 : i32 to vector<16xi32>
    %mul3A_725 = arith.muli %broadcast_in_dim3A_722, %mul3A_724 : vector<16xi32>
    %lt3A_726 = arith.constant 0 : i32
    %lt3A_727 = vector.broadcast %lt3A_726 : i32 to vector<16xi32>
    %lt3A_728 = arith.cmpi slt, %mul3A_725, %lt3A_727 : vector<16xi32>
    %add3A_729 = arith.constant 16 : i32
    %add3A_730 = vector.broadcast %add3A_729 : i32 to vector<16xi32>
    %add3A_731 = arith.addi %mul3A_725, %add3A_730 : vector<16xi32>
    %select_n3A_732 = arith.select %lt3A_728, %add3A_731, %mul3A_725 : vector<16xi1>, vector<16xi32>
    %broadcast_in_dim3A_733 = vector.shape_cast %select_n3A_732 : vector<16xi32> to vector<16x1xi32>
    %gather3A_734 = vector.shape_cast %broadcast_in_dim3A_733 : vector<16x1xi32> to vector<16xi32>
    %gather3A_735 = tpu.dynamic_gather %select_n3A_686[%gather3A_734] in [0] : vector<16xf32>, vector<16xi32> -> vector<16xf32>
    %broadcast_in_dim3A_736 = arith.constant 1 : i32
    %broadcast_in_dim3A_737 = vector.broadcast %broadcast_in_dim3A_736 : i32 to vector<16xi32>
    %mul3A_738 = arith.constant 1 : i32
    %mul3A_739 = vector.broadcast %mul3A_738 : i32 to vector<16xi32>
    %mul3A_740 = arith.muli %broadcast_in_dim3A_737, %mul3A_739 : vector<16xi32>
    %lt3A_741 = arith.constant 0 : i32
    %lt3A_742 = vector.broadcast %lt3A_741 : i32 to vector<16xi32>
    %lt3A_743 = arith.cmpi slt, %mul3A_740, %lt3A_742 : vector<16xi32>
    %add3A_744 = arith.constant 16 : i32
    %add3A_745 = vector.broadcast %add3A_744 : i32 to vector<16xi32>
    %add3A_746 = arith.addi %mul3A_740, %add3A_745 : vector<16xi32>
    %select_n3A_747 = arith.select %lt3A_743, %add3A_746, %mul3A_740 : vector<16xi1>, vector<16xi32>
    %broadcast_in_dim3A_748 = vector.shape_cast %select_n3A_747 : vector<16xi32> to vector<16x1xi32>
    %gather3A_749 = vector.shape_cast %broadcast_in_dim3A_748 : vector<16x1xi32> to vector<16xi32>
    %gather3A_750 = tpu.dynamic_gather %select_n3A_686[%gather3A_749] in [0] : vector<16xf32>, vector<16xi32> -> vector<16xf32>
    %gt3A_751 = arith.cmpf ogt, %gather3A_705, %gather3A_735 : vector<16xf32>
    %eq3A_752 = arith.cmpf oeq, %gather3A_705, %gather3A_735 : vector<16xf32>
    %lt3A_753 = arith.cmpf olt, %gather3A_720, %gather3A_750 : vector<16xf32>
    %and3A_754 = arith.andi %eq3A_752, %lt3A_753 : vector<16xi1>
    %or3A_755 = arith.ori %gt3A_751, %and3A_754 : vector<16xi1>
    %select_n3A_756 = arith.select %or3A_755, %get3A_690, %select_n3A_686 : vector<16xi1>, vector<16xf32>
    %get3A_757 = arith.constant 6 : i32
    %get3A_758 = arith.index_cast %get3A_757 : i32 to index
    %get3A_759 = arith.constant 0 : index
    %get3A_760 = tpu.vector_load %arg14[%get3A_758, %get3A_759] {strides = array<i32>} : memref<8x16xf32, #tpu.memory_space<vmem>>, vector<16xf32>,
    %broadcast_in_dim3A_761 = arith.constant 1 : i32
    %broadcast_in_dim3A_762 = vector.broadcast %broadcast_in_dim3A_761 : i32 to vector<16xi32>
    %mul3A_763 = arith.constant 0 : i32
    %mul3A_764 = vector.broadcast %mul3A_763 : i32 to vector<16xi32>
    %mul3A_765 = arith.muli %broadcast_in_dim3A_762, %mul3A_764 : vector<16xi32>
    %lt3A_766 = arith.constant 0 : i32
    %lt3A_767 = vector.broadcast %lt3A_766 : i32 to vector<16xi32>
    %lt3A_768 = arith.cmpi slt, %mul3A_765, %lt3A_767 : vector<16xi32>
    %add3A_769 = arith.constant 16 : i32
    %add3A_770 = vector.broadcast %add3A_769 : i32 to vector<16xi32>
    %add3A_771 = arith.addi %mul3A_765, %add3A_770 : vector<16xi32>
    %select_n3A_772 = arith.select %lt3A_768, %add3A_771, %mul3A_765 : vector<16xi1>, vector<16xi32>
    %broadcast_in_dim3A_773 = vector.shape_cast %select_n3A_772 : vector<16xi32> to vector<16x1xi32>
    %gather3A_774 = vector.shape_cast %broadcast_in_dim3A_773 : vector<16x1xi32> to vector<16xi32>
    %gather3A_775 = tpu.dynamic_gather %get3A_760[%gather3A_774] in [0] : vector<16xf32>, vector<16xi32> -> vector<16xf32>
    %broadcast_in_dim3A_776 = arith.constant 1 : i32
    %broadcast_in_dim3A_777 = vector.broadcast %broadcast_in_dim3A_776 : i32 to vector<16xi32>
    %mul3A_778 = arith.constant 1 : i32
    %mul3A_779 = vector.broadcast %mul3A_778 : i32 to vector<16xi32>
    %mul3A_780 = arith.muli %broadcast_in_dim3A_777, %mul3A_779 : vector<16xi32>
    %lt3A_781 = arith.constant 0 : i32
    %lt3A_782 = vector.broadcast %lt3A_781 : i32 to vector<16xi32>
    %lt3A_783 = arith.cmpi slt, %mul3A_780, %lt3A_782 : vector<16xi32>
    %add3A_784 = arith.constant 16 : i32
    %add3A_785 = vector.broadcast %add3A_784 : i32 to vector<16xi32>
    %add3A_786 = arith.addi %mul3A_780, %add3A_785 : vector<16xi32>
    %select_n3A_787 = arith.select %lt3A_783, %add3A_786, %mul3A_780 : vector<16xi1>, vector<16xi32>
    %broadcast_in_dim3A_788 = vector.shape_cast %select_n3A_787 : vector<16xi32> to vector<16x1xi32>
    %gather3A_789 = vector.shape_cast %broadcast_in_dim3A_788 : vector<16x1xi32> to vector<16xi32>
    %gather3A_790 = tpu.dynamic_gather %get3A_760[%gather3A_789] in [0] : vector<16xf32>, vector<16xi32> -> vector<16xf32>
    %broadcast_in_dim3A_791 = arith.constant 1 : i32
    %broadcast_in_dim3A_792 = vector.broadcast %broadcast_in_dim3A_791 : i32 to vector<16xi32>
    %mul3A_793 = arith.constant 0 : i32
    %mul3A_794 = vector.broadcast %mul3A_793 : i32 to vector<16xi32>
    %mul3A_795 = arith.muli %broadcast_in_dim3A_792, %mul3A_794 : vector<16xi32>
    %lt3A_796 = arith.constant 0 : i32
    %lt3A_797 = vector.broadcast %lt3A_796 : i32 to vector<16xi32>
    %lt3A_798 = arith.cmpi slt, %mul3A_795, %lt3A_797 : vector<16xi32>
    %add3A_799 = arith.constant 16 : i32
    %add3A_800 = vector.broadcast %add3A_799 : i32 to vector<16xi32>
    %add3A_801 = arith.addi %mul3A_795, %add3A_800 : vector<16xi32>
    %select_n3A_802 = arith.select %lt3A_798, %add3A_801, %mul3A_795 : vector<16xi1>, vector<16xi32>
    %broadcast_in_dim3A_803 = vector.shape_cast %select_n3A_802 : vector<16xi32> to vector<16x1xi32>
    %gather3A_804 = vector.shape_cast %broadcast_in_dim3A_803 : vector<16x1xi32> to vector<16xi32>
    %gather3A_805 = tpu.dynamic_gather %select_n3A_756[%gather3A_804] in [0] : vector<16xf32>, vector<16xi32> -> vector<16xf32>
    %broadcast_in_dim3A_806 = arith.constant 1 : i32
    %broadcast_in_dim3A_807 = vector.broadcast %broadcast_in_dim3A_806 : i32 to vector<16xi32>
    %mul3A_808 = arith.constant 1 : i32
    %mul3A_809 = vector.broadcast %mul3A_808 : i32 to vector<16xi32>
    %mul3A_810 = arith.muli %broadcast_in_dim3A_807, %mul3A_809 : vector<16xi32>
    %lt3A_811 = arith.constant 0 : i32
    %lt3A_812 = vector.broadcast %lt3A_811 : i32 to vector<16xi32>
    %lt3A_813 = arith.cmpi slt, %mul3A_810, %lt3A_812 : vector<16xi32>
    %add3A_814 = arith.constant 16 : i32
    %add3A_815 = vector.broadcast %add3A_814 : i32 to vector<16xi32>
    %add3A_816 = arith.addi %mul3A_810, %add3A_815 : vector<16xi32>
    %select_n3A_817 = arith.select %lt3A_813, %add3A_816, %mul3A_810 : vector<16xi1>, vector<16xi32>
    %broadcast_in_dim3A_818 = vector.shape_cast %select_n3A_817 : vector<16xi32> to vector<16x1xi32>
    %gather3A_819 = vector.shape_cast %broadcast_in_dim3A_818 : vector<16x1xi32> to vector<16xi32>
    %gather3A_820 = tpu.dynamic_gather %select_n3A_756[%gather3A_819] in [0] : vector<16xf32>, vector<16xi32> -> vector<16xf32>
    %gt3A_821 = arith.cmpf ogt, %gather3A_775, %gather3A_805 : vector<16xf32>
    %eq3A_822 = arith.cmpf oeq, %gather3A_775, %gather3A_805 : vector<16xf32>
    %lt3A_823 = arith.cmpf olt, %gather3A_790, %gather3A_820 : vector<16xf32>
    %and3A_824 = arith.andi %eq3A_822, %lt3A_823 : vector<16xi1>
    %or3A_825 = arith.ori %gt3A_821, %and3A_824 : vector<16xi1>
    %select_n3A_826 = arith.select %or3A_825, %get3A_760, %select_n3A_756 : vector<16xi1>, vector<16xf32>
    %get3A_827 = arith.constant 7 : i32
    %get3A_828 = arith.index_cast %get3A_827 : i32 to index
    %get3A_829 = arith.constant 0 : index
    %get3A_830 = tpu.vector_load %arg14[%get3A_828, %get3A_829] {strides = array<i32>} : memref<8x16xf32, #tpu.memory_space<vmem>>, vector<16xf32>,
    %broadcast_in_dim3A_831 = arith.constant 1 : i32
    %broadcast_in_dim3A_832 = vector.broadcast %broadcast_in_dim3A_831 : i32 to vector<16xi32>
    %mul3A_833 = arith.constant 0 : i32
    %mul3A_834 = vector.broadcast %mul3A_833 : i32 to vector<16xi32>
    %mul3A_835 = arith.muli %broadcast_in_dim3A_832, %mul3A_834 : vector<16xi32>
    %lt3A_836 = arith.constant 0 : i32
    %lt3A_837 = vector.broadcast %lt3A_836 : i32 to vector<16xi32>
    %lt3A_838 = arith.cmpi slt, %mul3A_835, %lt3A_837 : vector<16xi32>
    %add3A_839 = arith.constant 16 : i32
    %add3A_840 = vector.broadcast %add3A_839 : i32 to vector<16xi32>
    %add3A_841 = arith.addi %mul3A_835, %add3A_840 : vector<16xi32>
    %select_n3A_842 = arith.select %lt3A_838, %add3A_841, %mul3A_835 : vector<16xi1>, vector<16xi32>
    %broadcast_in_dim3A_843 = vector.shape_cast %select_n3A_842 : vector<16xi32> to vector<16x1xi32>
    %gather3A_844 = vector.shape_cast %broadcast_in_dim3A_843 : vector<16x1xi32> to vector<16xi32>
    %gather3A_845 = tpu.dynamic_gather %get3A_830[%gather3A_844] in [0] : vector<16xf32>, vector<16xi32> -> vector<16xf32>
    %broadcast_in_dim3A_846 = arith.constant 1 : i32
    %broadcast_in_dim3A_847 = vector.broadcast %broadcast_in_dim3A_846 : i32 to vector<16xi32>
    %mul3A_848 = arith.constant 1 : i32
    %mul3A_849 = vector.broadcast %mul3A_848 : i32 to vector<16xi32>
    %mul3A_850 = arith.muli %broadcast_in_dim3A_847, %mul3A_849 : vector<16xi32>
    %lt3A_851 = arith.constant 0 : i32
    %lt3A_852 = vector.broadcast %lt3A_851 : i32 to vector<16xi32>
    %lt3A_853 = arith.cmpi slt, %mul3A_850, %lt3A_852 : vector<16xi32>
    %add3A_854 = arith.constant 16 : i32
    %add3A_855 = vector.broadcast %add3A_854 : i32 to vector<16xi32>
    %add3A_856 = arith.addi %mul3A_850, %add3A_855 : vector<16xi32>
    %select_n3A_857 = arith.select %lt3A_853, %add3A_856, %mul3A_850 : vector<16xi1>, vector<16xi32>
    %broadcast_in_dim3A_858 = vector.shape_cast %select_n3A_857 : vector<16xi32> to vector<16x1xi32>
    %gather3A_859 = vector.shape_cast %broadcast_in_dim3A_858 : vector<16x1xi32> to vector<16xi32>
    %gather3A_860 = tpu.dynamic_gather %get3A_830[%gather3A_859] in [0] : vector<16xf32>, vector<16xi32> -> vector<16xf32>
    %broadcast_in_dim3A_861 = arith.constant 1 : i32
    %broadcast_in_dim3A_862 = vector.broadcast %broadcast_in_dim3A_861 : i32 to vector<16xi32>
    %mul3A_863 = arith.constant 0 : i32
    %mul3A_864 = vector.broadcast %mul3A_863 : i32 to vector<16xi32>
    %mul3A_865 = arith.muli %broadcast_in_dim3A_862, %mul3A_864 : vector<16xi32>
    %lt3A_866 = arith.constant 0 : i32
    %lt3A_867 = vector.broadcast %lt3A_866 : i32 to vector<16xi32>
    %lt3A_868 = arith.cmpi slt, %mul3A_865, %lt3A_867 : vector<16xi32>
    %add3A_869 = arith.constant 16 : i32
    %add3A_870 = vector.broadcast %add3A_869 : i32 to vector<16xi32>
    %add3A_871 = arith.addi %mul3A_865, %add3A_870 : vector<16xi32>
    %select_n3A_872 = arith.select %lt3A_868, %add3A_871, %mul3A_865 : vector<16xi1>, vector<16xi32>
    %broadcast_in_dim3A_873 = vector.shape_cast %select_n3A_872 : vector<16xi32> to vector<16x1xi32>
    %gather3A_874 = vector.shape_cast %broadcast_in_dim3A_873 : vector<16x1xi32> to vector<16xi32>
    %gather3A_875 = tpu.dynamic_gather %select_n3A_826[%gather3A_874] in [0] : vector<16xf32>, vector<16xi32> -> vector<16xf32>
    %broadcast_in_dim3A_876 = arith.constant 1 : i32
    %broadcast_in_dim3A_877 = vector.broadcast %broadcast_in_dim3A_876 : i32 to vector<16xi32>
    %mul3A_878 = arith.constant 1 : i32
    %mul3A_879 = vector.broadcast %mul3A_878 : i32 to vector<16xi32>
    %mul3A_880 = arith.muli %broadcast_in_dim3A_877, %mul3A_879 : vector<16xi32>
    %lt3A_881 = arith.constant 0 : i32
    %lt3A_882 = vector.broadcast %lt3A_881 : i32 to vector<16xi32>
    %lt3A_883 = arith.cmpi slt, %mul3A_880, %lt3A_882 : vector<16xi32>
    %add3A_884 = arith.constant 16 : i32
    %add3A_885 = vector.broadcast %add3A_884 : i32 to vector<16xi32>
    %add3A_886 = arith.addi %mul3A_880, %add3A_885 : vector<16xi32>
    %select_n3A_887 = arith.select %lt3A_883, %add3A_886, %mul3A_880 : vector<16xi1>, vector<16xi32>
    %broadcast_in_dim3A_888 = vector.shape_cast %select_n3A_887 : vector<16xi32> to vector<16x1xi32>
    %gather3A_889 = vector.shape_cast %broadcast_in_dim3A_888 : vector<16x1xi32> to vector<16xi32>
    %gather3A_890 = tpu.dynamic_gather %select_n3A_826[%gather3A_889] in [0] : vector<16xf32>, vector<16xi32> -> vector<16xf32>
    %gt3A_891 = arith.cmpf ogt, %gather3A_845, %gather3A_875 : vector<16xf32>
    %eq3A_892 = arith.cmpf oeq, %gather3A_845, %gather3A_875 : vector<16xf32>
    %lt3A_893 = arith.cmpf olt, %gather3A_860, %gather3A_890 : vector<16xf32>
    %and3A_894 = arith.andi %eq3A_892, %lt3A_893 : vector<16xi1>
    %or3A_895 = arith.ori %gt3A_891, %and3A_894 : vector<16xi1>
    %select_n3A_896 = arith.select %or3A_895, %get3A_830, %select_n3A_826 : vector<16xi1>, vector<16xf32>
    %eq3A_897 = arith.constant 0 : i32
    %eq3A_898 = arith.cmpi eq, %select_n3A_30, %eq3A_897 : i32
    %convert_element_type3A_899 = arith.extui %eq3A_898 : i1 to i32
    %cond3A = arith.constant 0 : i32
    %cond3A_900 = arith.cmpi ne, %convert_element_type3A_899, %cond3A : i32
    scf.if %cond3A_900 {
      %add3A_957 = arith.constant 2 : i32
      %add3A_958 = vector.broadcast %add3A_957 : i32 to vector<16xi32>
      %add3A_959 = arith.addi %iota3A, %add3A_958 : vector<16xi32>
      %min3A = arith.constant 15 : i32
      %min3A_960 = vector.broadcast %min3A : i32 to vector<16xi32>
      %min3A_961 = arith.minsi %add3A_959, %min3A_960 : vector<16xi32>
      %lt3A_962 = arith.constant 0 : i32
      %lt3A_963 = vector.broadcast %lt3A_962 : i32 to vector<16xi32>
      %lt3A_964 = arith.cmpi slt, %min3A_961, %lt3A_963 : vector<16xi32>
      %add3A_965 = arith.constant 16 : i32
      %add3A_966 = vector.broadcast %add3A_965 : i32 to vector<16xi32>
      %add3A_967 = arith.addi %min3A_961, %add3A_966 : vector<16xi32>
      %select_n3A_968 = arith.select %lt3A_964, %add3A_967, %min3A_961 : vector<16xi1>, vector<16xi32>
      %broadcast_in_dim3A_969 = vector.shape_cast %select_n3A_968 : vector<16xi32> to vector<16x1xi32>
      %gather3A_970 = vector.shape_cast %broadcast_in_dim3A_969 : vector<16x1xi32> to vector<16xi32>
      %gather3A_971 = tpu.dynamic_gather %select_n3A_896[%gather3A_970] in [0] : vector<16xf32>, vector<16xi32> -> vector<16xf32>
      %eq3A_972 = arith.constant 0 : i32
      %eq3A_973 = vector.broadcast %eq3A_972 : i32 to vector<16xi32>
      %eq3A_974 = arith.cmpi eq, %iota3A, %eq3A_973 : vector<16xi32>
      %broadcast_in_dim3A_975 = vector.broadcast %convert_element_type3A : f32 to vector<16xf32>
      %select_n3A_976 = arith.select %eq3A_974, %broadcast_in_dim3A_975, %gather3A_971 : vector<16xi1>, vector<16xf32>
      %lt3A_977 = arith.constant 4 : i32
      %lt3A_978 = vector.broadcast %lt3A_977 : i32 to vector<16xi32>
      %lt3A_979 = arith.cmpi slt, %iota3A, %lt3A_978 : vector<16xi32>
      %swap3A_980 = arith.constant 0 : index
      %swap3A_981 = tpu.vector_load %arg15[%swap3A_980] masked %lt3A_979 {strides = array<i32>} : memref<4112xf32, #tpu.memory_space<vmem>>, vector<16xf32>, vector<16xi1>
      tpu.vector_store %arg15[%swap3A_980], %select_n3A_976 masked %lt3A_979 {strides = array<i32>} : memref<4112xf32, #tpu.memory_space<vmem>>, vector<16xf32>, vector<16xi1>
    } else {
    }
    %broadcast_in_dim3A_901 = arith.constant 1 : i32
    %broadcast_in_dim3A_902 = vector.broadcast %broadcast_in_dim3A_901 : i32 to vector<16xi32>
    %mul3A_903 = arith.constant 3 : i32
    %mul3A_904 = vector.broadcast %mul3A_903 : i32 to vector<16xi32>
    %mul3A_905 = arith.muli %broadcast_in_dim3A_902, %mul3A_904 : vector<16xi32>
    %lt3A_906 = arith.constant 0 : i32
    %lt3A_907 = vector.broadcast %lt3A_906 : i32 to vector<16xi32>
    %lt3A_908 = arith.cmpi slt, %mul3A_905, %lt3A_907 : vector<16xi32>
    %add3A_909 = arith.constant 16 : i32
    %add3A_910 = vector.broadcast %add3A_909 : i32 to vector<16xi32>
    %add3A_911 = arith.addi %mul3A_905, %add3A_910 : vector<16xi32>
    %select_n3A_912 = arith.select %lt3A_908, %add3A_911, %mul3A_905 : vector<16xi1>, vector<16xi32>
    %broadcast_in_dim3A_913 = vector.shape_cast %select_n3A_912 : vector<16xi32> to vector<16x1xi32>
    %gather3A_914 = vector.shape_cast %broadcast_in_dim3A_913 : vector<16x1xi32> to vector<16xi32>
    %gather3A_915 = tpu.dynamic_gather %select_n3A_896[%gather3A_914] in [0] : vector<16xf32>, vector<16xi32> -> vector<16xf32>
    %broadcast_in_dim3A_916 = arith.constant 1 : i32
    %broadcast_in_dim3A_917 = vector.broadcast %broadcast_in_dim3A_916 : i32 to vector<16xi32>
    %mul3A_918 = arith.constant 4 : i32
    %mul3A_919 = vector.broadcast %mul3A_918 : i32 to vector<16xi32>
    %mul3A_920 = arith.muli %broadcast_in_dim3A_917, %mul3A_919 : vector<16xi32>
    %lt3A_921 = arith.constant 0 : i32
    %lt3A_922 = vector.broadcast %lt3A_921 : i32 to vector<16xi32>
    %lt3A_923 = arith.cmpi slt, %mul3A_920, %lt3A_922 : vector<16xi32>
    %add3A_924 = arith.constant 16 : i32
    %add3A_925 = vector.broadcast %add3A_924 : i32 to vector<16xi32>
    %add3A_926 = arith.addi %mul3A_920, %add3A_925 : vector<16xi32>
    %select_n3A_927 = arith.select %lt3A_923, %add3A_926, %mul3A_920 : vector<16xi1>, vector<16xi32>
    %broadcast_in_dim3A_928 = vector.shape_cast %select_n3A_927 : vector<16xi32> to vector<16x1xi32>
    %gather3A_929 = vector.shape_cast %broadcast_in_dim3A_928 : vector<16x1xi32> to vector<16xi32>
    %gather3A_930 = tpu.dynamic_gather %select_n3A_896[%gather3A_929] in [0] : vector<16xf32>, vector<16xi32> -> vector<16xf32>
    %broadcast_in_dim3A_931 = arith.constant 1 : i32
    %broadcast_in_dim3A_932 = vector.broadcast %broadcast_in_dim3A_931 : i32 to vector<16xi32>
    %mul3A_933 = arith.constant 5 : i32
    %mul3A_934 = vector.broadcast %mul3A_933 : i32 to vector<16xi32>
    %mul3A_935 = arith.muli %broadcast_in_dim3A_932, %mul3A_934 : vector<16xi32>
    %lt3A_936 = arith.constant 0 : i32
    %lt3A_937 = vector.broadcast %lt3A_936 : i32 to vector<16xi32>
    %lt3A_938 = arith.cmpi slt, %mul3A_935, %lt3A_937 : vector<16xi32>
    %add3A_939 = arith.constant 16 : i32
    %add3A_940 = vector.broadcast %add3A_939 : i32 to vector<16xi32>
    %add3A_941 = arith.addi %mul3A_935, %add3A_940 : vector<16xi32>
    %select_n3A_942 = arith.select %lt3A_938, %add3A_941, %mul3A_935 : vector<16xi1>, vector<16xi32>
    %broadcast_in_dim3A_943 = vector.shape_cast %select_n3A_942 : vector<16xi32> to vector<16x1xi32>
    %gather3A_944 = vector.shape_cast %broadcast_in_dim3A_943 : vector<16x1xi32> to vector<16xi32>
    %gather3A_945 = tpu.dynamic_gather %select_n3A_896[%gather3A_944] in [0] : vector<16xf32>, vector<16xi32> -> vector<16xf32>
    %scan3A_946 = arith.constant 1 : i32
    %scan3A_947 = arith.constant 1023 : i32
    %scan3A_948 = arith.addi %scan3A_946, %scan3A_947 : i32
    %scan3A_949 = arith.constant 1 : i32
    %scan3A_950:3 = scf.for %scan3A_957 = %scan3A_946 to %scan3A_948 step %scan3A_949 iter_args(%scan3A_958 = %gather3A_915, %scan3A_959 = %gather3A_930, %scan3A_960 = %gather3A_945) -> (vector<16xf32>, vector<16xf32>, vector<16xf32>)  : i32 {
      %broadcast_in_dim3A_961 = arith.constant -1.000000e+00 : f32
      %broadcast_in_dim3A_962 = vector.broadcast %broadcast_in_dim3A_961 : f32 to vector<16xf32>
      %parallel_loop3A = arith.constant 0 : i32
      %parallel_loop3A_963 = arith.constant 128 : i32
      %parallel_loop3A_964 = arith.constant 1 : i32
      %parallel_loop3A_965:2 = scf.for %parallel_loop3A_1687 = %parallel_loop3A to %parallel_loop3A_963 step %parallel_loop3A_964 iter_args(%parallel_loop3A_1688 = %broadcast_in_dim3A_962, %parallel_loop3A_1689 = %broadcast_in_dim3A_59) -> (vector<16xf32>, vector<16xi32>)  : i32 {
        %parallel_loop3A_1690 = arith.constant 16 : i32
        %parallel_loop3A_1691 = arith.muli %parallel_loop3A_1687, %parallel_loop3A_1690 : i32
        %parallel_loop3A_1692 = arith.index_cast %parallel_loop3A_1691 : i32 to index
        %parallel_loop3A_1693 = tpu.vector_load %arg9[%parallel_loop3A_1692] {strides = array<i32>} : memref<2064xf32, #tpu.memory_space<vmem>>, vector<16xf32>,
        %parallel_loop3A_1694 = arith.subf %parallel_loop3A_1693, %scan3A_958 : vector<16xf32>
        %parallel_loop3A_1695 = arith.index_cast %parallel_loop3A_1691 : i32 to index
        %parallel_loop3A_1696 = tpu.vector_load %arg10[%parallel_loop3A_1695] {strides = array<i32>} : memref<2064xf32, #tpu.memory_space<vmem>>, vector<16xf32>,
        %parallel_loop3A_1697 = arith.subf %parallel_loop3A_1696, %scan3A_959 : vector<16xf32>
        %parallel_loop3A_1698 = arith.index_cast %parallel_loop3A_1691 : i32 to index
        %parallel_loop3A_1699 = tpu.vector_load %arg11[%parallel_loop3A_1698] {strides = array<i32>} : memref<2064xf32, #tpu.memory_space<vmem>>, vector<16xf32>,
        %parallel_loop3A_1700 = arith.subf %parallel_loop3A_1699, %scan3A_960 : vector<16xf32>
        %parallel_loop3A_1701 = arith.mulf %parallel_loop3A_1694, %parallel_loop3A_1694 : vector<16xf32>
        %parallel_loop3A_1702 = arith.mulf %parallel_loop3A_1697, %parallel_loop3A_1697 : vector<16xf32>
        %parallel_loop3A_1703 = arith.addf %parallel_loop3A_1701, %parallel_loop3A_1702 : vector<16xf32>
        %parallel_loop3A_1704 = arith.mulf %parallel_loop3A_1700, %parallel_loop3A_1700 : vector<16xf32>
        %parallel_loop3A_1705 = arith.addf %parallel_loop3A_1703, %parallel_loop3A_1704 : vector<16xf32>
        %parallel_loop3A_1706 = arith.index_cast %parallel_loop3A_1691 : i32 to index
        %parallel_loop3A_1707 = tpu.vector_load %arg12[%parallel_loop3A_1706] {strides = array<i32>} : memref<2048xf32, #tpu.memory_space<vmem>>, vector<16xf32>,
        %parallel_loop3A_1708 = arith.minimumf %parallel_loop3A_1707, %parallel_loop3A_1705 : vector<16xf32>
        %parallel_loop3A_1709 = arith.index_cast %parallel_loop3A_1691 : i32 to index
        %parallel_loop3A_1710 = tpu.vector_load %arg12[%parallel_loop3A_1709] {strides = array<i32>} : memref<2048xf32, #tpu.memory_space<vmem>>, vector<16xf32>,
        tpu.vector_store %arg12[%parallel_loop3A_1709], %parallel_loop3A_1708 {strides = array<i32>} : memref<2048xf32, #tpu.memory_space<vmem>>, vector<16xf32>,
        %parallel_loop3A_1711 = arith.cmpf ogt, %parallel_loop3A_1708, %parallel_loop3A_1688 : vector<16xf32>
        %parallel_loop3A_1712 = arith.select %parallel_loop3A_1711, %parallel_loop3A_1708, %parallel_loop3A_1688 : vector<16xi1>, vector<16xf32>
        %parallel_loop3A_1713 = vector.broadcast %parallel_loop3A_1687 : i32 to vector<16xi32>
        %parallel_loop3A_1714 = arith.select %parallel_loop3A_1711, %parallel_loop3A_1713, %parallel_loop3A_1689 : vector<16xi1>, vector<16xi32>
        scf.yield %parallel_loop3A_1712, %parallel_loop3A_1714 : vector<16xf32>, vector<16xi32>
      } {sc.loop_unroll_factor = 16 : i64, sc.parallel_access}
      %reduce_max3A = arith.constant true
      %reduce_max3A_966 = vector.broadcast %reduce_max3A : i1 to vector<16xi1>
      %reduce_max3A_967 = tpu.scan <max>, %parallel_loop3A_965#0 masked %reduce_max3A_966 : vector<16xf32>, vector<16xi1> -> vector<16xf32>
      %reduce_max3A_968 = vector.extract %reduce_max3A_967[15] : f32 from vector<16xf32>
      %mul3A_969 = arith.constant 16 : i32
      %mul3A_970 = vector.broadcast %mul3A_969 : i32 to vector<16xi32>
      %mul3A_971 = arith.muli %parallel_loop3A_965#1, %mul3A_970 : vector<16xi32>
      %add3A_972 = arith.addi %mul3A_971, %iota3A : vector<16xi32>
      %eq3A_973 = vector.broadcast %reduce_max3A_968 : f32 to vector<16xf32>
      %eq3A_974 = arith.cmpf oeq, %parallel_loop3A_965#0, %eq3A_973 : vector<16xf32>
      %jit3A_975 = arith.constant 1073741824 : i32
      %broadcast_in_dim3A_976 = vector.broadcast %jit3A_975 : i32 to vector<16xi32>
      %select_n3A_977 = arith.select %eq3A_974, %add3A_972, %broadcast_in_dim3A_976 : vector<16xi1>, vector<16xi32>
      %reduce_min3A = arith.constant true
      %reduce_min3A_978 = vector.broadcast %reduce_min3A : i1 to vector<16xi1>
      %reduce_min3A_979 = arith.constant -2147483648 : i32
      %reduce_min3A_980 = vector.broadcast %reduce_min3A_979 : i32 to vector<16xi32>
      %reduce_min3A_981 = arith.xori %select_n3A_977, %reduce_min3A_980 : vector<16xi32>
      %reduce_min3A_982 = tpu.scan <min>, %reduce_min3A_981 masked %reduce_min3A_978 : vector<16xi32>, vector<16xi1> -> vector<16xi32>
      %reduce_min3A_983 = arith.xori %reduce_min3A_982, %reduce_min3A_980 : vector<16xi32>
      %reduce_min3A_984 = vector.extract %reduce_min3A_983[15] : i32 from vector<16xi32>
      %jit3A_985 = arith.constant 16 : i32
      %div3A_986 = arith.divsi %reduce_min3A_984, %jit3A_985 : i32
      %sign3A_987 = arith.constant 0 : i32
      %sign3A_988 = arith.cmpi sgt, %reduce_min3A_984, %sign3A_987 : i32
      %sign3A_989 = arith.extui %sign3A_988 : i1 to i32
      %sign3A_990 = arith.constant 0 : i32
      %sign3A_991 = arith.cmpi slt, %reduce_min3A_984, %sign3A_990 : i32
      %sign3A_992 = arith.extui %sign3A_991 : i1 to i32
      %sign3A_993 = arith.subi %sign3A_989, %sign3A_992 : i32
      %sign3A_994 = arith.constant 0 : i32
      %sign3A_995 = arith.cmpi sgt, %jit3A_985, %sign3A_994 : i32
      %sign3A_996 = arith.extui %sign3A_995 : i1 to i32
      %sign3A_997 = arith.constant 0 : i32
      %sign3A_998 = arith.cmpi slt, %jit3A_985, %sign3A_997 : i32
      %sign3A_999 = arith.extui %sign3A_998 : i1 to i32
      %sign3A_1000 = arith.subi %sign3A_996, %sign3A_999 : i32
      %ne3A_1001 = arith.cmpi ne, %sign3A_993, %sign3A_1000 : i32
      %rem3A_1002 = arith.remsi %reduce_min3A_984, %jit3A_985 : i32
      %ne3A_1003 = arith.constant 0 : i32
      %ne3A_1004 = arith.cmpi ne, %rem3A_1002, %ne3A_1003 : i32
      %and3A_1005 = arith.andi %ne3A_1001, %ne3A_1004 : i1
      %sub3A_1006 = arith.constant 1 : i32
      %sub3A_1007 = arith.subi %div3A_986, %sub3A_1006 : i32
      %select_n3A_1008 = arith.select %and3A_1005, %sub3A_1007, %div3A_986 : i32
      %jit3A_1009 = arith.constant 16 : i32
      %eq3A_1010 = arith.constant 0 : i32
      %eq3A_1011 = arith.cmpi eq, %jit3A_1009, %eq3A_1010 : i32
      %jit3A_1012 = arith.constant 1 : i32
      %select_n3A_1013 = arith.select %eq3A_1011, %jit3A_1012, %jit3A_1009 : i32
      %rem3A_1014 = arith.remsi %reduce_min3A_984, %select_n3A_1013 : i32
      %ne3A_1015 = arith.constant 0 : i32
      %ne3A_1016 = arith.cmpi ne, %rem3A_1014, %ne3A_1015 : i32
      %lt3A_1017 = arith.constant 0 : i32
      %lt3A_1018 = arith.cmpi slt, %rem3A_1014, %lt3A_1017 : i32
      %lt3A_1019 = arith.constant 0 : i32
      %lt3A_1020 = arith.cmpi slt, %select_n3A_1013, %lt3A_1019 : i32
      %ne3A_1021 = arith.xori %lt3A_1018, %lt3A_1020 : i1
      %and3A_1022 = arith.andi %ne3A_1021, %ne3A_1016 : i1
      %add3A_1023 = arith.addi %rem3A_1014, %select_n3A_1013 : i32
      %select_n3A_1024 = arith.select %and3A_1022, %add3A_1023, %rem3A_1014 : i32
      %mul3A_1025 = arith.constant 16 : i32
      %mul3A_1026 = arith.muli %select_n3A_1008, %mul3A_1025 : i32
      %get3A_1027 = arith.index_cast %mul3A_1026 : i32 to index
      %get3A_1028 = tpu.vector_load %arg9[%get3A_1027] {strides = array<i32>} : memref<2064xf32, #tpu.memory_space<vmem>>, vector<16xf32>,
      %broadcast_in_dim3A_1029 = arith.constant 1 : i32
      %broadcast_in_dim3A_1030 = vector.broadcast %broadcast_in_dim3A_1029 : i32 to vector<16xi32>
      %mul3A_1031 = vector.broadcast %select_n3A_1024 : i32 to vector<16xi32>
      %mul3A_1032 = arith.muli %broadcast_in_dim3A_1030, %mul3A_1031 : vector<16xi32>
      %lt3A_1033 = arith.constant 0 : i32
      %lt3A_1034 = vector.broadcast %lt3A_1033 : i32 to vector<16xi32>
      %lt3A_1035 = arith.cmpi slt, %mul3A_1032, %lt3A_1034 : vector<16xi32>
      %add3A_1036 = arith.constant 16 : i32
      %add3A_1037 = vector.broadcast %add3A_1036 : i32 to vector<16xi32>
      %add3A_1038 = arith.addi %mul3A_1032, %add3A_1037 : vector<16xi32>
      %select_n3A_1039 = arith.select %lt3A_1035, %add3A_1038, %mul3A_1032 : vector<16xi1>, vector<16xi32>
      %broadcast_in_dim3A_1040 = vector.shape_cast %select_n3A_1039 : vector<16xi32> to vector<16x1xi32>
      %gather3A_1041 = vector.shape_cast %broadcast_in_dim3A_1040 : vector<16x1xi32> to vector<16xi32>
      %gather3A_1042 = tpu.dynamic_gather %get3A_1028[%gather3A_1041] in [0] : vector<16xf32>, vector<16xi32> -> vector<16xf32>
      %get3A_1043 = arith.index_cast %mul3A_1026 : i32 to index
      %get3A_1044 = tpu.vector_load %arg10[%get3A_1043] {strides = array<i32>} : memref<2064xf32, #tpu.memory_space<vmem>>, vector<16xf32>,
      %broadcast_in_dim3A_1045 = arith.constant 1 : i32
      %broadcast_in_dim3A_1046 = vector.broadcast %broadcast_in_dim3A_1045 : i32 to vector<16xi32>
      %mul3A_1047 = vector.broadcast %select_n3A_1024 : i32 to vector<16xi32>
      %mul3A_1048 = arith.muli %broadcast_in_dim3A_1046, %mul3A_1047 : vector<16xi32>
      %lt3A_1049 = arith.constant 0 : i32
      %lt3A_1050 = vector.broadcast %lt3A_1049 : i32 to vector<16xi32>
      %lt3A_1051 = arith.cmpi slt, %mul3A_1048, %lt3A_1050 : vector<16xi32>
      %add3A_1052 = arith.constant 16 : i32
      %add3A_1053 = vector.broadcast %add3A_1052 : i32 to vector<16xi32>
      %add3A_1054 = arith.addi %mul3A_1048, %add3A_1053 : vector<16xi32>
      %select_n3A_1055 = arith.select %lt3A_1051, %add3A_1054, %mul3A_1048 : vector<16xi1>, vector<16xi32>
      %broadcast_in_dim3A_1056 = vector.shape_cast %select_n3A_1055 : vector<16xi32> to vector<16x1xi32>
      %gather3A_1057 = vector.shape_cast %broadcast_in_dim3A_1056 : vector<16x1xi32> to vector<16xi32>
      %gather3A_1058 = tpu.dynamic_gather %get3A_1044[%gather3A_1057] in [0] : vector<16xf32>, vector<16xi32> -> vector<16xf32>
      %get3A_1059 = arith.index_cast %mul3A_1026 : i32 to index
      %get3A_1060 = tpu.vector_load %arg11[%get3A_1059] {strides = array<i32>} : memref<2064xf32, #tpu.memory_space<vmem>>, vector<16xf32>,
      %broadcast_in_dim3A_1061 = arith.constant 1 : i32
      %broadcast_in_dim3A_1062 = vector.broadcast %broadcast_in_dim3A_1061 : i32 to vector<16xi32>
      %mul3A_1063 = vector.broadcast %select_n3A_1024 : i32 to vector<16xi32>
      %mul3A_1064 = arith.muli %broadcast_in_dim3A_1062, %mul3A_1063 : vector<16xi32>
      %lt3A_1065 = arith.constant 0 : i32
      %lt3A_1066 = vector.broadcast %lt3A_1065 : i32 to vector<16xi32>
      %lt3A_1067 = arith.cmpi slt, %mul3A_1064, %lt3A_1066 : vector<16xi32>
      %add3A_1068 = arith.constant 16 : i32
      %add3A_1069 = vector.broadcast %add3A_1068 : i32 to vector<16xi32>
      %add3A_1070 = arith.addi %mul3A_1064, %add3A_1069 : vector<16xi32>
      %select_n3A_1071 = arith.select %lt3A_1067, %add3A_1070, %mul3A_1064 : vector<16xi1>, vector<16xi32>
      %broadcast_in_dim3A_1072 = vector.shape_cast %select_n3A_1071 : vector<16xi32> to vector<16x1xi32>
      %gather3A_1073 = vector.shape_cast %broadcast_in_dim3A_1072 : vector<16x1xi32> to vector<16xi32>
      %gather3A_1074 = tpu.dynamic_gather %get3A_1060[%gather3A_1073] in [0] : vector<16xf32>, vector<16xi32> -> vector<16xf32>
      %get3A_1075 = arith.index_cast %mul3A_1026 : i32 to index
      %get3A_1076 = tpu.vector_load %arg8[%get3A_1075] {strides = array<i32>} : memref<2064xi32, #tpu.memory_space<vmem>>, vector<16xi32>,
      %convert_element_type3A_1077 = arith.sitofp %get3A_1076 : vector<16xi32> to vector<16xf32>
      %broadcast_in_dim3A_1078 = arith.constant 1 : i32
      %broadcast_in_dim3A_1079 = vector.broadcast %broadcast_in_dim3A_1078 : i32 to vector<16xi32>
      %mul3A_1080 = vector.broadcast %select_n3A_1024 : i32 to vector<16xi32>
      %mul3A_1081 = arith.muli %broadcast_in_dim3A_1079, %mul3A_1080 : vector<16xi32>
      %lt3A_1082 = arith.constant 0 : i32
      %lt3A_1083 = vector.broadcast %lt3A_1082 : i32 to vector<16xi32>
      %lt3A_1084 = arith.cmpi slt, %mul3A_1081, %lt3A_1083 : vector<16xi32>
      %add3A_1085 = arith.constant 16 : i32
      %add3A_1086 = vector.broadcast %add3A_1085 : i32 to vector<16xi32>
      %add3A_1087 = arith.addi %mul3A_1081, %add3A_1086 : vector<16xi32>
      %select_n3A_1088 = arith.select %lt3A_1084, %add3A_1087, %mul3A_1081 : vector<16xi1>, vector<16xi32>
      %broadcast_in_dim3A_1089 = vector.shape_cast %select_n3A_1088 : vector<16xi32> to vector<16x1xi32>
      %gather3A_1090 = vector.shape_cast %broadcast_in_dim3A_1089 : vector<16x1xi32> to vector<16xi32>
      %gather3A_1091 = tpu.dynamic_gather %convert_element_type3A_1077[%gather3A_1090] in [0] : vector<16xf32>, vector<16xi32> -> vector<16xf32>
      %add3A_1092 = arith.addi %mul3A_32, %reduce_min3A_984 : i32
      %convert_element_type3A_1093 = arith.sitofp %add3A_1092 : i32 to f32
      %eq3A_1094 = arith.constant 0 : i32
      %eq3A_1095 = vector.broadcast %eq3A_1094 : i32 to vector<16xi32>
      %eq3A_1096 = arith.cmpi eq, %iota3A, %eq3A_1095 : vector<16xi32>
      %eq3A_1097 = arith.constant 1 : i32
      %eq3A_1098 = vector.broadcast %eq3A_1097 : i32 to vector<16xi32>
      %eq3A_1099 = arith.cmpi eq, %iota3A, %eq3A_1098 : vector<16xi32>
      %eq3A_1100 = arith.constant 2 : i32
      %eq3A_1101 = vector.broadcast %eq3A_1100 : i32 to vector<16xi32>
      %eq3A_1102 = arith.cmpi eq, %iota3A, %eq3A_1101 : vector<16xi32>
      %eq3A_1103 = arith.constant 3 : i32
      %eq3A_1104 = vector.broadcast %eq3A_1103 : i32 to vector<16xi32>
      %eq3A_1105 = arith.cmpi eq, %iota3A, %eq3A_1104 : vector<16xi32>
      %eq3A_1106 = arith.constant 4 : i32
      %eq3A_1107 = vector.broadcast %eq3A_1106 : i32 to vector<16xi32>
      %eq3A_1108 = arith.cmpi eq, %iota3A, %eq3A_1107 : vector<16xi32>
      %eq3A_1109 = arith.constant 5 : i32
      %eq3A_1110 = vector.broadcast %eq3A_1109 : i32 to vector<16xi32>
      %eq3A_1111 = arith.cmpi eq, %iota3A, %eq3A_1110 : vector<16xi32>
      %jit3A_1112 = arith.constant 0.000000e+00 : f32
      %broadcast_in_dim3A_1113 = vector.broadcast %jit3A_1112 : f32 to vector<16xf32>
      %select_n3A_1114 = arith.select %eq3A_1111, %gather3A_1074, %broadcast_in_dim3A_1113 : vector<16xi1>, vector<16xf32>
      %select_n3A_1115 = arith.select %eq3A_1108, %gather3A_1058, %select_n3A_1114 : vector<16xi1>, vector<16xf32>
      %select_n3A_1116 = arith.select %eq3A_1105, %gather3A_1042, %select_n3A_1115 : vector<16xi1>, vector<16xf32>
      %select_n3A_1117 = arith.select %eq3A_1102, %gather3A_1091, %select_n3A_1116 : vector<16xi1>, vector<16xf32>
      %broadcast_in_dim3A_1118 = vector.broadcast %convert_element_type3A_1093 : f32 to vector<16xf32>
      %select_n3A_1119 = arith.select %eq3A_1099, %broadcast_in_dim3A_1118, %select_n3A_1117 : vector<16xi1>, vector<16xf32>
      %broadcast_in_dim3A_1120 = vector.broadcast %reduce_max3A_968 : f32 to vector<16xf32>
      %select_n3A_1121 = arith.select %eq3A_1096, %broadcast_in_dim3A_1120, %select_n3A_1119 : vector<16xi1>, vector<16xf32>
      %swap3A_1122 = arith.constant 0 : index
      %swap3A_1123 = tpu.vector_load %arg13[%swap3A_1122] {strides = array<i32>} : memref<16xf32, #tpu.memory_space<vmem>>, vector<16xf32>,
      tpu.vector_store %arg13[%swap3A_1122], %select_n3A_1121 {strides = array<i32>} : memref<16xf32, #tpu.memory_space<vmem>>, vector<16xf32>,
      %jit3A_1124 = arith.constant 2 : i32
      %eq3A_1125 = arith.constant 0 : i32
      %eq3A_1126 = arith.cmpi eq, %jit3A_1124, %eq3A_1125 : i32
      %jit3A_1127 = arith.constant 1 : i32
      %select_n3A_1128 = arith.select %eq3A_1126, %jit3A_1127, %jit3A_1124 : i32
      %rem3A_1129 = arith.remsi %scan3A_957, %select_n3A_1128 : i32
      %ne3A_1130 = arith.constant 0 : i32
      %ne3A_1131 = arith.cmpi ne, %rem3A_1129, %ne3A_1130 : i32
      %lt3A_1132 = arith.constant 0 : i32
      %lt3A_1133 = arith.cmpi slt, %rem3A_1129, %lt3A_1132 : i32
      %lt3A_1134 = arith.constant 0 : i32
      %lt3A_1135 = arith.cmpi slt, %select_n3A_1128, %lt3A_1134 : i32
      %ne3A_1136 = arith.xori %lt3A_1133, %lt3A_1135 : i1
      %and3A_1137 = arith.andi %ne3A_1136, %ne3A_1131 : i1
      %add3A_1138 = arith.addi %rem3A_1129, %select_n3A_1128 : i32
      %select_n3A_1139 = arith.select %and3A_1137, %add3A_1138, %rem3A_1129 : i32
      %add3A_1140 = arith.constant 1 : i32
      %add3A_1141 = arith.addi %add3A_1140, %select_n3A_1139 : i32
      "tpu.region"() ({
        %run_scoped3A_1687 = tpu.sem_alloc : memref<!tpu.dma_semaphore, #tpu.memory_space<semaphore_mem>>
        %dma_start3A = arith.constant 0 : i32
        %dma_start3A_1688 = tpu.memref_slice %arg16[%add3A_1141, %arg1, %dma_start3A] : memref<4x16x16xf32, #tpu.memory_space<vmem_shared>> -> memref<1x1x16xf32, #tpu.memory_space<vmem_shared>>
        %dma_start3A_1689 = tpu.memref_squeeze %dma_start3A_1688 : memref<1x1x16xf32, #tpu.memory_space<vmem_shared>> -> memref<16xf32, #tpu.memory_space<vmem_shared>>
        %dma_start3A_1690 = arith.constant 0 : i32
        %dma_start3A_1691 = tpu.memref_slice %arg16[%add3A_1141, %arg1, %dma_start3A_1690] : memref<4x16x16xf32, #tpu.memory_space<vmem_shared>> -> memref<1x1x16xf32, #tpu.memory_space<vmem_shared>>
        %dma_start3A_1692 = tpu.memref_squeeze %dma_start3A_1691 : memref<1x1x16xf32, #tpu.memory_space<vmem_shared>> -> memref<16xf32, #tpu.memory_space<vmem_shared>>
        tpu.enqueue_dma source(%arg13 : memref<16xf32, #tpu.memory_space<vmem>>) target(%dma_start3A_1692 : memref<16xf32, #tpu.memory_space<vmem_shared>>) target_semaphore(%run_scoped3A_1687 : memref<!tpu.dma_semaphore, #tpu.memory_space<semaphore_mem>>)
        %dma_wait3A = arith.constant 0 : i32
        %dma_wait3A_1693 = tpu.memref_slice %arg16[%add3A_1141, %arg1, %dma_wait3A] : memref<4x16x16xf32, #tpu.memory_space<vmem_shared>> -> memref<1x1x16xf32, #tpu.memory_space<vmem_shared>>
        %dma_wait3A_1694 = tpu.memref_squeeze %dma_wait3A_1693 : memref<1x1x16xf32, #tpu.memory_space<vmem_shared>> -> memref<16xf32, #tpu.memory_space<vmem_shared>>
        %dma_wait3A_1695 = arith.constant 0 : i32
        %dma_wait3A_1696 = tpu.memref_slice %arg16[%add3A_1141, %arg1, %dma_wait3A_1695] : memref<4x16x16xf32, #tpu.memory_space<vmem_shared>> -> memref<1x1x16xf32, #tpu.memory_space<vmem_shared>>
        %dma_wait3A_1697 = tpu.memref_squeeze %dma_wait3A_1696 : memref<1x1x16xf32, #tpu.memory_space<vmem_shared>> -> memref<16xf32, #tpu.memory_space<vmem_shared>>
        tpu.wait_dma2 semaphore(%run_scoped3A_1687 : memref<!tpu.dma_semaphore, #tpu.memory_space<semaphore_mem>>) src(%arg13 : memref<16xf32, #tpu.memory_space<vmem>>) dst(%dma_wait3A_1697 : memref<16xf32, #tpu.memory_space<vmem_shared>>)
        tpu.yield
      }) : () -> ()
      %barrier3A_1142 = arith.constant 0 : index
      tpu.barrier barrier_id(%barrier3A_1142)
      "tpu.region"() ({
        %run_scoped3A_1687 = tpu.sem_alloc : memref<!tpu.dma_semaphore, #tpu.memory_space<semaphore_mem>>
        %dma_start3A = arith.constant 0 : i32
        %dma_start3A_1688 = tpu.memref_slice %arg16[%add3A_1141, %mul3A_58, %dma_start3A] : memref<4x16x16xf32, #tpu.memory_space<vmem_shared>> -> memref<1x8x16xf32, #tpu.memory_space<vmem_shared>>
        %dma_start3A_1689 = tpu.memref_squeeze %dma_start3A_1688 : memref<1x8x16xf32, #tpu.memory_space<vmem_shared>> -> memref<8x16xf32, #tpu.memory_space<vmem_shared>>
        %dma_start3A_1690 = arith.constant 0 : i32
        %dma_start3A_1691 = tpu.memref_slice %arg16[%add3A_1141, %mul3A_58, %dma_start3A_1690] : memref<4x16x16xf32, #tpu.memory_space<vmem_shared>> -> memref<1x8x16xf32, #tpu.memory_space<vmem_shared>>
        %dma_start3A_1692 = tpu.memref_squeeze %dma_start3A_1691 : memref<1x8x16xf32, #tpu.memory_space<vmem_shared>> -> memref<8x16xf32, #tpu.memory_space<vmem_shared>>
        tpu.enqueue_dma source(%dma_start3A_1692 : memref<8x16xf32, #tpu.memory_space<vmem_shared>>) target(%arg14 : memref<8x16xf32, #tpu.memory_space<vmem>>) target_semaphore(%run_scoped3A_1687 : memref<!tpu.dma_semaphore, #tpu.memory_space<semaphore_mem>>)
        %dma_wait3A = arith.constant 0 : i32
        %dma_wait3A_1693 = tpu.memref_slice %arg16[%add3A_1141, %mul3A_58, %dma_wait3A] : memref<4x16x16xf32, #tpu.memory_space<vmem_shared>> -> memref<1x8x16xf32, #tpu.memory_space<vmem_shared>>
        %dma_wait3A_1694 = tpu.memref_squeeze %dma_wait3A_1693 : memref<1x8x16xf32, #tpu.memory_space<vmem_shared>> -> memref<8x16xf32, #tpu.memory_space<vmem_shared>>
        %dma_wait3A_1695 = arith.constant 0 : i32
        %dma_wait3A_1696 = tpu.memref_slice %arg16[%add3A_1141, %mul3A_58, %dma_wait3A_1695] : memref<4x16x16xf32, #tpu.memory_space<vmem_shared>> -> memref<1x8x16xf32, #tpu.memory_space<vmem_shared>>
        %dma_wait3A_1697 = tpu.memref_squeeze %dma_wait3A_1696 : memref<1x8x16xf32, #tpu.memory_space<vmem_shared>> -> memref<8x16xf32, #tpu.memory_space<vmem_shared>>
        tpu.wait_dma2 semaphore(%run_scoped3A_1687 : memref<!tpu.dma_semaphore, #tpu.memory_space<semaphore_mem>>) src(%dma_wait3A_1697 : memref<8x16xf32, #tpu.memory_space<vmem_shared>>) dst(%arg14 : memref<8x16xf32, #tpu.memory_space<vmem>>)
        tpu.yield
      }) : () -> ()
      %get3A_1143 = arith.constant 0 : i32
      %get3A_1144 = arith.index_cast %get3A_1143 : i32 to index
      %get3A_1145 = arith.constant 0 : index
      %get3A_1146 = tpu.vector_load %arg14[%get3A_1144, %get3A_1145] {strides = array<i32>} : memref<8x16xf32, #tpu.memory_space<vmem>>, vector<16xf32>,
      %get3A_1147 = arith.constant 1 : i32
      %get3A_1148 = arith.index_cast %get3A_1147 : i32 to index
      %get3A_1149 = arith.constant 0 : index
      %get3A_1150 = tpu.vector_load %arg14[%get3A_1148, %get3A_1149] {strides = array<i32>} : memref<8x16xf32, #tpu.memory_space<vmem>>, vector<16xf32>,
      %broadcast_in_dim3A_1151 = arith.constant 1 : i32
      %broadcast_in_dim3A_1152 = vector.broadcast %broadcast_in_dim3A_1151 : i32 to vector<16xi32>
      %mul3A_1153 = arith.constant 0 : i32
      %mul3A_1154 = vector.broadcast %mul3A_1153 : i32 to vector<16xi32>
      %mul3A_1155 = arith.muli %broadcast_in_dim3A_1152, %mul3A_1154 : vector<16xi32>
      %lt3A_1156 = arith.constant 0 : i32
      %lt3A_1157 = vector.broadcast %lt3A_1156 : i32 to vector<16xi32>
      %lt3A_1158 = arith.cmpi slt, %mul3A_1155, %lt3A_1157 : vector<16xi32>
      %add3A_1159 = arith.constant 16 : i32
      %add3A_1160 = vector.broadcast %add3A_1159 : i32 to vector<16xi32>
      %add3A_1161 = arith.addi %mul3A_1155, %add3A_1160 : vector<16xi32>
      %select_n3A_1162 = arith.select %lt3A_1158, %add3A_1161, %mul3A_1155 : vector<16xi1>, vector<16xi32>
      %broadcast_in_dim3A_1163 = vector.shape_cast %select_n3A_1162 : vector<16xi32> to vector<16x1xi32>
      %gather3A_1164 = vector.shape_cast %broadcast_in_dim3A_1163 : vector<16x1xi32> to vector<16xi32>
      %gather3A_1165 = tpu.dynamic_gather %get3A_1150[%gather3A_1164] in [0] : vector<16xf32>, vector<16xi32> -> vector<16xf32>
      %broadcast_in_dim3A_1166 = arith.constant 1 : i32
      %broadcast_in_dim3A_1167 = vector.broadcast %broadcast_in_dim3A_1166 : i32 to vector<16xi32>
      %mul3A_1168 = arith.constant 1 : i32
      %mul3A_1169 = vector.broadcast %mul3A_1168 : i32 to vector<16xi32>
      %mul3A_1170 = arith.muli %broadcast_in_dim3A_1167, %mul3A_1169 : vector<16xi32>
      %lt3A_1171 = arith.constant 0 : i32
      %lt3A_1172 = vector.broadcast %lt3A_1171 : i32 to vector<16xi32>
      %lt3A_1173 = arith.cmpi slt, %mul3A_1170, %lt3A_1172 : vector<16xi32>
      %add3A_1174 = arith.constant 16 : i32
      %add3A_1175 = vector.broadcast %add3A_1174 : i32 to vector<16xi32>
      %add3A_1176 = arith.addi %mul3A_1170, %add3A_1175 : vector<16xi32>
      %select_n3A_1177 = arith.select %lt3A_1173, %add3A_1176, %mul3A_1170 : vector<16xi1>, vector<16xi32>
      %broadcast_in_dim3A_1178 = vector.shape_cast %select_n3A_1177 : vector<16xi32> to vector<16x1xi32>
      %gather3A_1179 = vector.shape_cast %broadcast_in_dim3A_1178 : vector<16x1xi32> to vector<16xi32>
      %gather3A_1180 = tpu.dynamic_gather %get3A_1150[%gather3A_1179] in [0] : vector<16xf32>, vector<16xi32> -> vector<16xf32>
      %broadcast_in_dim3A_1181 = arith.constant 1 : i32
      %broadcast_in_dim3A_1182 = vector.broadcast %broadcast_in_dim3A_1181 : i32 to vector<16xi32>
      %mul3A_1183 = arith.constant 0 : i32
      %mul3A_1184 = vector.broadcast %mul3A_1183 : i32 to vector<16xi32>
      %mul3A_1185 = arith.muli %broadcast_in_dim3A_1182, %mul3A_1184 : vector<16xi32>
      %lt3A_1186 = arith.constant 0 : i32
      %lt3A_1187 = vector.broadcast %lt3A_1186 : i32 to vector<16xi32>
      %lt3A_1188 = arith.cmpi slt, %mul3A_1185, %lt3A_1187 : vector<16xi32>
      %add3A_1189 = arith.constant 16 : i32
      %add3A_1190 = vector.broadcast %add3A_1189 : i32 to vector<16xi32>
      %add3A_1191 = arith.addi %mul3A_1185, %add3A_1190 : vector<16xi32>
      %select_n3A_1192 = arith.select %lt3A_1188, %add3A_1191, %mul3A_1185 : vector<16xi1>, vector<16xi32>
      %broadcast_in_dim3A_1193 = vector.shape_cast %select_n3A_1192 : vector<16xi32> to vector<16x1xi32>
      %gather3A_1194 = vector.shape_cast %broadcast_in_dim3A_1193 : vector<16x1xi32> to vector<16xi32>
      %gather3A_1195 = tpu.dynamic_gather %get3A_1146[%gather3A_1194] in [0] : vector<16xf32>, vector<16xi32> -> vector<16xf32>
      %broadcast_in_dim3A_1196 = arith.constant 1 : i32
      %broadcast_in_dim3A_1197 = vector.broadcast %broadcast_in_dim3A_1196 : i32 to vector<16xi32>
      %mul3A_1198 = arith.constant 1 : i32
      %mul3A_1199 = vector.broadcast %mul3A_1198 : i32 to vector<16xi32>
      %mul3A_1200 = arith.muli %broadcast_in_dim3A_1197, %mul3A_1199 : vector<16xi32>
      %lt3A_1201 = arith.constant 0 : i32
      %lt3A_1202 = vector.broadcast %lt3A_1201 : i32 to vector<16xi32>
      %lt3A_1203 = arith.cmpi slt, %mul3A_1200, %lt3A_1202 : vector<16xi32>
      %add3A_1204 = arith.constant 16 : i32
      %add3A_1205 = vector.broadcast %add3A_1204 : i32 to vector<16xi32>
      %add3A_1206 = arith.addi %mul3A_1200, %add3A_1205 : vector<16xi32>
      %select_n3A_1207 = arith.select %lt3A_1203, %add3A_1206, %mul3A_1200 : vector<16xi1>, vector<16xi32>
      %broadcast_in_dim3A_1208 = vector.shape_cast %select_n3A_1207 : vector<16xi32> to vector<16x1xi32>
      %gather3A_1209 = vector.shape_cast %broadcast_in_dim3A_1208 : vector<16x1xi32> to vector<16xi32>
      %gather3A_1210 = tpu.dynamic_gather %get3A_1146[%gather3A_1209] in [0] : vector<16xf32>, vector<16xi32> -> vector<16xf32>
      %gt3A_1211 = arith.cmpf ogt, %gather3A_1165, %gather3A_1195 : vector<16xf32>
      %eq3A_1212 = arith.cmpf oeq, %gather3A_1165, %gather3A_1195 : vector<16xf32>
      %lt3A_1213 = arith.cmpf olt, %gather3A_1180, %gather3A_1210 : vector<16xf32>
      %and3A_1214 = arith.andi %eq3A_1212, %lt3A_1213 : vector<16xi1>
      %or3A_1215 = arith.ori %gt3A_1211, %and3A_1214 : vector<16xi1>
      %select_n3A_1216 = arith.select %or3A_1215, %get3A_1150, %get3A_1146 : vector<16xi1>, vector<16xf32>
      %get3A_1217 = arith.constant 2 : i32
      %get3A_1218 = arith.index_cast %get3A_1217 : i32 to index
      %get3A_1219 = arith.constant 0 : index
      %get3A_1220 = tpu.vector_load %arg14[%get3A_1218, %get3A_1219] {strides = array<i32>} : memref<8x16xf32, #tpu.memory_space<vmem>>, vector<16xf32>,
      %broadcast_in_dim3A_1221 = arith.constant 1 : i32
      %broadcast_in_dim3A_1222 = vector.broadcast %broadcast_in_dim3A_1221 : i32 to vector<16xi32>
      %mul3A_1223 = arith.constant 0 : i32
      %mul3A_1224 = vector.broadcast %mul3A_1223 : i32 to vector<16xi32>
      %mul3A_1225 = arith.muli %broadcast_in_dim3A_1222, %mul3A_1224 : vector<16xi32>
      %lt3A_1226 = arith.constant 0 : i32
      %lt3A_1227 = vector.broadcast %lt3A_1226 : i32 to vector<16xi32>
      %lt3A_1228 = arith.cmpi slt, %mul3A_1225, %lt3A_1227 : vector<16xi32>
      %add3A_1229 = arith.constant 16 : i32
      %add3A_1230 = vector.broadcast %add3A_1229 : i32 to vector<16xi32>
      %add3A_1231 = arith.addi %mul3A_1225, %add3A_1230 : vector<16xi32>
      %select_n3A_1232 = arith.select %lt3A_1228, %add3A_1231, %mul3A_1225 : vector<16xi1>, vector<16xi32>
      %broadcast_in_dim3A_1233 = vector.shape_cast %select_n3A_1232 : vector<16xi32> to vector<16x1xi32>
      %gather3A_1234 = vector.shape_cast %broadcast_in_dim3A_1233 : vector<16x1xi32> to vector<16xi32>
      %gather3A_1235 = tpu.dynamic_gather %get3A_1220[%gather3A_1234] in [0] : vector<16xf32>, vector<16xi32> -> vector<16xf32>
      %broadcast_in_dim3A_1236 = arith.constant 1 : i32
      %broadcast_in_dim3A_1237 = vector.broadcast %broadcast_in_dim3A_1236 : i32 to vector<16xi32>
      %mul3A_1238 = arith.constant 1 : i32
      %mul3A_1239 = vector.broadcast %mul3A_1238 : i32 to vector<16xi32>
      %mul3A_1240 = arith.muli %broadcast_in_dim3A_1237, %mul3A_1239 : vector<16xi32>
      %lt3A_1241 = arith.constant 0 : i32
      %lt3A_1242 = vector.broadcast %lt3A_1241 : i32 to vector<16xi32>
      %lt3A_1243 = arith.cmpi slt, %mul3A_1240, %lt3A_1242 : vector<16xi32>
      %add3A_1244 = arith.constant 16 : i32
      %add3A_1245 = vector.broadcast %add3A_1244 : i32 to vector<16xi32>
      %add3A_1246 = arith.addi %mul3A_1240, %add3A_1245 : vector<16xi32>
      %select_n3A_1247 = arith.select %lt3A_1243, %add3A_1246, %mul3A_1240 : vector<16xi1>, vector<16xi32>
      %broadcast_in_dim3A_1248 = vector.shape_cast %select_n3A_1247 : vector<16xi32> to vector<16x1xi32>
      %gather3A_1249 = vector.shape_cast %broadcast_in_dim3A_1248 : vector<16x1xi32> to vector<16xi32>
      %gather3A_1250 = tpu.dynamic_gather %get3A_1220[%gather3A_1249] in [0] : vector<16xf32>, vector<16xi32> -> vector<16xf32>
      %broadcast_in_dim3A_1251 = arith.constant 1 : i32
      %broadcast_in_dim3A_1252 = vector.broadcast %broadcast_in_dim3A_1251 : i32 to vector<16xi32>
      %mul3A_1253 = arith.constant 0 : i32
      %mul3A_1254 = vector.broadcast %mul3A_1253 : i32 to vector<16xi32>
      %mul3A_1255 = arith.muli %broadcast_in_dim3A_1252, %mul3A_1254 : vector<16xi32>
      %lt3A_1256 = arith.constant 0 : i32
      %lt3A_1257 = vector.broadcast %lt3A_1256 : i32 to vector<16xi32>
      %lt3A_1258 = arith.cmpi slt, %mul3A_1255, %lt3A_1257 : vector<16xi32>
      %add3A_1259 = arith.constant 16 : i32
      %add3A_1260 = vector.broadcast %add3A_1259 : i32 to vector<16xi32>
      %add3A_1261 = arith.addi %mul3A_1255, %add3A_1260 : vector<16xi32>
      %select_n3A_1262 = arith.select %lt3A_1258, %add3A_1261, %mul3A_1255 : vector<16xi1>, vector<16xi32>
      %broadcast_in_dim3A_1263 = vector.shape_cast %select_n3A_1262 : vector<16xi32> to vector<16x1xi32>
      %gather3A_1264 = vector.shape_cast %broadcast_in_dim3A_1263 : vector<16x1xi32> to vector<16xi32>
      %gather3A_1265 = tpu.dynamic_gather %select_n3A_1216[%gather3A_1264] in [0] : vector<16xf32>, vector<16xi32> -> vector<16xf32>
      %broadcast_in_dim3A_1266 = arith.constant 1 : i32
      %broadcast_in_dim3A_1267 = vector.broadcast %broadcast_in_dim3A_1266 : i32 to vector<16xi32>
      %mul3A_1268 = arith.constant 1 : i32
      %mul3A_1269 = vector.broadcast %mul3A_1268 : i32 to vector<16xi32>
      %mul3A_1270 = arith.muli %broadcast_in_dim3A_1267, %mul3A_1269 : vector<16xi32>
      %lt3A_1271 = arith.constant 0 : i32
      %lt3A_1272 = vector.broadcast %lt3A_1271 : i32 to vector<16xi32>
      %lt3A_1273 = arith.cmpi slt, %mul3A_1270, %lt3A_1272 : vector<16xi32>
      %add3A_1274 = arith.constant 16 : i32
      %add3A_1275 = vector.broadcast %add3A_1274 : i32 to vector<16xi32>
      %add3A_1276 = arith.addi %mul3A_1270, %add3A_1275 : vector<16xi32>
      %select_n3A_1277 = arith.select %lt3A_1273, %add3A_1276, %mul3A_1270 : vector<16xi1>, vector<16xi32>
      %broadcast_in_dim3A_1278 = vector.shape_cast %select_n3A_1277 : vector<16xi32> to vector<16x1xi32>
      %gather3A_1279 = vector.shape_cast %broadcast_in_dim3A_1278 : vector<16x1xi32> to vector<16xi32>
      %gather3A_1280 = tpu.dynamic_gather %select_n3A_1216[%gather3A_1279] in [0] : vector<16xf32>, vector<16xi32> -> vector<16xf32>
      %gt3A_1281 = arith.cmpf ogt, %gather3A_1235, %gather3A_1265 : vector<16xf32>
      %eq3A_1282 = arith.cmpf oeq, %gather3A_1235, %gather3A_1265 : vector<16xf32>
      %lt3A_1283 = arith.cmpf olt, %gather3A_1250, %gather3A_1280 : vector<16xf32>
      %and3A_1284 = arith.andi %eq3A_1282, %lt3A_1283 : vector<16xi1>
      %or3A_1285 = arith.ori %gt3A_1281, %and3A_1284 : vector<16xi1>
      %select_n3A_1286 = arith.select %or3A_1285, %get3A_1220, %select_n3A_1216 : vector<16xi1>, vector<16xf32>
      %get3A_1287 = arith.constant 3 : i32
      %get3A_1288 = arith.index_cast %get3A_1287 : i32 to index
      %get3A_1289 = arith.constant 0 : index
      %get3A_1290 = tpu.vector_load %arg14[%get3A_1288, %get3A_1289] {strides = array<i32>} : memref<8x16xf32, #tpu.memory_space<vmem>>, vector<16xf32>,
      %broadcast_in_dim3A_1291 = arith.constant 1 : i32
      %broadcast_in_dim3A_1292 = vector.broadcast %broadcast_in_dim3A_1291 : i32 to vector<16xi32>
      %mul3A_1293 = arith.constant 0 : i32
      %mul3A_1294 = vector.broadcast %mul3A_1293 : i32 to vector<16xi32>
      %mul3A_1295 = arith.muli %broadcast_in_dim3A_1292, %mul3A_1294 : vector<16xi32>
      %lt3A_1296 = arith.constant 0 : i32
      %lt3A_1297 = vector.broadcast %lt3A_1296 : i32 to vector<16xi32>
      %lt3A_1298 = arith.cmpi slt, %mul3A_1295, %lt3A_1297 : vector<16xi32>
      %add3A_1299 = arith.constant 16 : i32
      %add3A_1300 = vector.broadcast %add3A_1299 : i32 to vector<16xi32>
      %add3A_1301 = arith.addi %mul3A_1295, %add3A_1300 : vector<16xi32>
      %select_n3A_1302 = arith.select %lt3A_1298, %add3A_1301, %mul3A_1295 : vector<16xi1>, vector<16xi32>
      %broadcast_in_dim3A_1303 = vector.shape_cast %select_n3A_1302 : vector<16xi32> to vector<16x1xi32>
      %gather3A_1304 = vector.shape_cast %broadcast_in_dim3A_1303 : vector<16x1xi32> to vector<16xi32>
      %gather3A_1305 = tpu.dynamic_gather %get3A_1290[%gather3A_1304] in [0] : vector<16xf32>, vector<16xi32> -> vector<16xf32>
      %broadcast_in_dim3A_1306 = arith.constant 1 : i32
      %broadcast_in_dim3A_1307 = vector.broadcast %broadcast_in_dim3A_1306 : i32 to vector<16xi32>
      %mul3A_1308 = arith.constant 1 : i32
      %mul3A_1309 = vector.broadcast %mul3A_1308 : i32 to vector<16xi32>
      %mul3A_1310 = arith.muli %broadcast_in_dim3A_1307, %mul3A_1309 : vector<16xi32>
      %lt3A_1311 = arith.constant 0 : i32
      %lt3A_1312 = vector.broadcast %lt3A_1311 : i32 to vector<16xi32>
      %lt3A_1313 = arith.cmpi slt, %mul3A_1310, %lt3A_1312 : vector<16xi32>
      %add3A_1314 = arith.constant 16 : i32
      %add3A_1315 = vector.broadcast %add3A_1314 : i32 to vector<16xi32>
      %add3A_1316 = arith.addi %mul3A_1310, %add3A_1315 : vector<16xi32>
      %select_n3A_1317 = arith.select %lt3A_1313, %add3A_1316, %mul3A_1310 : vector<16xi1>, vector<16xi32>
      %broadcast_in_dim3A_1318 = vector.shape_cast %select_n3A_1317 : vector<16xi32> to vector<16x1xi32>
      %gather3A_1319 = vector.shape_cast %broadcast_in_dim3A_1318 : vector<16x1xi32> to vector<16xi32>
      %gather3A_1320 = tpu.dynamic_gather %get3A_1290[%gather3A_1319] in [0] : vector<16xf32>, vector<16xi32> -> vector<16xf32>
      %broadcast_in_dim3A_1321 = arith.constant 1 : i32
      %broadcast_in_dim3A_1322 = vector.broadcast %broadcast_in_dim3A_1321 : i32 to vector<16xi32>
      %mul3A_1323 = arith.constant 0 : i32
      %mul3A_1324 = vector.broadcast %mul3A_1323 : i32 to vector<16xi32>
      %mul3A_1325 = arith.muli %broadcast_in_dim3A_1322, %mul3A_1324 : vector<16xi32>
      %lt3A_1326 = arith.constant 0 : i32
      %lt3A_1327 = vector.broadcast %lt3A_1326 : i32 to vector<16xi32>
      %lt3A_1328 = arith.cmpi slt, %mul3A_1325, %lt3A_1327 : vector<16xi32>
      %add3A_1329 = arith.constant 16 : i32
      %add3A_1330 = vector.broadcast %add3A_1329 : i32 to vector<16xi32>
      %add3A_1331 = arith.addi %mul3A_1325, %add3A_1330 : vector<16xi32>
      %select_n3A_1332 = arith.select %lt3A_1328, %add3A_1331, %mul3A_1325 : vector<16xi1>, vector<16xi32>
      %broadcast_in_dim3A_1333 = vector.shape_cast %select_n3A_1332 : vector<16xi32> to vector<16x1xi32>
      %gather3A_1334 = vector.shape_cast %broadcast_in_dim3A_1333 : vector<16x1xi32> to vector<16xi32>
      %gather3A_1335 = tpu.dynamic_gather %select_n3A_1286[%gather3A_1334] in [0] : vector<16xf32>, vector<16xi32> -> vector<16xf32>
      %broadcast_in_dim3A_1336 = arith.constant 1 : i32
      %broadcast_in_dim3A_1337 = vector.broadcast %broadcast_in_dim3A_1336 : i32 to vector<16xi32>
      %mul3A_1338 = arith.constant 1 : i32
      %mul3A_1339 = vector.broadcast %mul3A_1338 : i32 to vector<16xi32>
      %mul3A_1340 = arith.muli %broadcast_in_dim3A_1337, %mul3A_1339 : vector<16xi32>
      %lt3A_1341 = arith.constant 0 : i32
      %lt3A_1342 = vector.broadcast %lt3A_1341 : i32 to vector<16xi32>
      %lt3A_1343 = arith.cmpi slt, %mul3A_1340, %lt3A_1342 : vector<16xi32>
      %add3A_1344 = arith.constant 16 : i32
      %add3A_1345 = vector.broadcast %add3A_1344 : i32 to vector<16xi32>
      %add3A_1346 = arith.addi %mul3A_1340, %add3A_1345 : vector<16xi32>
      %select_n3A_1347 = arith.select %lt3A_1343, %add3A_1346, %mul3A_1340 : vector<16xi1>, vector<16xi32>
      %broadcast_in_dim3A_1348 = vector.shape_cast %select_n3A_1347 : vector<16xi32> to vector<16x1xi32>
      %gather3A_1349 = vector.shape_cast %broadcast_in_dim3A_1348 : vector<16x1xi32> to vector<16xi32>
      %gather3A_1350 = tpu.dynamic_gather %select_n3A_1286[%gather3A_1349] in [0] : vector<16xf32>, vector<16xi32> -> vector<16xf32>
      %gt3A_1351 = arith.cmpf ogt, %gather3A_1305, %gather3A_1335 : vector<16xf32>
      %eq3A_1352 = arith.cmpf oeq, %gather3A_1305, %gather3A_1335 : vector<16xf32>
      %lt3A_1353 = arith.cmpf olt, %gather3A_1320, %gather3A_1350 : vector<16xf32>
      %and3A_1354 = arith.andi %eq3A_1352, %lt3A_1353 : vector<16xi1>
      %or3A_1355 = arith.ori %gt3A_1351, %and3A_1354 : vector<16xi1>
      %select_n3A_1356 = arith.select %or3A_1355, %get3A_1290, %select_n3A_1286 : vector<16xi1>, vector<16xf32>
      %get3A_1357 = arith.constant 4 : i32
      %get3A_1358 = arith.index_cast %get3A_1357 : i32 to index
      %get3A_1359 = arith.constant 0 : index
      %get3A_1360 = tpu.vector_load %arg14[%get3A_1358, %get3A_1359] {strides = array<i32>} : memref<8x16xf32, #tpu.memory_space<vmem>>, vector<16xf32>,
      %broadcast_in_dim3A_1361 = arith.constant 1 : i32
      %broadcast_in_dim3A_1362 = vector.broadcast %broadcast_in_dim3A_1361 : i32 to vector<16xi32>
      %mul3A_1363 = arith.constant 0 : i32
      %mul3A_1364 = vector.broadcast %mul3A_1363 : i32 to vector<16xi32>
      %mul3A_1365 = arith.muli %broadcast_in_dim3A_1362, %mul3A_1364 : vector<16xi32>
      %lt3A_1366 = arith.constant 0 : i32
      %lt3A_1367 = vector.broadcast %lt3A_1366 : i32 to vector<16xi32>
      %lt3A_1368 = arith.cmpi slt, %mul3A_1365, %lt3A_1367 : vector<16xi32>
      %add3A_1369 = arith.constant 16 : i32
      %add3A_1370 = vector.broadcast %add3A_1369 : i32 to vector<16xi32>
      %add3A_1371 = arith.addi %mul3A_1365, %add3A_1370 : vector<16xi32>
      %select_n3A_1372 = arith.select %lt3A_1368, %add3A_1371, %mul3A_1365 : vector<16xi1>, vector<16xi32>
      %broadcast_in_dim3A_1373 = vector.shape_cast %select_n3A_1372 : vector<16xi32> to vector<16x1xi32>
      %gather3A_1374 = vector.shape_cast %broadcast_in_dim3A_1373 : vector<16x1xi32> to vector<16xi32>
      %gather3A_1375 = tpu.dynamic_gather %get3A_1360[%gather3A_1374] in [0] : vector<16xf32>, vector<16xi32> -> vector<16xf32>
      %broadcast_in_dim3A_1376 = arith.constant 1 : i32
      %broadcast_in_dim3A_1377 = vector.broadcast %broadcast_in_dim3A_1376 : i32 to vector<16xi32>
      %mul3A_1378 = arith.constant 1 : i32
      %mul3A_1379 = vector.broadcast %mul3A_1378 : i32 to vector<16xi32>
      %mul3A_1380 = arith.muli %broadcast_in_dim3A_1377, %mul3A_1379 : vector<16xi32>
      %lt3A_1381 = arith.constant 0 : i32
      %lt3A_1382 = vector.broadcast %lt3A_1381 : i32 to vector<16xi32>
      %lt3A_1383 = arith.cmpi slt, %mul3A_1380, %lt3A_1382 : vector<16xi32>
      %add3A_1384 = arith.constant 16 : i32
      %add3A_1385 = vector.broadcast %add3A_1384 : i32 to vector<16xi32>
      %add3A_1386 = arith.addi %mul3A_1380, %add3A_1385 : vector<16xi32>
      %select_n3A_1387 = arith.select %lt3A_1383, %add3A_1386, %mul3A_1380 : vector<16xi1>, vector<16xi32>
      %broadcast_in_dim3A_1388 = vector.shape_cast %select_n3A_1387 : vector<16xi32> to vector<16x1xi32>
      %gather3A_1389 = vector.shape_cast %broadcast_in_dim3A_1388 : vector<16x1xi32> to vector<16xi32>
      %gather3A_1390 = tpu.dynamic_gather %get3A_1360[%gather3A_1389] in [0] : vector<16xf32>, vector<16xi32> -> vector<16xf32>
      %broadcast_in_dim3A_1391 = arith.constant 1 : i32
      %broadcast_in_dim3A_1392 = vector.broadcast %broadcast_in_dim3A_1391 : i32 to vector<16xi32>
      %mul3A_1393 = arith.constant 0 : i32
      %mul3A_1394 = vector.broadcast %mul3A_1393 : i32 to vector<16xi32>
      %mul3A_1395 = arith.muli %broadcast_in_dim3A_1392, %mul3A_1394 : vector<16xi32>
      %lt3A_1396 = arith.constant 0 : i32
      %lt3A_1397 = vector.broadcast %lt3A_1396 : i32 to vector<16xi32>
      %lt3A_1398 = arith.cmpi slt, %mul3A_1395, %lt3A_1397 : vector<16xi32>
      %add3A_1399 = arith.constant 16 : i32
      %add3A_1400 = vector.broadcast %add3A_1399 : i32 to vector<16xi32>
      %add3A_1401 = arith.addi %mul3A_1395, %add3A_1400 : vector<16xi32>
      %select_n3A_1402 = arith.select %lt3A_1398, %add3A_1401, %mul3A_1395 : vector<16xi1>, vector<16xi32>
      %broadcast_in_dim3A_1403 = vector.shape_cast %select_n3A_1402 : vector<16xi32> to vector<16x1xi32>
      %gather3A_1404 = vector.shape_cast %broadcast_in_dim3A_1403 : vector<16x1xi32> to vector<16xi32>
      %gather3A_1405 = tpu.dynamic_gather %select_n3A_1356[%gather3A_1404] in [0] : vector<16xf32>, vector<16xi32> -> vector<16xf32>
      %broadcast_in_dim3A_1406 = arith.constant 1 : i32
      %broadcast_in_dim3A_1407 = vector.broadcast %broadcast_in_dim3A_1406 : i32 to vector<16xi32>
      %mul3A_1408 = arith.constant 1 : i32
      %mul3A_1409 = vector.broadcast %mul3A_1408 : i32 to vector<16xi32>
      %mul3A_1410 = arith.muli %broadcast_in_dim3A_1407, %mul3A_1409 : vector<16xi32>
      %lt3A_1411 = arith.constant 0 : i32
      %lt3A_1412 = vector.broadcast %lt3A_1411 : i32 to vector<16xi32>
      %lt3A_1413 = arith.cmpi slt, %mul3A_1410, %lt3A_1412 : vector<16xi32>
      %add3A_1414 = arith.constant 16 : i32
      %add3A_1415 = vector.broadcast %add3A_1414 : i32 to vector<16xi32>
      %add3A_1416 = arith.addi %mul3A_1410, %add3A_1415 : vector<16xi32>
      %select_n3A_1417 = arith.select %lt3A_1413, %add3A_1416, %mul3A_1410 : vector<16xi1>, vector<16xi32>
      %broadcast_in_dim3A_1418 = vector.shape_cast %select_n3A_1417 : vector<16xi32> to vector<16x1xi32>
      %gather3A_1419 = vector.shape_cast %broadcast_in_dim3A_1418 : vector<16x1xi32> to vector<16xi32>
      %gather3A_1420 = tpu.dynamic_gather %select_n3A_1356[%gather3A_1419] in [0] : vector<16xf32>, vector<16xi32> -> vector<16xf32>
      %gt3A_1421 = arith.cmpf ogt, %gather3A_1375, %gather3A_1405 : vector<16xf32>
      %eq3A_1422 = arith.cmpf oeq, %gather3A_1375, %gather3A_1405 : vector<16xf32>
      %lt3A_1423 = arith.cmpf olt, %gather3A_1390, %gather3A_1420 : vector<16xf32>
      %and3A_1424 = arith.andi %eq3A_1422, %lt3A_1423 : vector<16xi1>
      %or3A_1425 = arith.ori %gt3A_1421, %and3A_1424 : vector<16xi1>
      %select_n3A_1426 = arith.select %or3A_1425, %get3A_1360, %select_n3A_1356 : vector<16xi1>, vector<16xf32>
      %get3A_1427 = arith.constant 5 : i32
      %get3A_1428 = arith.index_cast %get3A_1427 : i32 to index
      %get3A_1429 = arith.constant 0 : index
      %get3A_1430 = tpu.vector_load %arg14[%get3A_1428, %get3A_1429] {strides = array<i32>} : memref<8x16xf32, #tpu.memory_space<vmem>>, vector<16xf32>,
      %broadcast_in_dim3A_1431 = arith.constant 1 : i32
      %broadcast_in_dim3A_1432 = vector.broadcast %broadcast_in_dim3A_1431 : i32 to vector<16xi32>
      %mul3A_1433 = arith.constant 0 : i32
      %mul3A_1434 = vector.broadcast %mul3A_1433 : i32 to vector<16xi32>
      %mul3A_1435 = arith.muli %broadcast_in_dim3A_1432, %mul3A_1434 : vector<16xi32>
      %lt3A_1436 = arith.constant 0 : i32
      %lt3A_1437 = vector.broadcast %lt3A_1436 : i32 to vector<16xi32>
      %lt3A_1438 = arith.cmpi slt, %mul3A_1435, %lt3A_1437 : vector<16xi32>
      %add3A_1439 = arith.constant 16 : i32
      %add3A_1440 = vector.broadcast %add3A_1439 : i32 to vector<16xi32>
      %add3A_1441 = arith.addi %mul3A_1435, %add3A_1440 : vector<16xi32>
      %select_n3A_1442 = arith.select %lt3A_1438, %add3A_1441, %mul3A_1435 : vector<16xi1>, vector<16xi32>
      %broadcast_in_dim3A_1443 = vector.shape_cast %select_n3A_1442 : vector<16xi32> to vector<16x1xi32>
      %gather3A_1444 = vector.shape_cast %broadcast_in_dim3A_1443 : vector<16x1xi32> to vector<16xi32>
      %gather3A_1445 = tpu.dynamic_gather %get3A_1430[%gather3A_1444] in [0] : vector<16xf32>, vector<16xi32> -> vector<16xf32>
      %broadcast_in_dim3A_1446 = arith.constant 1 : i32
      %broadcast_in_dim3A_1447 = vector.broadcast %broadcast_in_dim3A_1446 : i32 to vector<16xi32>
      %mul3A_1448 = arith.constant 1 : i32
      %mul3A_1449 = vector.broadcast %mul3A_1448 : i32 to vector<16xi32>
      %mul3A_1450 = arith.muli %broadcast_in_dim3A_1447, %mul3A_1449 : vector<16xi32>
      %lt3A_1451 = arith.constant 0 : i32
      %lt3A_1452 = vector.broadcast %lt3A_1451 : i32 to vector<16xi32>
      %lt3A_1453 = arith.cmpi slt, %mul3A_1450, %lt3A_1452 : vector<16xi32>
      %add3A_1454 = arith.constant 16 : i32
      %add3A_1455 = vector.broadcast %add3A_1454 : i32 to vector<16xi32>
      %add3A_1456 = arith.addi %mul3A_1450, %add3A_1455 : vector<16xi32>
      %select_n3A_1457 = arith.select %lt3A_1453, %add3A_1456, %mul3A_1450 : vector<16xi1>, vector<16xi32>
      %broadcast_in_dim3A_1458 = vector.shape_cast %select_n3A_1457 : vector<16xi32> to vector<16x1xi32>
      %gather3A_1459 = vector.shape_cast %broadcast_in_dim3A_1458 : vector<16x1xi32> to vector<16xi32>
      %gather3A_1460 = tpu.dynamic_gather %get3A_1430[%gather3A_1459] in [0] : vector<16xf32>, vector<16xi32> -> vector<16xf32>
      %broadcast_in_dim3A_1461 = arith.constant 1 : i32
      %broadcast_in_dim3A_1462 = vector.broadcast %broadcast_in_dim3A_1461 : i32 to vector<16xi32>
      %mul3A_1463 = arith.constant 0 : i32
      %mul3A_1464 = vector.broadcast %mul3A_1463 : i32 to vector<16xi32>
      %mul3A_1465 = arith.muli %broadcast_in_dim3A_1462, %mul3A_1464 : vector<16xi32>
      %lt3A_1466 = arith.constant 0 : i32
      %lt3A_1467 = vector.broadcast %lt3A_1466 : i32 to vector<16xi32>
      %lt3A_1468 = arith.cmpi slt, %mul3A_1465, %lt3A_1467 : vector<16xi32>
      %add3A_1469 = arith.constant 16 : i32
      %add3A_1470 = vector.broadcast %add3A_1469 : i32 to vector<16xi32>
      %add3A_1471 = arith.addi %mul3A_1465, %add3A_1470 : vector<16xi32>
      %select_n3A_1472 = arith.select %lt3A_1468, %add3A_1471, %mul3A_1465 : vector<16xi1>, vector<16xi32>
      %broadcast_in_dim3A_1473 = vector.shape_cast %select_n3A_1472 : vector<16xi32> to vector<16x1xi32>
      %gather3A_1474 = vector.shape_cast %broadcast_in_dim3A_1473 : vector<16x1xi32> to vector<16xi32>
      %gather3A_1475 = tpu.dynamic_gather %select_n3A_1426[%gather3A_1474] in [0] : vector<16xf32>, vector<16xi32> -> vector<16xf32>
      %broadcast_in_dim3A_1476 = arith.constant 1 : i32
      %broadcast_in_dim3A_1477 = vector.broadcast %broadcast_in_dim3A_1476 : i32 to vector<16xi32>
      %mul3A_1478 = arith.constant 1 : i32
      %mul3A_1479 = vector.broadcast %mul3A_1478 : i32 to vector<16xi32>
      %mul3A_1480 = arith.muli %broadcast_in_dim3A_1477, %mul3A_1479 : vector<16xi32>
      %lt3A_1481 = arith.constant 0 : i32
      %lt3A_1482 = vector.broadcast %lt3A_1481 : i32 to vector<16xi32>
      %lt3A_1483 = arith.cmpi slt, %mul3A_1480, %lt3A_1482 : vector<16xi32>
      %add3A_1484 = arith.constant 16 : i32
      %add3A_1485 = vector.broadcast %add3A_1484 : i32 to vector<16xi32>
      %add3A_1486 = arith.addi %mul3A_1480, %add3A_1485 : vector<16xi32>
      %select_n3A_1487 = arith.select %lt3A_1483, %add3A_1486, %mul3A_1480 : vector<16xi1>, vector<16xi32>
      %broadcast_in_dim3A_1488 = vector.shape_cast %select_n3A_1487 : vector<16xi32> to vector<16x1xi32>
      %gather3A_1489 = vector.shape_cast %broadcast_in_dim3A_1488 : vector<16x1xi32> to vector<16xi32>
      %gather3A_1490 = tpu.dynamic_gather %select_n3A_1426[%gather3A_1489] in [0] : vector<16xf32>, vector<16xi32> -> vector<16xf32>
      %gt3A_1491 = arith.cmpf ogt, %gather3A_1445, %gather3A_1475 : vector<16xf32>
      %eq3A_1492 = arith.cmpf oeq, %gather3A_1445, %gather3A_1475 : vector<16xf32>
      %lt3A_1493 = arith.cmpf olt, %gather3A_1460, %gather3A_1490 : vector<16xf32>
      %and3A_1494 = arith.andi %eq3A_1492, %lt3A_1493 : vector<16xi1>
      %or3A_1495 = arith.ori %gt3A_1491, %and3A_1494 : vector<16xi1>
      %select_n3A_1496 = arith.select %or3A_1495, %get3A_1430, %select_n3A_1426 : vector<16xi1>, vector<16xf32>
      %get3A_1497 = arith.constant 6 : i32
      %get3A_1498 = arith.index_cast %get3A_1497 : i32 to index
      %get3A_1499 = arith.constant 0 : index
      %get3A_1500 = tpu.vector_load %arg14[%get3A_1498, %get3A_1499] {strides = array<i32>} : memref<8x16xf32, #tpu.memory_space<vmem>>, vector<16xf32>,
      %broadcast_in_dim3A_1501 = arith.constant 1 : i32
      %broadcast_in_dim3A_1502 = vector.broadcast %broadcast_in_dim3A_1501 : i32 to vector<16xi32>
      %mul3A_1503 = arith.constant 0 : i32
      %mul3A_1504 = vector.broadcast %mul3A_1503 : i32 to vector<16xi32>
      %mul3A_1505 = arith.muli %broadcast_in_dim3A_1502, %mul3A_1504 : vector<16xi32>
      %lt3A_1506 = arith.constant 0 : i32
      %lt3A_1507 = vector.broadcast %lt3A_1506 : i32 to vector<16xi32>
      %lt3A_1508 = arith.cmpi slt, %mul3A_1505, %lt3A_1507 : vector<16xi32>
      %add3A_1509 = arith.constant 16 : i32
      %add3A_1510 = vector.broadcast %add3A_1509 : i32 to vector<16xi32>
      %add3A_1511 = arith.addi %mul3A_1505, %add3A_1510 : vector<16xi32>
      %select_n3A_1512 = arith.select %lt3A_1508, %add3A_1511, %mul3A_1505 : vector<16xi1>, vector<16xi32>
      %broadcast_in_dim3A_1513 = vector.shape_cast %select_n3A_1512 : vector<16xi32> to vector<16x1xi32>
      %gather3A_1514 = vector.shape_cast %broadcast_in_dim3A_1513 : vector<16x1xi32> to vector<16xi32>
      %gather3A_1515 = tpu.dynamic_gather %get3A_1500[%gather3A_1514] in [0] : vector<16xf32>, vector<16xi32> -> vector<16xf32>
      %broadcast_in_dim3A_1516 = arith.constant 1 : i32
      %broadcast_in_dim3A_1517 = vector.broadcast %broadcast_in_dim3A_1516 : i32 to vector<16xi32>
      %mul3A_1518 = arith.constant 1 : i32
      %mul3A_1519 = vector.broadcast %mul3A_1518 : i32 to vector<16xi32>
      %mul3A_1520 = arith.muli %broadcast_in_dim3A_1517, %mul3A_1519 : vector<16xi32>
      %lt3A_1521 = arith.constant 0 : i32
      %lt3A_1522 = vector.broadcast %lt3A_1521 : i32 to vector<16xi32>
      %lt3A_1523 = arith.cmpi slt, %mul3A_1520, %lt3A_1522 : vector<16xi32>
      %add3A_1524 = arith.constant 16 : i32
      %add3A_1525 = vector.broadcast %add3A_1524 : i32 to vector<16xi32>
      %add3A_1526 = arith.addi %mul3A_1520, %add3A_1525 : vector<16xi32>
      %select_n3A_1527 = arith.select %lt3A_1523, %add3A_1526, %mul3A_1520 : vector<16xi1>, vector<16xi32>
      %broadcast_in_dim3A_1528 = vector.shape_cast %select_n3A_1527 : vector<16xi32> to vector<16x1xi32>
      %gather3A_1529 = vector.shape_cast %broadcast_in_dim3A_1528 : vector<16x1xi32> to vector<16xi32>
      %gather3A_1530 = tpu.dynamic_gather %get3A_1500[%gather3A_1529] in [0] : vector<16xf32>, vector<16xi32> -> vector<16xf32>
      %broadcast_in_dim3A_1531 = arith.constant 1 : i32
      %broadcast_in_dim3A_1532 = vector.broadcast %broadcast_in_dim3A_1531 : i32 to vector<16xi32>
      %mul3A_1533 = arith.constant 0 : i32
      %mul3A_1534 = vector.broadcast %mul3A_1533 : i32 to vector<16xi32>
      %mul3A_1535 = arith.muli %broadcast_in_dim3A_1532, %mul3A_1534 : vector<16xi32>
      %lt3A_1536 = arith.constant 0 : i32
      %lt3A_1537 = vector.broadcast %lt3A_1536 : i32 to vector<16xi32>
      %lt3A_1538 = arith.cmpi slt, %mul3A_1535, %lt3A_1537 : vector<16xi32>
      %add3A_1539 = arith.constant 16 : i32
      %add3A_1540 = vector.broadcast %add3A_1539 : i32 to vector<16xi32>
      %add3A_1541 = arith.addi %mul3A_1535, %add3A_1540 : vector<16xi32>
      %select_n3A_1542 = arith.select %lt3A_1538, %add3A_1541, %mul3A_1535 : vector<16xi1>, vector<16xi32>
      %broadcast_in_dim3A_1543 = vector.shape_cast %select_n3A_1542 : vector<16xi32> to vector<16x1xi32>
      %gather3A_1544 = vector.shape_cast %broadcast_in_dim3A_1543 : vector<16x1xi32> to vector<16xi32>
      %gather3A_1545 = tpu.dynamic_gather %select_n3A_1496[%gather3A_1544] in [0] : vector<16xf32>, vector<16xi32> -> vector<16xf32>
      %broadcast_in_dim3A_1546 = arith.constant 1 : i32
      %broadcast_in_dim3A_1547 = vector.broadcast %broadcast_in_dim3A_1546 : i32 to vector<16xi32>
      %mul3A_1548 = arith.constant 1 : i32
      %mul3A_1549 = vector.broadcast %mul3A_1548 : i32 to vector<16xi32>
      %mul3A_1550 = arith.muli %broadcast_in_dim3A_1547, %mul3A_1549 : vector<16xi32>
      %lt3A_1551 = arith.constant 0 : i32
      %lt3A_1552 = vector.broadcast %lt3A_1551 : i32 to vector<16xi32>
      %lt3A_1553 = arith.cmpi slt, %mul3A_1550, %lt3A_1552 : vector<16xi32>
      %add3A_1554 = arith.constant 16 : i32
      %add3A_1555 = vector.broadcast %add3A_1554 : i32 to vector<16xi32>
      %add3A_1556 = arith.addi %mul3A_1550, %add3A_1555 : vector<16xi32>
      %select_n3A_1557 = arith.select %lt3A_1553, %add3A_1556, %mul3A_1550 : vector<16xi1>, vector<16xi32>
      %broadcast_in_dim3A_1558 = vector.shape_cast %select_n3A_1557 : vector<16xi32> to vector<16x1xi32>
      %gather3A_1559 = vector.shape_cast %broadcast_in_dim3A_1558 : vector<16x1xi32> to vector<16xi32>
      %gather3A_1560 = tpu.dynamic_gather %select_n3A_1496[%gather3A_1559] in [0] : vector<16xf32>, vector<16xi32> -> vector<16xf32>
      %gt3A_1561 = arith.cmpf ogt, %gather3A_1515, %gather3A_1545 : vector<16xf32>
      %eq3A_1562 = arith.cmpf oeq, %gather3A_1515, %gather3A_1545 : vector<16xf32>
      %lt3A_1563 = arith.cmpf olt, %gather3A_1530, %gather3A_1560 : vector<16xf32>
      %and3A_1564 = arith.andi %eq3A_1562, %lt3A_1563 : vector<16xi1>
      %or3A_1565 = arith.ori %gt3A_1561, %and3A_1564 : vector<16xi1>
      %select_n3A_1566 = arith.select %or3A_1565, %get3A_1500, %select_n3A_1496 : vector<16xi1>, vector<16xf32>
      %get3A_1567 = arith.constant 7 : i32
      %get3A_1568 = arith.index_cast %get3A_1567 : i32 to index
      %get3A_1569 = arith.constant 0 : index
      %get3A_1570 = tpu.vector_load %arg14[%get3A_1568, %get3A_1569] {strides = array<i32>} : memref<8x16xf32, #tpu.memory_space<vmem>>, vector<16xf32>,
      %broadcast_in_dim3A_1571 = arith.constant 1 : i32
      %broadcast_in_dim3A_1572 = vector.broadcast %broadcast_in_dim3A_1571 : i32 to vector<16xi32>
      %mul3A_1573 = arith.constant 0 : i32
      %mul3A_1574 = vector.broadcast %mul3A_1573 : i32 to vector<16xi32>
      %mul3A_1575 = arith.muli %broadcast_in_dim3A_1572, %mul3A_1574 : vector<16xi32>
      %lt3A_1576 = arith.constant 0 : i32
      %lt3A_1577 = vector.broadcast %lt3A_1576 : i32 to vector<16xi32>
      %lt3A_1578 = arith.cmpi slt, %mul3A_1575, %lt3A_1577 : vector<16xi32>
      %add3A_1579 = arith.constant 16 : i32
      %add3A_1580 = vector.broadcast %add3A_1579 : i32 to vector<16xi32>
      %add3A_1581 = arith.addi %mul3A_1575, %add3A_1580 : vector<16xi32>
      %select_n3A_1582 = arith.select %lt3A_1578, %add3A_1581, %mul3A_1575 : vector<16xi1>, vector<16xi32>
      %broadcast_in_dim3A_1583 = vector.shape_cast %select_n3A_1582 : vector<16xi32> to vector<16x1xi32>
      %gather3A_1584 = vector.shape_cast %broadcast_in_dim3A_1583 : vector<16x1xi32> to vector<16xi32>
      %gather3A_1585 = tpu.dynamic_gather %get3A_1570[%gather3A_1584] in [0] : vector<16xf32>, vector<16xi32> -> vector<16xf32>
      %broadcast_in_dim3A_1586 = arith.constant 1 : i32
      %broadcast_in_dim3A_1587 = vector.broadcast %broadcast_in_dim3A_1586 : i32 to vector<16xi32>
      %mul3A_1588 = arith.constant 1 : i32
      %mul3A_1589 = vector.broadcast %mul3A_1588 : i32 to vector<16xi32>
      %mul3A_1590 = arith.muli %broadcast_in_dim3A_1587, %mul3A_1589 : vector<16xi32>
      %lt3A_1591 = arith.constant 0 : i32
      %lt3A_1592 = vector.broadcast %lt3A_1591 : i32 to vector<16xi32>
      %lt3A_1593 = arith.cmpi slt, %mul3A_1590, %lt3A_1592 : vector<16xi32>
      %add3A_1594 = arith.constant 16 : i32
      %add3A_1595 = vector.broadcast %add3A_1594 : i32 to vector<16xi32>
      %add3A_1596 = arith.addi %mul3A_1590, %add3A_1595 : vector<16xi32>
      %select_n3A_1597 = arith.select %lt3A_1593, %add3A_1596, %mul3A_1590 : vector<16xi1>, vector<16xi32>
      %broadcast_in_dim3A_1598 = vector.shape_cast %select_n3A_1597 : vector<16xi32> to vector<16x1xi32>
      %gather3A_1599 = vector.shape_cast %broadcast_in_dim3A_1598 : vector<16x1xi32> to vector<16xi32>
      %gather3A_1600 = tpu.dynamic_gather %get3A_1570[%gather3A_1599] in [0] : vector<16xf32>, vector<16xi32> -> vector<16xf32>
      %broadcast_in_dim3A_1601 = arith.constant 1 : i32
      %broadcast_in_dim3A_1602 = vector.broadcast %broadcast_in_dim3A_1601 : i32 to vector<16xi32>
      %mul3A_1603 = arith.constant 0 : i32
      %mul3A_1604 = vector.broadcast %mul3A_1603 : i32 to vector<16xi32>
      %mul3A_1605 = arith.muli %broadcast_in_dim3A_1602, %mul3A_1604 : vector<16xi32>
      %lt3A_1606 = arith.constant 0 : i32
      %lt3A_1607 = vector.broadcast %lt3A_1606 : i32 to vector<16xi32>
      %lt3A_1608 = arith.cmpi slt, %mul3A_1605, %lt3A_1607 : vector<16xi32>
      %add3A_1609 = arith.constant 16 : i32
      %add3A_1610 = vector.broadcast %add3A_1609 : i32 to vector<16xi32>
      %add3A_1611 = arith.addi %mul3A_1605, %add3A_1610 : vector<16xi32>
      %select_n3A_1612 = arith.select %lt3A_1608, %add3A_1611, %mul3A_1605 : vector<16xi1>, vector<16xi32>
      %broadcast_in_dim3A_1613 = vector.shape_cast %select_n3A_1612 : vector<16xi32> to vector<16x1xi32>
      %gather3A_1614 = vector.shape_cast %broadcast_in_dim3A_1613 : vector<16x1xi32> to vector<16xi32>
      %gather3A_1615 = tpu.dynamic_gather %select_n3A_1566[%gather3A_1614] in [0] : vector<16xf32>, vector<16xi32> -> vector<16xf32>
      %broadcast_in_dim3A_1616 = arith.constant 1 : i32
      %broadcast_in_dim3A_1617 = vector.broadcast %broadcast_in_dim3A_1616 : i32 to vector<16xi32>
      %mul3A_1618 = arith.constant 1 : i32
      %mul3A_1619 = vector.broadcast %mul3A_1618 : i32 to vector<16xi32>
      %mul3A_1620 = arith.muli %broadcast_in_dim3A_1617, %mul3A_1619 : vector<16xi32>
      %lt3A_1621 = arith.constant 0 : i32
      %lt3A_1622 = vector.broadcast %lt3A_1621 : i32 to vector<16xi32>
      %lt3A_1623 = arith.cmpi slt, %mul3A_1620, %lt3A_1622 : vector<16xi32>
      %add3A_1624 = arith.constant 16 : i32
      %add3A_1625 = vector.broadcast %add3A_1624 : i32 to vector<16xi32>
      %add3A_1626 = arith.addi %mul3A_1620, %add3A_1625 : vector<16xi32>
      %select_n3A_1627 = arith.select %lt3A_1623, %add3A_1626, %mul3A_1620 : vector<16xi1>, vector<16xi32>
      %broadcast_in_dim3A_1628 = vector.shape_cast %select_n3A_1627 : vector<16xi32> to vector<16x1xi32>
      %gather3A_1629 = vector.shape_cast %broadcast_in_dim3A_1628 : vector<16x1xi32> to vector<16xi32>
      %gather3A_1630 = tpu.dynamic_gather %select_n3A_1566[%gather3A_1629] in [0] : vector<16xf32>, vector<16xi32> -> vector<16xf32>
      %gt3A_1631 = arith.cmpf ogt, %gather3A_1585, %gather3A_1615 : vector<16xf32>
      %eq3A_1632 = arith.cmpf oeq, %gather3A_1585, %gather3A_1615 : vector<16xf32>
      %lt3A_1633 = arith.cmpf olt, %gather3A_1600, %gather3A_1630 : vector<16xf32>
      %and3A_1634 = arith.andi %eq3A_1632, %lt3A_1633 : vector<16xi1>
      %or3A_1635 = arith.ori %gt3A_1631, %and3A_1634 : vector<16xi1>
      %select_n3A_1636 = arith.select %or3A_1635, %get3A_1570, %select_n3A_1566 : vector<16xi1>, vector<16xf32>
      %eq3A_1637 = arith.constant 0 : i32
      %eq3A_1638 = arith.cmpi eq, %select_n3A_30, %eq3A_1637 : i32
      %convert_element_type3A_1639 = arith.extui %eq3A_1638 : i1 to i32
      %cond3A_1640 = arith.constant 0 : i32
      %cond3A_1641 = arith.cmpi ne, %convert_element_type3A_1639, %cond3A_1640 : i32
      scf.if %cond3A_1641 {
        %add3A_1687 = arith.constant 2 : i32
        %add3A_1688 = vector.broadcast %add3A_1687 : i32 to vector<16xi32>
        %add3A_1689 = arith.addi %iota3A, %add3A_1688 : vector<16xi32>
        %min3A = arith.constant 15 : i32
        %min3A_1690 = vector.broadcast %min3A : i32 to vector<16xi32>
        %min3A_1691 = arith.minsi %add3A_1689, %min3A_1690 : vector<16xi32>
        %lt3A_1692 = arith.constant 0 : i32
        %lt3A_1693 = vector.broadcast %lt3A_1692 : i32 to vector<16xi32>
        %lt3A_1694 = arith.cmpi slt, %min3A_1691, %lt3A_1693 : vector<16xi32>
        %add3A_1695 = arith.constant 16 : i32
        %add3A_1696 = vector.broadcast %add3A_1695 : i32 to vector<16xi32>
        %add3A_1697 = arith.addi %min3A_1691, %add3A_1696 : vector<16xi32>
        %select_n3A_1698 = arith.select %lt3A_1694, %add3A_1697, %min3A_1691 : vector<16xi1>, vector<16xi32>
        %broadcast_in_dim3A_1699 = vector.shape_cast %select_n3A_1698 : vector<16xi32> to vector<16x1xi32>
        %gather3A_1700 = vector.shape_cast %broadcast_in_dim3A_1699 : vector<16x1xi32> to vector<16xi32>
        %gather3A_1701 = tpu.dynamic_gather %select_n3A_1636[%gather3A_1700] in [0] : vector<16xf32>, vector<16xi32> -> vector<16xf32>
        %eq3A_1702 = arith.constant 0 : i32
        %eq3A_1703 = vector.broadcast %eq3A_1702 : i32 to vector<16xi32>
        %eq3A_1704 = arith.cmpi eq, %iota3A, %eq3A_1703 : vector<16xi32>
        %broadcast_in_dim3A_1705 = vector.broadcast %convert_element_type3A : f32 to vector<16xf32>
        %select_n3A_1706 = arith.select %eq3A_1704, %broadcast_in_dim3A_1705, %gather3A_1701 : vector<16xi1>, vector<16xf32>
        %mul3A_1707 = arith.constant 4 : i32
        %mul3A_1708 = arith.muli %scan3A_957, %mul3A_1707 : i32
        %lt3A_1709 = arith.constant 4 : i32
        %lt3A_1710 = vector.broadcast %lt3A_1709 : i32 to vector<16xi32>
        %lt3A_1711 = arith.cmpi slt, %iota3A, %lt3A_1710 : vector<16xi32>
        %swap3A_1712 = arith.index_cast %mul3A_1708 : i32 to index
        %swap3A_1713 = tpu.vector_load %arg15[%swap3A_1712] masked %lt3A_1711 {strides = array<i32>} : memref<4112xf32, #tpu.memory_space<vmem>>, vector<16xf32>, vector<16xi1>
        tpu.vector_store %arg15[%swap3A_1712], %select_n3A_1706 masked %lt3A_1711 {strides = array<i32>} : memref<4112xf32, #tpu.memory_space<vmem>>, vector<16xf32>, vector<16xi1>
      } else {
      }
      %broadcast_in_dim3A_1642 = arith.constant 1 : i32
      %broadcast_in_dim3A_1643 = vector.broadcast %broadcast_in_dim3A_1642 : i32 to vector<16xi32>
      %mul3A_1644 = arith.constant 3 : i32
      %mul3A_1645 = vector.broadcast %mul3A_1644 : i32 to vector<16xi32>
      %mul3A_1646 = arith.muli %broadcast_in_dim3A_1643, %mul3A_1645 : vector<16xi32>
      %lt3A_1647 = arith.constant 0 : i32
      %lt3A_1648 = vector.broadcast %lt3A_1647 : i32 to vector<16xi32>
      %lt3A_1649 = arith.cmpi slt, %mul3A_1646, %lt3A_1648 : vector<16xi32>
      %add3A_1650 = arith.constant 16 : i32
      %add3A_1651 = vector.broadcast %add3A_1650 : i32 to vector<16xi32>
      %add3A_1652 = arith.addi %mul3A_1646, %add3A_1651 : vector<16xi32>
      %select_n3A_1653 = arith.select %lt3A_1649, %add3A_1652, %mul3A_1646 : vector<16xi1>, vector<16xi32>
      %broadcast_in_dim3A_1654 = vector.shape_cast %select_n3A_1653 : vector<16xi32> to vector<16x1xi32>
      %gather3A_1655 = vector.shape_cast %broadcast_in_dim3A_1654 : vector<16x1xi32> to vector<16xi32>
      %gather3A_1656 = tpu.dynamic_gather %select_n3A_1636[%gather3A_1655] in [0] : vector<16xf32>, vector<16xi32> -> vector<16xf32>
      %broadcast_in_dim3A_1657 = arith.constant 1 : i32
      %broadcast_in_dim3A_1658 = vector.broadcast %broadcast_in_dim3A_1657 : i32 to vector<16xi32>
      %mul3A_1659 = arith.constant 4 : i32
      %mul3A_1660 = vector.broadcast %mul3A_1659 : i32 to vector<16xi32>
      %mul3A_1661 = arith.muli %broadcast_in_dim3A_1658, %mul3A_1660 : vector<16xi32>
      %lt3A_1662 = arith.constant 0 : i32
      %lt3A_1663 = vector.broadcast %lt3A_1662 : i32 to vector<16xi32>
      %lt3A_1664 = arith.cmpi slt, %mul3A_1661, %lt3A_1663 : vector<16xi32>
      %add3A_1665 = arith.constant 16 : i32
      %add3A_1666 = vector.broadcast %add3A_1665 : i32 to vector<16xi32>
      %add3A_1667 = arith.addi %mul3A_1661, %add3A_1666 : vector<16xi32>
      %select_n3A_1668 = arith.select %lt3A_1664, %add3A_1667, %mul3A_1661 : vector<16xi1>, vector<16xi32>
      %broadcast_in_dim3A_1669 = vector.shape_cast %select_n3A_1668 : vector<16xi32> to vector<16x1xi32>
      %gather3A_1670 = vector.shape_cast %broadcast_in_dim3A_1669 : vector<16x1xi32> to vector<16xi32>
      %gather3A_1671 = tpu.dynamic_gather %select_n3A_1636[%gather3A_1670] in [0] : vector<16xf32>, vector<16xi32> -> vector<16xf32>
      %broadcast_in_dim3A_1672 = arith.constant 1 : i32
      %broadcast_in_dim3A_1673 = vector.broadcast %broadcast_in_dim3A_1672 : i32 to vector<16xi32>
      %mul3A_1674 = arith.constant 5 : i32
      %mul3A_1675 = vector.broadcast %mul3A_1674 : i32 to vector<16xi32>
      %mul3A_1676 = arith.muli %broadcast_in_dim3A_1673, %mul3A_1675 : vector<16xi32>
      %lt3A_1677 = arith.constant 0 : i32
      %lt3A_1678 = vector.broadcast %lt3A_1677 : i32 to vector<16xi32>
      %lt3A_1679 = arith.cmpi slt, %mul3A_1676, %lt3A_1678 : vector<16xi32>
      %add3A_1680 = arith.constant 16 : i32
      %add3A_1681 = vector.broadcast %add3A_1680 : i32 to vector<16xi32>
      %add3A_1682 = arith.addi %mul3A_1676, %add3A_1681 : vector<16xi32>
      %select_n3A_1683 = arith.select %lt3A_1679, %add3A_1682, %mul3A_1676 : vector<16xi1>, vector<16xi32>
      %broadcast_in_dim3A_1684 = vector.shape_cast %select_n3A_1683 : vector<16xi32> to vector<16x1xi32>
      %gather3A_1685 = vector.shape_cast %broadcast_in_dim3A_1684 : vector<16x1xi32> to vector<16xi32>
      %gather3A_1686 = tpu.dynamic_gather %select_n3A_1636[%gather3A_1685] in [0] : vector<16xf32>, vector<16xi32> -> vector<16xf32>
      scf.yield %gather3A_1656, %gather3A_1671, %gather3A_1686 : vector<16xf32>, vector<16xf32>, vector<16xf32>
    }
    %scan3A_951 = arith.constant 1023 : i32
    %eq3A_952 = arith.constant 0 : i32
    %eq3A_953 = arith.cmpi eq, %select_n3A_30, %eq3A_952 : i32
    %convert_element_type3A_954 = arith.extui %eq3A_953 : i1 to i32
    %cond3A_955 = arith.constant 0 : i32
    %cond3A_956 = arith.cmpi ne, %convert_element_type3A_954, %cond3A_955 : i32
    scf.if %cond3A_956 {
      %mul3A_957 = arith.constant 1024 : i32
      %mul3A_958 = arith.muli %add3A, %mul3A_957 : i32
      %mul3A_959 = arith.constant 4 : i32
      %mul3A_960 = arith.muli %mul3A_958, %mul3A_959 : i32
      "tpu.region"() ({
        %run_scoped3A_961 = tpu.sem_alloc : memref<!tpu.dma_semaphore, #tpu.memory_space<semaphore_mem>>
        %dma_start3A = arith.constant 0 : i32
        %dma_start3A_962 = tpu.memref_slice %arg15[%dma_start3A] : memref<4112xf32, #tpu.memory_space<vmem>> -> memref<4096xf32, #tpu.memory_space<vmem>>
        %dma_start3A_963 = tpu.memref_slice %arg6[%mul3A_960] : memref<16384xf32, #tpu.memory_space<hbm>> -> memref<4096xf32, #tpu.memory_space<hbm>>
        %dma_start3A_964 = tpu.memref_slice %arg6[%mul3A_960] : memref<16384xf32, #tpu.memory_space<hbm>> -> memref<4096xf32, #tpu.memory_space<hbm>>
        %dma_start3A_965 = arith.constant 0 : i32
        %dma_start3A_966 = tpu.memref_slice %arg15[%dma_start3A_965] : memref<4112xf32, #tpu.memory_space<vmem>> -> memref<4096xf32, #tpu.memory_space<vmem>>
        tpu.enqueue_dma source(%dma_start3A_966 : memref<4096xf32, #tpu.memory_space<vmem>>) target(%dma_start3A_964 : memref<4096xf32, #tpu.memory_space<hbm>>) target_semaphore(%run_scoped3A_961 : memref<!tpu.dma_semaphore, #tpu.memory_space<semaphore_mem>>)
        %dma_wait3A = arith.constant 0 : i32
        %dma_wait3A_967 = tpu.memref_slice %arg15[%dma_wait3A] : memref<4112xf32, #tpu.memory_space<vmem>> -> memref<4096xf32, #tpu.memory_space<vmem>>
        %dma_wait3A_968 = tpu.memref_slice %arg6[%mul3A_960] : memref<16384xf32, #tpu.memory_space<hbm>> -> memref<4096xf32, #tpu.memory_space<hbm>>
        %dma_wait3A_969 = tpu.memref_slice %arg6[%mul3A_960] : memref<16384xf32, #tpu.memory_space<hbm>> -> memref<4096xf32, #tpu.memory_space<hbm>>
        %dma_wait3A_970 = arith.constant 0 : i32
        %dma_wait3A_971 = tpu.memref_slice %arg15[%dma_wait3A_970] : memref<4112xf32, #tpu.memory_space<vmem>> -> memref<4096xf32, #tpu.memory_space<vmem>>
        tpu.wait_dma2 semaphore(%run_scoped3A_961 : memref<!tpu.dma_semaphore, #tpu.memory_space<semaphore_mem>>) src(%dma_wait3A_971 : memref<4096xf32, #tpu.memory_space<vmem>>) dst(%dma_wait3A_969 : memref<4096xf32, #tpu.memory_space<hbm>>)
        tpu.yield
      }) : () -> ()
    } else {
    }
    return
  }
}

</mosaic_0001>

<sc_bundles>
// kernel: kernel.3.cloned.1.call-start
scs
__scs_entry_jumppad:
0x0: {  	(pc) =	sbr.rel $0x88, $3  }
0x1: {  	(tag) =	ssettag $0x0;
	lr =	simm.s32 $0x1  }
0x2: {  	[smem:$0x3FA0] =	sst lr;
	_ =	strace $0xD0000000  }
0x3: {  	_ = 	snop  }
0x4: {  	_ = 	snop  }
0x5: {  	_ = 	snop  }
0x6: {  	_ = 	snop  }
0x7: {  	_ = 	snop  }
__scs_overlays_trampoline_lowered:
0x8: {  	[smem:$0x3FAF] =	sst s0  }
0x9: {  	[smem:$0x3FB0] =	sst s1  }
0xa: {  	[smem:$0x3FB1] =	sst s2  }
0xb: {  	[smem:$0x3FB2] =	sst s3  }
0xc: {  	[smem:$0x3FB3] =	sst s4  }
0xd: {  	[smem:$0x3FB4] =	sst s5  }
0xe: {  	[smem:$0x3FB5] =	sst s6  }
0xf: {  	[smem:$0x3FB6] =	sst s7  }
0x10: {  	[smem:$0x3FB7] =	sst s8  }
0x11: {  	[smem:$0x3FB8] =	sst s9;
	s0 =	simm.s32 @!p0 $0x0  }
0x12: {  	s1 =	sld [smem:$0x3F9E];
	s0 =	simm.s32 @p0 $0x1  }
0x13: {  	[smem:$0x3FB9] =	sst s0;
	s0 =	simm.s32 @!p1 $0x0  }
0x14: {  	s2 =	sld [smem:$0x3F9D];
	s0 =	simm.s32 @p1 $0x1  }
0x15: {  	[smem:$0x3FBA] =	sst s0;
	s0 =	simm.s32 @!p2 $0x0  }
0x16: {  	s3 =	sld [smem:$0x3FDB];
	s0 =	simm.s32 @p2 $0x1  }
0x17: {  	s4 =	simm.s32 $0x1BF5;
	[smem:$0x3FBC] =	sst s0  }
0x18: {  	s0 =	sld [smem:$0x3F9F];
	_ =	swait.ge [sflag:s4], $0x0  }
0x19: {  	s7 =	sld [smem:$0x3FA0]  }
0x1a: {  	s8 =	sadd.s32 $0xFFFFE003, lr  }
0x1b: {  	s9 =	sadd.s32 $0xFFFFFEF7, lr;
	s5 =	simm.s32 $0xFFFFFFFF;
	p2 =	slt.u32 s8, $0xFFFFF086  }
0x1c: {  	p1 =	slt.u32 s9, $0xF7A;
	s5 =	simm.s32 @!p2 $0x0  }
0x1d: {  	s5 =	simm.s32 @p1 $0x1;
	p0 =	seq.s32 s7, s2  }
0x1e: {  	s7 =	smul.u32 @!p0 $0xF7A, s2;
	p2 =	seq.s32 @!p0 s5, $0x0  }
0x1f: {  	s9 =	smul.u32 $0xF7A, s1;
	s8 =	simm.s32 @!p0 $0x1BF5;
	p2 =	por !p2, p0  }
0x20: {  	[sflag:s8] =	ssyncset.s32 @!p0 $0xFFFFF086;
	s6 =	sadd.s32 @!p0 s3, s7;
	s7 =	simm.s32 @!p0 $0x108  }
0x21: {  	s3 =	sadd.s32 s3, s9;
	s6 =	sadd.s32 @!p0 $0x88, s6;
	s7 =	simm.s32 @p2 $0x1082  }
0x22: {  	[simem:s7], [sflag:s8] =	dma.local @!p0 [hbm:s6], $0xF7A  }
0x23: {  	s9 =	sor.u32 $0xD0000000, s2;
	s6 =	simm.s32 $0x108;
	_ =	swait.ge @!p0 [sflag:s8], $0x0  }
0x24: {  	s3 =	sadd.s32 $0x88, s3;
	s6 =	simm.s32 @!p1 $0x1082;
	[sflag:s4] =	ssyncset.s32 $0xFFFFF086  }
0x25: {  	[simem:s6], [sflag:s4] =	dma.local [hbm:s3], $0xF7A  }
0x26: {  	[smem:$0x3FA0] =	sst s1;
	(tag) =	ssettag s2;
	_ =	strace s9  }
0x27: {  	s1 =	sld [smem:$0x3FB0]  }
0x28: {  	s2 =	sld [smem:$0x3FB1]  }
0x29: {  	s4 =	sld [smem:$0x3FB3]  }
0x2a: {  	p0 =	seq.s32 s5, $0x0;
	s5 =	sld [smem:$0x3FB4]  }
0x2b: {  	s6 =	sld [smem:$0x3FB5]  }
0x2c: {  	s7 =	sld [smem:$0x3FB6]  }
0x2d: {  	s3 =	simm.s32 $0x108;
	s8 =	sld [smem:$0x3FB7]  }
0x2e: {  	s3 =	simm.s32 @!p0 $0x1082;
	s9 =	sld [smem:$0x3FB8]  }
0x2f: {  	lr =	sadd.s32 s0, s3;
	s0 =	sld [smem:$0x3FAF]  }
0x30: {  	s3 =	sld [smem:$0x3FB2]  }
0x31: {  	[smem:$0x3FBB] =	sst s10  }
0x32: {  	s10 =	sld [smem:$0x3FB9];
	_ =	sdelay $0x3  }
0x33: {  	p0 =	seq.s32 s10, $0x1;
	s10 =	sld [smem:$0x3FBB];
	_ =	sdelay $0x3  }
0x34: {  	[smem:$0x3FBB] =	sst s10  }
0x35: {  	s10 =	sld [smem:$0x3FBA];
	_ =	sdelay $0x3  }
0x36: {  	p1 =	seq.s32 s10, $0x1;
	s10 =	sld [smem:$0x3FBB];
	_ =	sdelay $0x3  }
0x37: {  	[smem:$0x3FBB] =	sst s10  }
0x38: {  	s10 =	sld [smem:$0x3FBC]  }
0x39: {  	_ = 	snop;
	(pc) =	sbr.ind lr, $3  }
0x3a: {  	_ = 	snop  }
0x3b: {  	_ = 	snop  }
0x3c: {  	p2 =	seq.s32 s10, $0x1;
	s10 =	sld [smem:$0x3FBB]  }
0x3d: {  	_ =	shalt  }
0x3e: {  	_ =	shalt  }
0x3f: {  	_ =	shalt  }
0x40: {  	_ =	shalt  }
0x41: {  	_ =	shalt  }
0x42: {  	_ =	shalt  }
0x43: {  	_ =	shalt  }
0x44: {  	_ =	shalt  }
0x45: {  	_ =	shalt  }
0x46: {  	_ =	shalt  }
0x47: {  	_ =	shalt  }
0x48: {  	_ =	shalt  }
0x49: {  	_ =	shalt  }
0x4a: {  	_ =	shalt  }
0x4b: {  	_ =	shalt  }
0x4c: {  	_ =	shalt  }
0x4d: {  	_ =	shalt  }
0x4e: {  	_ =	shalt  }
0x4f: {  	_ =	shalt  }
0x50: {  	_ =	shalt  }
0x51: {  	_ =	shalt  }
0x52: {  	_ =	shalt  }
0x53: {  	_ =	shalt  }
0x54: {  	_ =	shalt  }
0x55: {  	_ =	shalt  }
0x56: {  	_ =	shalt  }
0x57: {  	_ =	shalt  }
0x58: {  	_ =	shalt  }
0x59: {  	_ =	shalt  }
0x5a: {  	_ =	shalt  }
0x5b: {  	_ =	shalt  }
0x5c: {  	_ =	shalt  }
0x5d: {  	_ =	shalt  }
0x5e: {  	_ =	shalt  }
0x5f: {  	_ =	shalt  }
0x60: {  	_ =	shalt  }
0x61: {  	_ =	shalt  }
0x62: {  	_ =	shalt  }
0x63: {  	_ =	shalt  }
0x64: {  	_ =	shalt  }
0x65: {  	_ =	shalt  }
0x66: {  	_ =	shalt  }
0x67: {  	_ =	shalt  }
0x68: {  	_ =	shalt  }
0x69: {  	_ =	shalt  }
0x6a: {  	_ =	shalt  }
0x6b: {  	_ =	shalt  }
0x6c: {  	_ =	shalt  }
0x6d: {  	_ =	shalt  }
0x6e: {  	_ =	shalt  }
0x6f: {  	_ =	shalt  }
0x70: {  	_ =	shalt  }
0x71: {  	_ =	shalt  }
0x72: {  	_ =	shalt  }
0x73: {  	_ =	shalt  }
0x74: {  	_ =	shalt  }
0x75: {  	_ =	shalt  }
0x76: {  	_ =	shalt  }
0x77: {  	_ =	shalt  }
0x78: {  	_ =	shalt  }
0x79: {  	_ =	shalt  }
0x7a: {  	_ =	shalt  }
0x7b: {  	_ =	shalt  }
0x7c: {  	_ =	shalt  }
0x7d: {  	_ =	shalt  }
0x7e: {  	_ =	shalt  }
0x7f: {  	_ =	shalt  }
0x80: {  	_ =	shalt  }
0x81: {  	_ =	shalt  }
0x82: {  	_ =	shalt  }
0x83: {  	_ =	shalt  }
0x84: {  	_ =	shalt  }
0x85: {  	_ =	shalt  }
0x86: {  	_ =	shalt  }
0x87: {  	_ =	shalt  }
.Lfunc_end0:
.L_simem_size_0:
called_computation_lowered:
.L_overlay_start_0:
0x88: {  	s2 =	sld [smem:$0x3FD9]  }
0x89: {  	s3 =	sld [smem:$0x3FFE];
	_ =	sdelay $0x1  }
0x8a: {  	s1 =	srdreg.scid  }
0x8b: {  	s0 =	sand.u32 $0x1, s1  }
0x8c: {  	s17 =	sshll.u32 s0, $0xA;
	s2 =	sadd.s32 s3, s2  }
0x8d: {  	s2 =	sadd.s32 s2, s17  }
0x8e: {  	[smem:$0x3FC7] =	sst s2  }
0x8f: {  	_ = 	snop  }
0x90: {  	s2 =	sld [smem:$0x3FD0];
	(tm) =	ssettm $0x1  }
0x91: {  	s18 =	sld [smem:$0x3FFB];
	_ =	sdelay $0x3  }
0x92: {  	_ =	strace s18  }
0x93: {  	s3 =	sld [smem:$0x3FFC];
	_ =	sdelay $0x3  }
0x94: {  	_ =	strace s3  }
0x95: {  	s3 =	sld [smem:$0x3FFD];
	_ =	sdelay $0x3  }
0x96: {  	_ =	strace s3  }
0x97: {  	_ =	strace $0x8FFFFFFF  }
0x98: {  	s19 =	sld [smem:$0x3FDB];
	_ =	sdelay $0x1  }
0x99: {  	s4 =	simm.s32 $_scs_section_size  }
0x9a: {  	s5 =	simm.s32 $_size__tile_overlayer_lowered;
	s6 =	simm.s32 $_tile_overlayer_lowered  }
0x9b: {  	s22 =	simm.s32 $0x1BFF;
	s21 =	sshll.u32 s6, $0x1;
	s3 =	sadd.s32 s4, s19  }
0x9c: {  	s7 =	simm.s32 $0x0;
	s20 =	sshll.u32 s5, $0x1;
	s5 =	sadd.s32 s21, s3  }
0x9d: {  	[timem:s7], [sflag:s22] =	dma.local [hbm:s5], s20  }
0x9e: {  	_ =	swait.ge [sflag:s22], s20  }
0x9f: {  	s4 =	ssub.s32 $0x0, s20;
	[sflag:s22] =	ssyncset.done $0x0  }
0xa0: {  	[sflag:s22] =	ssyncadd.s32 s4;
	_ =	sdelay $0x1  }
0xa1: {  	s23 =	simm.s32 $0x1B8B  }
0xa2: {  	_ =	swait.ge [sflag:s23], $0x1  }
0xa3: {  	[sflag:s23] =	ssyncset.done $0x0  }
0xa4: {  	s25 =	simm.s32 $0x1B8E;
	s24 =	sld [smem:$0x3FFE];
	[sflag:s23] =	ssyncadd.s32 $0xFFFFFFFF  }
0xa5: {  	s26 =	simm.s32 $execute0_lowered;
	[smem:$0x3FD2] =	sst s25  }
0xa6: {  	s5 =	sshll.u32 s26, $0x1;
	_ =	strace $0x80000046;
	[dreg:$0x1] =	wrdreg $0xFFFFFFFF  }
0xa7: {  	s28 =	simm.s32 $_size_execute0_lowered;
	s3 =	sadd.s32 s3, s5;
	[dreg:$0x0] =	wrdreg $0x0  }
0xa8: {  	s5 =	sshll.u32 s28, $0x1;
	[dreg:$0x2] =	wrdreg s3  }
0xa9: {  	[dreg:$0x3] =	wrdreg s5  }
0xaa: {  	[dreg:$0x4] =	wrdreg $0xC0  }
0xab: {  	_ =	task [dreg:s7], $0x5FFFF  }
0xac: {  	[dreg:$0x1] =	wrdreg $0xFFFFFFFF  }
0xad: {  	[dreg:$0x0] =	wrdreg $0x60  }
0xae: {  	[dreg:$0x2] =	wrdreg s24  }
0xaf: {  	[dreg:$0x3] =	wrdreg s2  }
0xb0: {  	[dreg:$0x4] =	wrdreg $0x13F000  }
0xb1: {  	[dreg:$0x5] =	wrdreg $0x9  }
0xb2: {  	_ =	task.clear_ibuf [dreg:s7], $0x6FFFF;
	_ =	strace $0x90000046  }
0xb3: {  	s29 =	simm.s32 $0x9;
	_ =	strace $0x80000048  }
0xb4: {  	_ =	swait.ge [sflag:s29], $0x1  }
0xb5: {  	[sflag:s29] =	ssyncadd.s32 $0xFFFFFFFF  }
0xb6: {  	_ =	strace $0x90000048  }
0xb7: {  	_ =	sfence  }
0xb8: {  	s30 =	sld [smem:$0x0];
	_ =	sdelay $0x2  }
0xb9: {  	s31 =	sshll.u32 s1, $0xD;
	s1 =	sshrl.u32 s1, $0x2  }
0xba: {  	s3 =	sand.u32 $0x4000, s31;
	s1 =	sadd.s32 s1, s30  }
0xbb: {  	s0 =	sor.u32 s3, s0;
	s1 =	sshll.u32 s1, $0x11  }
0xbc: {  	s0 =	sor.u32 s1, s0  }
0xbd: {  	s0 =	sadd.s32 $0x8F2B, s0  }
0xbe: {  	[sflag:s0] =	ssyncadd.remote.s32 $0x1  }
0xbf: {  	_ =	sfence.sel $0xFFFF  }
0xc0: {  	[dreg:$0x0] =	wrdreg $0xFFFFFFFF;
	(pc) =	sbr.abs _section_cstart, $3  }
0xc1: {  	[dreg:$0x1] =	wrdreg $0xFFFFFFFF  }
0xc2: {  	_ =	task.clear_ibuf [dreg:s7], $0x2FFFF;
	_ =	strace $0x9FFFFFFF  }
0xc3: {  	(tm) =	ssettm $0x7FFFFFFF  }
tec
execute0_lowered:
.L_overlay_start_1:
0x0: {  	(tag) =	ssettag $0x1  }
0x1: {  	s0 =	rddreg [dreg:$0x0];
	s1 =	srdreg.scid  }
0x2: {  	s3 =	rddreg [dreg:$0x1];
	s7 =	stileid.u32  }
0x3: {  	s2 =	rddreg [dreg:$0x2];
	s6 =	simm.s32 $0x0;
	s15 =	simm.f32 $0.0e+00  }
0x4: {  	s20 =	simm.s32 $0x12A00;
	s21 =	simm.s32 $0x1;
	s22 =	simm.s32 $0x12A80  }
0x5: {  	s23 =	simm.s32 $0x810;
	s30 =	simm.s32 $0x0;
	s1 =	sand.u32 $0x1, s1  }
0x6: {  	s5 =	sshrl.u32 s7, $0x3;
	[smem:$0x7FF] =	sst s6;
	s18 =	sand.u32 $0x7, s7  }
0x7: {  	s24 =	sadd.s32 $0x6600, s0;
	s8 =	sadd.s32 $0x4600, s0;
	s9 =	sadd.s32 $0x600, s0  }
0x8: {  	s10 =	sshll.u32 s7, $0x7;
	_ =	strace $0x80000047;
	[dreg:$0x4] =	wrdreg s24  }
0x9: {  	v3 =	vimm.f32 $0.0e+00;
	v4 =	vimm.s32 $0x0;
	s4 =	sshll.u32 s1, $0x1;
	s6 =	sshll.u32 s18, $0xB;
	[dreg:$0x5] =	wrdreg s8  }
0xa: {  	vm1 =	vmmov $0x1;
	vm7 =	vcmask $0x1720;
	vm8 =	vcmask $0x1B20;
	s8 =	sadd.s32 $0x2600, s0;
	s25 =	ssub.s32 $0x2, s1;
	s12 =	sshll.u32 s5, $0xA  }
0xb: {  	v5 =	vlaneseq.u32;
	v7 =	vimm.s32 $0xFFFEDCBA;
	v8 =	vimm.s32 $0x98765432;
	p0 =	seq.s32 s18, $0x0;
	s31 =	sshll.u32 s18, $0xD;
	s24 =	simm.s32 $0x10000  }
0xc: {  	v6 =	vimm.f32 $1.000000000e+10;
	vm9 =	vcmask $0x3F18;
	vm10 =	vcmask $0x3F14;
	s17 =	sor.u32 s5, s4;
	s11 =	sadd.s32 $0x800, s6;
	s1 =	sshrl.u32 s25, $0x1  }
.Ltmp0:
0xd: {  	vm11 =	vcmask $0x3F10;
	v9 =	vunpack.c.l.s4.s8 v7;
	v8 =	vunpack.c.l.s4.s8 v8;
	s26 =	sadd.s32 s12, s2;
	s15 =	simm.s32 @!p0 $0xBF800000;
	(pc) =	sbr.rel .LBB2_1-.Ltmp0, $4  }
0xe: {  	vm12 =	vcmask $0x3F0C;
	v10 =	vimm.s32 $0x4;
	p0 =	sne.s32 s18, $0x0;
	s4 =	scvt.s32.f32 s17;
	v2 =	vmov s11;
	s11 =	sadd.s32 s10, s2  }
0xf: {  	v1 =	vmov s6;
	v11 =	vunpack.c.0.s8.s32 v9;
	v12 =	vunpack.c.0.s8.s32 v8;
	s0 =	ssub.s32 s25, s1;
	s14 =	sadd.s32 $0x1800, s26;
	s28 =	sshll.u32 s17, $0x9  }
0x10: {  	v7 =	vmov s31;
	v8 =	vimm.s32 $0x1;
	v9 =	vimm.s32 $0x3;
	s17 =	sadd.s32 $0x800, s26;
	s13 =	sadd.s32 $0x1800, s11;
	s29 =	sadd.s32 s3, s28  }
0x11: {  	s16 =	sadd.s32 $0x800, s11;
	s19 =	smax.u32 s0, $0x1;
	v11 =	vcombine.low v12, v11;
	v12 =	vimm.s32 $0x5;
	v0 =	vmov s4;
	[dreg:$0x6] =	wrdreg s29  }
.LBB2_17:
0x12: {  	s0 =	simm.s32 $0x0;
	s1 =	rddreg [dreg:$0x6];
	s3 =	simm.s32 $0x12E80  }
0x13: {  	[hbm4b:s1+s0] =	stream.linear.scatter [tilespmem:s3], [sflag:$0x1], $0x1000, $0x38;
	[tilespmem:$0x13F40] =	vst v63  }
0x14: {  	_ =	swait.ge [sflag:s21], $0x1000  }
0x15: {  	[sflag:s21] =	ssyncset.done $0x0  }
0x16: {  	[sflag:s21] =	ssyncadd.s32 $0xFFFFF000  }
.LBB2_18:
0x17: {  	s30 =	sadd.s32 $0x1, s30  }
0x18: {  	p1 =	sne.s32 s30, s19  }
.Ltmp1:
0x19: {  	_ = 	snop;
	(pc) =	sbr.rel @!p1 .LBB2_19-.Ltmp1, $1  }
0x1a: {  	_ =	sdelay $0x3  }
.LBB2_1:
0x1b: {  	[tilespmem:$0x12A00] =	vst v3  }
0x1c: {  	[spmem:s11] =	stream.linear.scatter [tilespmem:s20], [sflag:$0x1], $0x80, $0x38;
	[tilespmem:$0x13F40] =	vst v63  }
0x1d: {  	_ =	swait.ge [sflag:s21], $0x80  }
0x1e: {  	[sflag:s21] =	ssyncset.done $0x0  }
0x1f: {  	s0 =	simm.s32 $0x0;
	s1 =	rddreg [dreg:$0x4];
	[sflag:s21] =	ssyncadd.s32 $0xFFFFFF80  }
0x20: {  	[tilespmem:s0], [sflag:$0x1] =	stream.linear.gather [hbm4b:s1+s0], $0x10000, $0x38;
	[tilespmem:$0x13F40] =	vst v63  }
0x21: {  	_ =	swait.ge [sflag:s21], $0x10000  }
0x22: {  	[sflag:s21] =	ssyncset.done $0x0  }
0x23: {  	[sflag:s21] =	ssyncadd.s32 $0xFFFF0000  }
0x24: {  	s31 =	simm.s32 $0x0;
	[tilespmem:$0x10800] =	vst v4  }
0x25: {  	v13 =	vimm.s32 $0x0;
	s0 =	simm.s32 $0x40;
	v14 =	vld.idx.msk [tilespmem:v7+s31+$0x0 ss:$0x1], $0xffff  }
.LBB2_2:
0x26: {  	_ = 	snop  }
0x27: {  	p1 =	sne.s32 s0, $0x7FC0  }
.Ltmp2:
0x28: {  	_ = 	snop;
	(pc) =	sbr.rel @p1 .LBB2_2-.Ltmp2, $4  }
0x29: {  	_ = 	snop  }
0x2a: {  	vm0 =	veq.f32 v14, v0  }
0x2b: {  	s1 =	sshra.s32 s0, $0x2;
	v15 =	vsel vm0, $0x1, v4  }
0x2c: {  	s0 =	sadd.s32 $0x40, s0;
	v14 =	vld.idx.msk [tilespmem:v7+s1+$0x0 ss:$0x1], $0xffff;
	v13 =	vadd.s32 v15, v13  }
0x2d: {  	_ =	sdelay $0x3  }
0x2e: {  	vm0 =	veq.f32 v14, v0  }
0x2f: {  	v14 =	vsel vm0, $0x1, v4  }
0x30: {  	v13 =	vadd.s32 v14, v13  }
0x31: {  	(xrf0) =	vadd.scan.msk.s32 $0xffff, v13;
	_ =	sdelay $0x5  }
0x32: {  	v13, _, _ =	vpop (xrf0)  }
0x33: {  	(v2sf) =	vpush v13, $0xF;
	_ =	sdelay $0xe  }
0x34: {  	s0 =	spop (v2sf)  }
0x35: {  	s0 =	scvt.s32.f32 s0;
	_ =	sdelay $0x1  }
0x36: {  	vm0 =	vcmask $0x300;
	v13 =	vmov s0  }
0x37: {  	v13 =	vnsel vm0, $0x0, v13  }
0x38: {  	[tilespmem:$0x12A00] =	vst v13  }
0x39: {  	[spmem:s13] =	stream.linear.scatter [tilespmem:s20], [sflag:$0x1], $0x80, $0x38;
	[tilespmem:$0x13F40] =	vst v63  }
0x3a: {  	_ =	swait.ge [sflag:s21], $0x80  }
0x3b: {  	[sflag:s21] =	ssyncset.done $0x0  }
0x3c: {  	[sflag:s21] =	ssyncadd.s32 $0xFFFFFF80  }
0x3d: {  	[bflag:$0x0] =	sbarrier.arrive $0xFFFF  }
0x3e: {  	[tilespmem:s22], [sflag:$0x1] =	stream.linear.gather [spmem:s14], $0x400, $0x38;
	[tilespmem:$0x13F40] =	vst v63  }
0x3f: {  	_ =	swait.ge [sflag:s21], $0x400  }
0x40: {  	[sflag:s21] =	ssyncset.done $0x0  }
0x41: {  	[sflag:s21] =	ssyncadd.s32 $0xFFFFFC00  }
0x42: {  	v13 =	vld [tilespmem:$0x12A80]  }
0x43: {  	v14 =	vld [tilespmem:$0x12B00]  }
0x44: {  	v15 =	vld [tilespmem:$0x12B80]  }
0x45: {  	v16 =	vld [tilespmem:$0x12C00]  }
0x46: {  	v17 =	vld [tilespmem:$0x12C80]  }
0x47: {  	v18 =	vld [tilespmem:$0x12D00];
	v13 =	vperm.xlane v13, v4  }
0x48: {  	v19 =	vld [tilespmem:$0x12D80];
	v14 =	vperm.xlane v14, v4  }
0x49: {  	vm0 =	vcmask $0x320;
	v20 =	vld [tilespmem:$0x12E00];
	v15 =	vperm.xlane v15, v4;
	v13 =	vnsel vm1, $0x0, v13  }
0x4a: {  	v13 =	vsel vm0, v13, v14;
	v14 =	vperm.xlane v16, v4;
	vm0 =	vcmask $0x720  }
0x4b: {  	v13 =	vsel vm0, v13, v15;
	v15 =	vperm.xlane v17, v4;
	vm0 =	vcmask $0xB20  }
0x4c: {  	v13 =	vsel vm0, v13, v14;
	v14 =	vperm.xlane v18, v4;
	vm0 =	vcmask $0xF20  }
0x4d: {  	v13 =	vsel vm0, v13, v15;
	v15 =	vperm.xlane v19, v4;
	vm0 =	vcmask $0x1320  }
0x4e: {  	v13 =	vsel vm0, v13, v14;
	v14 =	vperm.xlane v20, v4  }
0x4f: {  	v13 =	vsel vm7, v13, v15  }
0x50: {  	v13 =	vsel vm8, v13, v14  }
0x51: {  	v14 =	vtrunc.f32 v13  }
0x52: {  	v14 =	vcvt.f32.s32 v14;
	_ =	sdelay $0x1  }
0x53: {  	(xrf0) =	vadd.scan.msk.s32 $0xffff, v14;
	_ =	sdelay $0x3  }
.Ltmp3:
0x54: {  	_ = 	snop;
	(pc) =	sbr.rel .LBB2_4-.Ltmp3, $4  }
0x55: {  	_ = 	snop  }
0x56: {  	v15, _, _ =	vpop (xrf0)  }
0x57: {  	s1 =	simm.s32 $0x0;
	s3 =	simm.s32 $0x0;
	v14 =	vsub.s32 v15, v14  }
0x58: {  	s18 =	simm.s32 $0x0;
	s5 =	simm.s32 $0x0;
	s0 =	simm.s32 $0x0;
	v14 =	vcvt.s32.f32 v14  }
.LBB2_5:
0x59: {  	s18 =	smov.u32 @p1 s18  }
.LBB2_9:
0x5a: {  	s5 =	sadd.s32 $0x1, s5  }
0x5b: {  	p1 =	sne.s32 s5, $0x8  }
.Ltmp4:
0x5c: {  	_ = 	snop;
	(pc) =	sbr.rel @!p1 .LBB2_10-.Ltmp4, $2  }
0x5d: {  	_ =	sdelay $0x2  }
0x5e: {  	s3 =	sadd.s32 $0x2000, s3;
	s1 =	sadd.s32 $0x2000, s1  }
.LBB2_4:
0x5f: {  	v15 =	vmov s5  }
0x60: {  	v16 =	vperm.xlane v14, v15  }
0x61: {  	v15 =	vperm.xlane v13, v15  }
0x62: {  	(xrf0) =	vmax.scan.msk.f32 $0xffff, v16  }
0x63: {  	(xrf0) =	vmax.scan.msk.f32 $0xffff, v15;
	_ =	sdelay $0x4  }
0x64: {  	v15, _, _ =	vpop (xrf0)  }
0x65: {  	(v2sf) =	vpush v15, $0xF;
	v15, _, _ =	vpop (xrf0)  }
0x66: {  	(v2sf) =	vpush v15, $0xF;
	_ =	sdelay $0xd  }
0x67: {  	s25 =	spop (v2sf)  }
0x68: {  	s26 =	spop (v2sf)  }
0x69: {  	s25 =	scvt.f32.s32 s25;
	s26 =	scvt.f32.s32 s26  }
0x6a: {  	_ = 	snop  }
0x6b: {  	p1 =	sgt.s32 s18, $0x7FF;
	s26 =	sadd.s32 s25, s26  }
0x6c: {  	p2 =	sle.s32 @!p1 s26, s6  }
0x6d: {  	p2 =	por p1, p2  }
.Ltmp5:
0x6e: {  	_ = 	snop;
	(pc) =	sbr.rel @p2 .LBB2_5-.Ltmp5, $1  }
0x6f: {  	_ =	sdelay $0x3  }
0x70: {  	s26 =	sshra.s32 s0, $0x2  }
0x71: {  	s26 =	sadd.s32 s26, s3  }
0x72: {  	v15 =	vld [tilespmem:s26+$0x0];
	_ =	sdelay $0x4  }
0x73: {  	vm0 =	veq.f32 v15, v0  }
0x74: {  	v15 =	vsel vm0, $0x1, v4  }
0x75: {  	(xrf0) =	vadd.scan.msk.s32 $0xffff, v15;
	_ =	sdelay $0x5  }
0x76: {  	s7 =	sadd.s32 $0xFFFFFFFF, s25;
	v15, _, _ =	vpop (xrf0)  }
0x77: {  	v16 =	vadd.s32 s7, v15;
	(v2sf) =	vpush v15, $0xF  }
0x78: {  	vm2 =	vge.s32 v16, v1;
	vm13 =	vlt.s32 v16, v2  }
0x79: {  	vm2 =	vmand vm2, vm13  }
0x7a: {  	vm0 =	vmand vm0, vm2  }
0x7b: {  	v16 =	vsel vm0, $0x1, v4  }
0x7c: {  	s31 =	sadd.s32 $0x40, s0;
	(xrf0) =	vadd.scan.msk.s32 $0xffff, v16  }
0x7d: {  	s29 =	sshra.s32 s31, $0x2;
	s28 =	sadd.s32 $0x40, s31;
	s26 =	smov.u32 s1;
	v15 =	vor.u32 s1, v5  }
.LBB2_7:
0x7e: {  	p1 =	sne.s32 s28, $0x7FC0;
	s29 =	sadd.s32 s29, s3;
	[tilespmem:s18+$0x10000] =	vst.msk vm0, v15  }
0x7f: {  	v15 =	vld [tilespmem:s29+$0x0];
	_ =	sdelay $0x2  }
0x80: {  	v16, _, _ =	vpop (xrf0)  }
0x81: {  	(v2sf) =	vpush v16, $0xF  }
0x82: {  	vm0 =	veq.f32 v15, v0  }
0x83: {  	v15 =	vsel vm0, $0x1, v4  }
0x84: {  	(xrf0) =	vadd.scan.msk.s32 $0xffff, v15;
	s29 =	spop (v2sf)  }
0x85: {  	s25 =	sadd.s32 s25, s29;
	_ =	sdelay $0x4  }
0x86: {  	s29 =	sadd.s32 $0xFFFFFFFF, s25;
	v15, _, _ =	vpop (xrf0)  }
0x87: {  	v16 =	vadd.s32 s29, v15;
	(v2sf) =	vpush v15, $0xF  }
0x88: {  	vm2 =	vge.s32 v16, v1;
	vm13 =	vlt.s32 v16, v2  }
.Ltmp6:
0x89: {  	vm2 =	vmand vm2, vm13;
	(pc) =	sbr.rel @p1 .LBB2_7-.Ltmp6, $4  }
0x8a: {  	vm0 =	vmand vm0, vm2  }
0x8b: {  	v15 =	vsel vm0, $0x1, v4  }
0x8c: {  	s26 =	sadd.s32 $0x10, s26;
	(xrf0) =	vadd.scan.msk.s32 $0xffff, v15;
	s31 =	spop (v2sf)  }
0x8d: {  	s29 =	sshra.s32 s28, $0x2;
	s28 =	sadd.s32 $0x40, s28;
	v15 =	vor.u32 s26, v5;
	s18 =	sadd.s32 s18, s31  }
0x8e: {  	s28 =	sadd.s32 s29, s3;
	[tilespmem:s18+$0x10000] =	vst.msk vm0, v15  }
0x8f: {  	v15 =	vld [tilespmem:s28+$0x0];
	_ =	sdelay $0x4  }
0x90: {  	vm0 =	veq.f32 v15, v0  }
0x91: {  	v15 =	vsel vm0, $0x1, v4  }
0x92: {  	(xrf0) =	vadd.scan.msk.s32 $0xffff, v15;
	_ =	sdelay $0x3  }
0x93: {  	s29 =	spop (v2sf)  }
0x94: {  	s25 =	sadd.s32 s25, s29;
	v15, _, _ =	vpop (xrf0)  }
0x95: {  	s25 =	sadd.s32 $0xFFFFFFFF, s25;
	v16, _, _ =	vpop (xrf0)  }
0x96: {  	v17 =	vadd.s32 s25, v16  }
0x97: {  	vm2 =	vge.s32 v17, v1;
	vm13 =	vlt.s32 v17, v2  }
0x98: {  	vm2 =	vmand vm2, vm13  }
0x99: {  	vm0 =	vmand vm0, vm2  }
0x9a: {  	v63 =	vsel vm0, $0x1, v4  }
0x9b: {  	(xrf0) =	vadd.scan.msk.s32 $0xffff, v63;
	_ =	sdelay $0x4  }
0x9c: {  	(v2sf) =	vpush v15, $0xF  }
0x9d: {  	(v2sf) =	vpush v16, $0xF;
	v15, _, _ =	vpop (xrf0)  }
0x9e: {  	(v2sf) =	vpush v15, $0xF;
	_ =	sdelay $0xb  }
.Ltmp7:
0x9f: {  	_ = 	snop;
	(pc) =	sbr.rel .LBB2_9-.Ltmp7, $4  }
0xa0: {  	s31 =	spop (v2sf)  }
0xa1: {  	s26 =	sadd.s32 $0x10, s26;
	s7 =	spop (v2sf)  }
0xa2: {  	v15 =	vor.u32 s26, v5;
	s29 =	sadd.s32 s18, s31;
	s31 =	spop (v2sf)  }
0xa3: {  	[tilespmem:s29+$0x10000] =	vst.msk vm0, v15;
	s18 =	sadd.s32 s29, s31  }
.LBB2_10:
0xa4: {  	s0 =	rddreg [dreg:$0x5];
	s1 =	simm.s32 $0x10880  }
0xa5: {  	[tilespmem:s1], [sflag:$0x1] =	stream.indirect.gather [hbm4b:s0+s23], $0x1, s24, s23, $0xb8;
	[tilespmem:$0x13F40] =	vst v63  }
0xa6: {  	_ =	swait.ge [sflag:s21], $0x810  }
0xa7: {  	[sflag:s21] =	ssyncset.done $0x0  }
0xa8: {  	s29 =	simm.s32 $0x11100;
	[sflag:s21] =	ssyncadd.s32 $0xFFFFF7F0  }
0xa9: {  	[tilespmem:s29], [sflag:$0x1] =	stream.indirect.gather [hbm4b:s8+s23], $0x1, s24, s23, $0xb8;
	[tilespmem:$0x13F40] =	vst v63  }
0xaa: {  	_ =	swait.ge [sflag:s21], $0x810  }
0xab: {  	[sflag:s21] =	ssyncset.done $0x0  }
0xac: {  	s31 =	simm.s32 $0x11980;
	[sflag:s21] =	ssyncadd.s32 $0xFFFFF7F0  }
0xad: {  	[tilespmem:s31], [sflag:$0x1] =	stream.indirect.gather [hbm4b:s9+s23], $0x1, s24, s23, $0xb8;
	[tilespmem:$0x13F40] =	vst v63  }
0xae: {  	_ =	swait.ge [sflag:s21], $0x810  }
0xaf: {  	[sflag:s21] =	ssyncset.done $0x0  }
0xb0: {  	s0 =	simm.s32 $0x40;
	s1 =	simm.s32 $0x0;
	[sflag:s21] =	ssyncadd.s32 $0xFFFFF7F0  }
.LBB2_11:
0xb1: {  	p1 =	sne.s32 s0, $0x1FC0;
	[tilespmem:s1+$0x12200] =	vst v6;
	s1 =	smov.u32 s0;
	s0 =	sadd.s32 $0x40, s0  }
.Ltmp8:
0xb2: {  	(pc) =	sbr.rel @p1 .LBB2_11-.Ltmp8, $2  }
0xb3: {  	_ =	sdelay $0x2  }
0xb4: {  	s1 =	sshra.s32 s1, $0x2  }
0xb5: {  	[tilespmem:s1+$0x12200] =	vst v6  }
0xb6: {  	v13 =	vld [tilespmem:$0x10000]  }
0xb7: {  	v14 =	vld [tilespmem:$0x11980]  }
0xb8: {  	v15 =	vld [tilespmem:$0x11100]  }
0xb9: {  	v16 =	vld [tilespmem:$0x10880];
	_ =	sdelay $0x2  }
0xba: {  	v14 =	vperm.xlane v14, v4  }
0xbb: {  	v13 =	vcvt.s32.f32 v13;
	v15 =	vperm.xlane v15, v4  }
0xbc: {  	v16 =	vperm.xlane v16, v4;
	v14 =	vsel vm9, $0x0, v14  }
0xbd: {  	v13 =	vperm.xlane v13, v4;
	v14 =	vsel vm10, v14, v15  }
0xbe: {  	v14 =	vsel vm11, v14, v16  }
0xbf: {  	vm0 =	veq.s32 v5, $0x0;
	v13 =	vsel vm12, v14, v13  }
0xc0: {  	vm2 =	veq.s32 v5, $0x1;
	v13 =	vsel vm0, s15, v13  }
0xc1: {  	v13 =	vsel vm2, $0x0, v13  }
0xc2: {  	[tilespmem:$0x12A00] =	vst v13  }
0xc3: {  	[spmem:s16] =	stream.linear.scatter [tilespmem:s20], [sflag:$0x1], $0x80, $0x38;
	[tilespmem:$0x13F40] =	vst v63  }
0xc4: {  	_ =	swait.ge [sflag:s21], $0x80  }
0xc5: {  	[sflag:s21] =	ssyncset.done $0x0  }
0xc6: {  	[sflag:s21] =	ssyncadd.s32 $0xFFFFFF80  }
0xc7: {  	[bflag:$0x0] =	sbarrier.arrive $0xFFFF  }
0xc8: {  	[tilespmem:s22], [sflag:$0x1] =	stream.linear.gather [spmem:s17], $0x400, $0x38;
	[tilespmem:$0x13F40] =	vst v63  }
0xc9: {  	_ =	swait.ge [sflag:s21], $0x400  }
0xca: {  	[sflag:s21] =	ssyncset.done $0x0  }
0xcb: {  	[sflag:s21] =	ssyncadd.s32 $0xFFFFFC00  }
0xcc: {  	v13 =	vld [tilespmem:$0x12B00]  }
0xcd: {  	v14 =	vld [tilespmem:$0x12A80];
	_ =	sdelay $0x3  }
0xce: {  	v15 =	vperm.xlane v13, v4;
	v16 =	vperm.xlane v13, v8  }
0xcf: {  	v19 =	vld [tilespmem:$0x12B80];
	v17 =	vperm.xlane v14, v4;
	v18 =	vperm.xlane v14, v8;
	_ =	sdelay $0x1  }
0xd0: {  	vm0 =	veq.f32 v15, v17;
	vm2 =	vlt.f32 v16, v18  }
0xd1: {  	vm13 =	vgt.f32 v15, v17;
	vm0 =	vmand vm0, vm2  }
0xd2: {  	vm0 =	vmor vm13, vm0  }
0xd3: {  	v15 =	vperm.xlane v19, v8;
	v13 =	vsel vm0, v13, v14;
	v14 =	vperm.xlane v19, v4  }
0xd4: {  	v18 =	vld [tilespmem:$0x12C00];
	v16 =	vperm.xlane v13, v4;
	v17 =	vperm.xlane v13, v8;
	_ =	sdelay $0x1  }
0xd5: {  	vm0 =	veq.f32 v14, v16;
	vm2 =	vlt.f32 v15, v17  }
0xd6: {  	vm13 =	vgt.f32 v14, v16;
	vm0 =	vmand vm0, vm2  }
0xd7: {  	vm0 =	vmor vm13, vm0  }
0xd8: {  	v14 =	vperm.xlane v18, v4;
	v15 =	vperm.xlane v18, v8;
	v13 =	vsel vm0, v19, v13  }
0xd9: {  	v19 =	vld [tilespmem:$0x12C80];
	v16 =	vperm.xlane v13, v4;
	v17 =	vperm.xlane v13, v8;
	_ =	sdelay $0x1  }
0xda: {  	vm0 =	veq.f32 v14, v16;
	vm2 =	vlt.f32 v15, v17  }
0xdb: {  	vm13 =	vgt.f32 v14, v16;
	vm0 =	vmand vm0, vm2  }
0xdc: {  	vm0 =	vmor vm13, vm0  }
0xdd: {  	v14 =	vperm.xlane v19, v4;
	v15 =	vperm.xlane v19, v8;
	v13 =	vsel vm0, v18, v13  }
0xde: {  	v18 =	vld [tilespmem:$0x12D00];
	v16 =	vperm.xlane v13, v4;
	v17 =	vperm.xlane v13, v8;
	_ =	sdelay $0x1  }
0xdf: {  	vm0 =	veq.f32 v14, v16;
	vm2 =	vlt.f32 v15, v17  }
0xe0: {  	vm13 =	vgt.f32 v14, v16;
	vm0 =	vmand vm0, vm2  }
0xe1: {  	vm0 =	vmor vm13, vm0  }
0xe2: {  	v14 =	vperm.xlane v18, v4;
	v15 =	vperm.xlane v18, v8;
	v13 =	vsel vm0, v19, v13  }
0xe3: {  	v19 =	vld [tilespmem:$0x12D80];
	v16 =	vperm.xlane v13, v4;
	v17 =	vperm.xlane v13, v8;
	_ =	sdelay $0x1  }
0xe4: {  	vm0 =	veq.f32 v14, v16;
	vm2 =	vlt.f32 v15, v17  }
0xe5: {  	vm13 =	vgt.f32 v14, v16;
	vm0 =	vmand vm0, vm2  }
0xe6: {  	vm0 =	vmor vm13, vm0  }
0xe7: {  	v14 =	vperm.xlane v19, v4;
	v15 =	vperm.xlane v19, v8;
	v13 =	vsel vm0, v18, v13  }
0xe8: {  	v16 =	vperm.xlane v13, v4;
	v17 =	vperm.xlane v13, v8  }
0xe9: {  	v18 =	vld [tilespmem:$0x12E00]  }
0xea: {  	vm0 =	veq.f32 v14, v16;
	vm2 =	vlt.f32 v15, v17  }
0xeb: {  	vm13 =	vgt.f32 v14, v16;
	vm0 =	vmand vm0, vm2  }
0xec: {  	v17 =	vimm.s32 @!p0 $0xFFFEDCBA;
	vm0 =	vmor vm13, vm0  }
0xed: {  	v17 =	vunpack.c.l.s4.s8 @!p0 v17;
	v13 =	vsel vm0, v19, v13  }
0xee: {  	v15 =	vperm.xlane v18, v8;
	v19 =	vimm.s32 @!p0 $0x98765432;
	v16 =	vperm.xlane v13, v8  }
0xef: {  	v14 =	vperm.xlane v18, v4;
	v20 =	vperm.xlane v13, v4;
	v19 =	vunpack.c.l.s4.s8 @!p0 v19  }
0xf0: {  	vm0 =	vlt.f32 v15, v16  }
0xf1: {  	vm2 =	veq.f32 v14, v20;
	v15 =	vunpack.c.0.s8.s32 @!p0 v17;
	v16 =	vunpack.c.0.s8.s32 @!p0 v19  }
0xf2: {  	vm13 =	vgt.f32 v14, v20;
	vm0 =	vmand vm2, vm0  }
0xf3: {  	vm0 =	vmor vm13, vm0;
	v14 =	vcombine.low @!p0 v16, v15  }
.Ltmp9:
0xf4: {  	v13 =	vsel vm0, v18, v13;
	(pc) =	sbr.rel .LBB2_13-.Ltmp9, $4  }
0xf5: {  	v15 =	vlaneseq.u32 @!p0;
	v14 =	vperm.xlane @!p0 v13, v14  }
0xf6: {  	vm0 =	veq.s32 @!p0 v15, $0x0  }
0xf7: {  	s0 =	simm.s32 @!p0 $0x12E80;
	v16 =	vperm.xlane v13, v10;
	v15 =	vsel @!p0 vm0, s4, v14  }
0xf8: {  	s31 =	simm.s32 $0x1;
	v14 =	vperm.xlane v13, v9;
	[tilespmem:s0+$0x0] =	vst.msk @!p0 $0xf, v15;
	v15 =	vperm.xlane v13, v12  }
.LBB2_16:
0xf9: {  	s0 =	sshll.u32 s31, $0x2;
	s31 =	sadd.s32 $0x1, s31  }
0xfa: {  	p1 =	seq.s32 s31, $0x400  }
.Ltmp10:
0xfb: {  	_ = 	snop;
	(pc) =	sbr.rel @p1 .LBB2_17-.Ltmp10, $4  }
0xfc: {  	v14 =	vperm.xlane v13, v11  }
0xfd: {  	vm0 =	veq.s32 v5, $0x0  }
0xfe: {  	v16 =	vperm.xlane v13, v10;
	s0 =	sand.u32 $0x3FFFFFFC, s0;
	v15 =	vsel vm0, s4, v14  }
0xff: {  	v14 =	vperm.xlane v13, v9;
	[tilespmem:s0+$0x12E80] =	vst.msk $0xf, v15;
	v15 =	vperm.xlane v13, v12  }
.LBB2_13:
0x100: {  	s0 =	simm.s32 $0x11180  }
0x101: {  	s29 =	simm.s32 $0x11A00;
	v17 =	vld [tilespmem:s0+$0x70]  }
0x102: {  	v18 =	vld [tilespmem:s29+$0x50]  }
0x103: {  	v19 =	vld [tilespmem:s0+$0x50]  }
0x104: {  	v20 =	vld [tilespmem:s0+$0x10]  }
0x105: {  	v21 =	vld [tilespmem:s29+$0xFFFFFFF0]  }
0x106: {  	s18 =	simm.s32 $0x10900;
	v22 =	vld [tilespmem:s0+$0xFFFFFFF0]  }
0x107: {  	v23 =	vld [tilespmem:s18+$0xFFFFFFF0]  }
0x108: {  	v24 =	vld [tilespmem:s0+$0xFFFFFFD0]  }
0x109: {  	v25 =	vld [tilespmem:s0+$0xFFFFFFC0]  }
0x10a: {  	v26 =	vld [tilespmem:s18+$0xFFFFFFC0]  }
0x10b: {  	v27 =	vld [tilespmem:s0+$0xFFFFFFB0]  }
0x10c: {  	v28 =	vld [tilespmem:s0+$0xFFFFFFA0]  }
0x10d: {  	v29 =	vld [tilespmem:s0+$0xFFFFFF90]  }
0x10e: {  	v30 =	vld [tilespmem:s18+$0xFFFFFF80];
	v17 =	vsub.f32 v17, v16;
	v18 =	vsub.f32 v18, v15  }
0x10f: {  	v32 =	vld [tilespmem:s0+$0xFFFFFF80];
	v19 =	vsub.f32 v19, v16;
	v20 =	vsub.f32 v20, v16  }
0x110: {  	v36 =	vld [tilespmem:s29+$0xFFFFFF90];
	v22 =	vsub.f32 v22, v16;
	v23 =	vsub.f32 v23, v14  }
0x111: {  	v37 =	vld [tilespmem:s18+$0xFFFFFFA0];
	v21 =	vsub.f32 v21, v15;
	v25 =	vsub.f32 v25, v16  }
0x112: {  	v35 =	vld [tilespmem:s29+$0xFFFFFF80];
	v26 =	vsub.f32 v26, v14;
	v24 =	vsub.f32 v24, v16  }
0x113: {  	v51 =	vld [tilespmem:s29+$0xFFFFFFA0];
	v27 =	vsub.f32 v27, v16;
	v28 =	vsub.f32 v28, v16  }
0x114: {  	v31 =	vimm.f32 $-1.000000000e+00;
	v38 =	vld [tilespmem:s18+$0xFFFFFFB0];
	v29 =	vsub.f32 v29, v16;
	v30 =	vsub.f32 v30, v14  }
0x115: {  	v33 =	vimm.s32 $0x0;
	v56 =	vld [tilespmem:s29+$0xFFFFFFD0];
	v32 =	vsub.f32 v32, v16;
	v36 =	vsub.f32 v36, v15  }
0x116: {  	v57 =	vld [tilespmem:s0+$0xFFFFFFE0];
	v37 =	vsub.f32 v37, v14;
	v19 =	vmul.f32 v19, v19;
	v22 =	vmul.f32 v22, v22  }
0x117: {  	v55 =	vld [tilespmem:s18+$0xFFFFFFD0];
	v35 =	vsub.f32 v35, v15;
	v25 =	vmul.f32 v25, v25;
	v26 =	vmul.f32 v26, v26  }
0x118: {  	v34 =	vld [tilespmem:s18+$0xFFFFFF90];
	v53 =	vsub.f32 v51, v15;
	v23 =	vmul.f32 v23, v23;
	v21 =	vmul.f32 v21, v21  }
0x119: {  	v39 =	vld [tilespmem:s29+$0xFFFFFFB0];
	v38 =	vsub.f32 v38, v14;
	v29 =	vmul.f32 v29, v29;
	v28 =	vmul.f32 v28, v28  }
0x11a: {  	s1 =	simm.s32 $0x12280;
	v62 =	vld [tilespmem:s0+$0x0];
	v61 =	vsub.f32 v56, v15;
	v27 =	vmul.f32 v27, v27;
	v30 =	vmul.f32 v30, v30  }
0x11b: {  	v40 =	vld [tilespmem:s1+$0xFFFFFF80];
	v44 =	vsub.f32 v57, v16;
	v32 =	vmul.f32 v32, v32;
	v54 =	vmul.f32 v37, v37  }
0x11c: {  	v58 =	vld [tilespmem:s18+$0xFFFFFFE0];
	v35 =	vmul.f32 v35, v35;
	v37 =	vsub.f32 v55, v14;
	v25 =	vadd.f32 v25, v26  }
0x11d: {  	v45 =	vld [tilespmem:s29+$0x0];
	v24 =	vmul.f32 v24, v24;
	v26 =	vsub.f32 v34, v14;
	v30 =	vadd.f32 v32, v30  }
0x11e: {  	v52 =	vld [tilespmem:s29+$0xFFFFFFC0];
	v20 =	vmul.f32 v20, v20;
	v28 =	vadd.f32 v28, v54;
	v22 =	vadd.f32 v22, v23  }
0x11f: {  	v41 =	vld [tilespmem:s1+$0xFFFFFF90];
	v32 =	vmul.f32 v53, v53;
	v37 =	vmul.f32 v37, v37;
	v34 =	vsub.f32 v62, v16  }
0x120: {  	v60 =	vld [tilespmem:s29+$0xFFFFFFE0];
	v26 =	vmul.f32 v26, v26;
	v23 =	vadd.f32 v35, v30;
	v21 =	vadd.f32 v21, v22  }
0x121: {  	v49 =	vld [tilespmem:s1+$0xFFFFFFF0];
	v30 =	vmul.f32 v38, v38;
	v38 =	vsub.f32 v58, v14;
	v24 =	vadd.f32 v24, v37  }
0x122: {  	v50 =	vld [tilespmem:s0+$0x40];
	v35 =	vsub.f32 v45, v15;
	v26 =	vadd.f32 v29, v26;
	v29 =	vmul.f32 v36, v36  }
0x123: {  	v55 =	vld [tilespmem:s29+$0x30];
	v36 =	vsub.f32 v52, v15;
	v22 =	vmin.f32 v40, v23;
	v23 =	vadd.f32 v32, v28  }
0x124: {  	v34 =	vmul.f32 v34, v34;
	v27 =	vadd.f32 v27, v30;
	v26 =	vadd.f32 v29, v26;
	v29 =	vld [tilespmem:s1+$0xFFFFFFA0]  }
0x125: {  	s25 =	simm.s32 $0x0;
	v54 =	vld [tilespmem:s0+$0x30];
	v30 =	vsub.f32 v39, v15;
	v38 =	vmul.f32 v38, v38;
	vm0 =	vgt.f32 v22, v31  }
0x126: {  	v28 =	vld [tilespmem:s1+$0xFFFFFFC0];
	v32 =	vmul.f32 v44, v44;
	v59 =	vmul.f32 v36, v36;
	v33 =	vsel vm0, s25, v33  }
0x127: {  	v63 =	vld [tilespmem:s18+$0x0];
	v31 =	vsel vm0, v22, v31;
	v30 =	vmul.f32 v30, v30;
	v36 =	vsub.f32 v60, v15  }
0x128: {  	v48 =	vld [tilespmem:s29+$0x10];
	v32 =	vadd.f32 v32, v38;
	v26 =	vmin.f32 v41, v26;
	v25 =	vadd.f32 v59, v25  }
0x129: {  	v27 =	vadd.f32 v30, v27;
	v30 =	vmul.f32 v61, v61;
	v23 =	vmin.f32 v29, v23;
	v29 =	vld [tilespmem:s1+$0xFFFFFFB0]  }
0x12a: {  	v46 =	vld [tilespmem:s1+$0xFFFFFFD0];
	v41 =	vmin.f32 v49, v21;
	v21 =	vsub.f32 v50, v16;
	v59 =	vsub.f32 v54, v16  }
0x12b: {  	v47 =	vld [tilespmem:s1+$0xFFFFFFE0];
	v61 =	vsub.f32 v55, v15;
	vm0 =	vgt.f32 v26, v31;
	v25 =	vmin.f32 v28, v25  }
0x12c: {  	s3 =	simm.s32 $0x1;
	v28 =	vld [tilespmem:s18+$0x10];
	v31 =	vsel vm0, v26, v31;
	v24 =	vadd.f32 v30, v24;
	v30 =	vmul.f32 v36, v36  }
0x12d: {  	v52 =	vld [tilespmem:s0+$0x20];
	v33 =	vsel vm0, s3, v33;
	v36 =	vsub.f32 v48, v15;
	vm2 =	vgt.f32 v23, v31  }
0x12e: {  	v30 =	vadd.f32 v30, v32;
	v31 =	vsel vm2, v23, v31;
	v27 =	vmin.f32 v29, v27  }
0x12f: {  	s26 =	simm.s32 $0x2;
	v13 =	vld [tilespmem:s1+$0x50];
	[tilespmem:s1+$0xFFFFFF90] =	vst v26;
	v26 =	vmul.f32 v35, v35;
	v24 =	vmin.f32 v46, v24;
	vm0 =	vgt.f32 v27, v31  }
0x130: {  	s5 =	simm.s32 $0x3;
	v42 =	vld [tilespmem:s29+$0x20];
	v33 =	vsel vm2, s26, v33;
	v40 =	vmin.f32 v47, v30;
	v31 =	vsel vm0, v27, v31  }
0x131: {  	v51 =	vld [tilespmem:s18+$0x40];
	v28 =	vsub.f32 v28, v14;
	v33 =	vsel vm0, s5, v33;
	vm0 =	vgt.f32 v25, v31  }
0x132: {  	s7 =	simm.s32 $0x4;
	v43 =	vld [tilespmem:s18+$0x30];
	v30 =	vsub.f32 v52, v16;
	v29 =	vsub.f32 v63, v14;
	v31 =	vsel vm0, v25, v31  }
0x133: {  	v56 =	vld [tilespmem:s1+$0x0];
	v28 =	vmul.f32 v28, v28;
	v33 =	vsel vm0, s7, v33;
	vm0 =	vgt.f32 v24, v31  }
0x134: {  	v53 =	vld [tilespmem:s18+$0x20];
	v36 =	vmul.f32 v36, v36;
	v57 =	vmul.f32 v30, v30;
	v31 =	vsel vm0, v24, v31  }
0x135: {  	[tilespmem:s1+$0xFFFFFF80] =	vst v22;
	v22 =	vmul.f32 v29, v29;
	v20 =	vadd.f32 v20, v28;
	v28 =	vld [tilespmem:s1+$0x10];
	vm13 =	vgt.f32 v40, v31  }
0x136: {  	[tilespmem:s1+$0xFFFFFFA0] =	vst v23;
	v30 =	vsub.f32 v51, v14;
	v29 =	vsub.f32 v42, v15;
	v23 =	vsel vm13, v40, v31;
	v31 =	vld [tilespmem:s18+$0x50]  }
0x137: {  	v32 =	vmul.f32 v59, v59;
	s26 =	simm.s32 $0x5;
	[tilespmem:s1+$0xFFFFFFB0] =	vst v27;
	v27 =	vsub.f32 v43, v14;
	v58 =	vadd.f32 v34, v22;
	v22 =	vld [tilespmem:s1+$0x20]  }
0x138: {  	[tilespmem:s1+$0xFFFFFFC0] =	vst v25;
	v34 =	vld [tilespmem:s18+$0x70];
	v20 =	vadd.f32 v36, v20;
	v25 =	vsel vm0, s26, v33;
	vm14 =	vgt.f32 v41, v23  }
0x139: {  	[tilespmem:s1+$0xFFFFFFF0] =	vst v41;
	v26 =	vadd.f32 v26, v58;
	v33 =	vld [tilespmem:s29+$0x70];
	v60 =	vsel vm14, v41, v23;
	v23 =	vsub.f32 v53, v14  }
0x13a: {  	[tilespmem:s1+$0xFFFFFFD0] =	vst v24;
	v29 =	vmul.f32 v29, v29;
	v24 =	vmul.f32 v30, v30;
	v30 =	vld [tilespmem:s0+$0x60];
	v20 =	vmin.f32 v28, v20  }
0x13b: {  	[tilespmem:s1+$0xFFFFFFE0] =	vst v40;
	v28 =	vld [tilespmem:s29+$0x40];
	v26 =	vmin.f32 v56, v26;
	v62 =	vmul.f32 v23, v23;
	v63 =	vsub.f32 v31, v14  }
0x13c: {  	s28 =	simm.s32 $0x11A00;
	v35 =	vmul.f32 v27, v27;
	v27 =	vmul.f32 v61, v61;
	[tilespmem:s1+$0x10] =	vst v20;
	vm15 =	vgt.f32 v26, v60;
	v23 =	vld [tilespmem:s1+$0x30]  }
0x13d: {  	s3 =	simm.s32 $0x12380;
	s5 =	simm.s32 $0x6;
	s26 =	simm.s32 $0x10;
	[tilespmem:s1+$0x0] =	vst v26;
	v26 =	vsel vm15, v26, v60;
	v31 =	vld [tilespmem:s18+$0x60];
	v36 =	vadd.f32 v57, v62;
	v37 =	vmul.f32 v63, v63  }
.LBB2_14:
0x13e: {  	s29 =	sadd.s32 $0x100, s29  }
0x13f: {  	v38 =	vld [tilespmem:s3+$0x50];
	v25 =	vsel vm13, s5, v25;
	v32 =	vadd.f32 v32, v35;
	v33 =	vsub.f32 v33, v15;
	s0 =	sadd.s32 $0x100, s0;
	s18 =	sadd.s32 $0x100, s18;
	s5 =	smov.u32 s26  }
0x140: {  	p1 =	slt.u32 s26, $0x70;
	s26 =	sadd.s32 $0x10, s26;
	v18 =	vmul.f32 v18, v18;
	v29 =	vadd.f32 v29, v36;
	v19 =	vadd.f32 v19, v37;
	v35 =	vld [tilespmem:s28+$0x60];
	s28 =	smov.u32 s29  }
0x141: {  	s7 =	sadd.s32 $0x7, s25;
	v28 =	vsub.f32 v28, v15;
	v30 =	vsub.f32 v30, v16;
	v37 =	vmul.f32 v17, v17;
	v36 =	vld [tilespmem:s1+$0x40]  }
0x142: {  	v21 =	vmul.f32 v21, v21;
	v25 =	vsel vm14, s7, v25;
	s7 =	sadd.s32 $0x8, s25;
	v17 =	vld [tilespmem:s0+$0x70];
	v18 =	vadd.f32 v18, v19  }
0x143: {  	v25 =	vsel vm15, s7, v25;
	v19 =	vsub.f32 v31, v14;
	v31 =	vsub.f32 v34, v14;
	v34 =	vld [tilespmem:s1+$0x70]  }
0x144: {  	v28 =	vmul.f32 v28, v28;
	v22 =	vmin.f32 v22, v29;
	v29 =	vmin.f32 v13, v18;
	v39 =	vld [tilespmem:s1+$0x60];
	v13 =	vmovc v38  }
0x145: {  	v30 =	vmul.f32 v30, v30;
	v19 =	vmul.f32 v19, v19;
	v18 =	vld [tilespmem:s29+$0x50];
	[tilespmem:s1+$0x50] =	vst v29;
	v35 =	vsub.f32 v35, v15  }
0x146: {  	v27 =	vadd.f32 v27, v32;
	v21 =	vadd.f32 v21, v24;
	v24 =	vmul.f32 v31, v31;
	v38 =	vld [tilespmem:s0+$0x50];
	[tilespmem:s1+$0x20] =	vst v22  }
0x147: {  	v19 =	vadd.f32 v30, v19;
	v31 =	vld [tilespmem:s0+$0x10];
	v17 =	vsub.f32 v17, v16;
	v30 =	vmul.f32 v35, v35  }
0x148: {  	v23 =	vmin.f32 v23, v27;
	v27 =	vmul.f32 v33, v33;
	v24 =	vadd.f32 v37, v24;
	v32 =	vld [tilespmem:s29+$0xFFFFFFF0]  }
0x149: {  	vm0 =	vgt.f32 v20, v26;
	v21 =	vadd.f32 v28, v21;
	v33 =	vld [tilespmem:s0+$0xFFFFFFF0];
	[tilespmem:s1+$0x30] =	vst v23;
	v19 =	vadd.f32 v30, v19  }
0x14a: {  	v26 =	vsel vm0, v20, v26;
	v24 =	vadd.f32 v27, v24;
	v28 =	vld [tilespmem:s18+$0xFFFFFFF0];
	v18 =	vsub.f32 v18, v15  }
0x14b: {  	vm2 =	vgt.f32 v22, v26;
	v21 =	vmin.f32 v36, v21;
	v27 =	vld [tilespmem:s0+$0xFFFFFFD0];
	v30 =	vsub.f32 v38, v16  }
0x14c: {  	s7 =	sadd.s32 $0x9, s25;
	v24 =	vmin.f32 v34, v24;
	v35 =	vld [tilespmem:s0+$0xFFFFFFC0];
	v20 =	vsub.f32 v31, v16;
	[tilespmem:s1+$0x40] =	vst v21;
	v31 =	vmin.f32 v39, v19  }
0x14d: {  	v25 =	vsel vm0, s7, v25;
	s7 =	sadd.s32 $0xA, s25;
	v22 =	vsel vm2, v22, v26;
	v34 =	vld [tilespmem:s18+$0xFFFFFFC0];
	v19 =	vmul.f32 v30, v30;
	[tilespmem:s1+$0x70] =	vst v24  }
0x14e: {  	v25 =	vsel vm2, s7, v25;
	vm15 =	vgt.f32 v23, v22;
	v26 =	vld [tilespmem:s0+$0xFFFFFFB0];
	v30 =	vsub.f32 v33, v16;
	[tilespmem:s1+$0x60] =	vst v31;
	s1 =	smov.u32 s3  }
0x14f: {  	v22 =	vsel vm15, v23, v22;
	v32 =	vsub.f32 v32, v15;
	v33 =	vld [tilespmem:s0+$0xFFFFFFA0];
	v28 =	vsub.f32 v28, v14  }
0x150: {  	vm14 =	vgt.f32 v21, v22;
	v23 =	vld [tilespmem:s0+$0xFFFFFF90];
	v27 =	vsub.f32 v27, v16;
	v30 =	vmul.f32 v30, v30  }
0x151: {  	v21 =	vsel vm14, v21, v22;
	v36 =	vld [tilespmem:s18+$0xFFFFFF80];
	v35 =	vsub.f32 v35, v16;
	v28 =	vmul.f32 v28, v28  }
0x152: {  	vm13 =	vgt.f32 v29, v21;
	v32 =	vmul.f32 v32, v32;
	v22 =	vld [tilespmem:s0+$0xFFFFFF80];
	v34 =	vsub.f32 v34, v14  }
0x153: {  	v21 =	vsel vm13, v29, v21;
	v37 =	vld [tilespmem:s18+$0xFFFFFF90];
	v26 =	vsub.f32 v26, v16;
	v35 =	vmul.f32 v35, v35  }
0x154: {  	s7 =	sadd.s32 $0xB, s25;
	vm0 =	vgt.f32 v31, v21;
	v29 =	vld [tilespmem:s29+$0xFFFFFF80];
	v33 =	vsub.f32 v33, v16;
	v34 =	vmul.f32 v34, v34  }
0x155: {  	v25 =	vsel vm15, s7, v25;
	v21 =	vsel vm0, v31, v21;
	v23 =	vsub.f32 v23, v16;
	v38 =	vld [tilespmem:s29+$0xFFFFFF90]  }
0x156: {  	vm15 =	vgt.f32 v24, v21;
	v31 =	vsub.f32 v36, v14;
	v36 =	vld [tilespmem:s18+$0xFFFFFFA0];
	v34 =	vadd.f32 v35, v34  }
0x157: {  	s7 =	sadd.s32 $0xC, s25;
	v33 =	vmul.f32 v33, v33;
	v22 =	vsub.f32 v22, v16;
	v23 =	vmul.f32 v23, v23;
	v35 =	vld [tilespmem:s18+$0xFFFFFFB0]  }
0x158: {  	v25 =	vsel vm14, s7, v25;
	v26 =	vmul.f32 v26, v26;
	v37 =	vsub.f32 v37, v14;
	v39 =	vld [tilespmem:s29+$0xFFFFFFA0]  }
0x159: {  	s7 =	sadd.s32 $0xD, s25;
	v31 =	vmul.f32 v31, v31;
	v29 =	vsub.f32 v29, v15;
	v22 =	vmul.f32 v22, v22;
	v40 =	vld [tilespmem:s29+$0xFFFFFFB0]  }
0x15a: {  	v25 =	vsel vm13, s7, v25;
	s7 =	sadd.s32 $0xE, s25;
	v41 =	vld [tilespmem:s3+$0xFFFFFF80];
	v38 =	vsub.f32 v38, v15;
	v37 =	vmul.f32 v37, v37  }
0x15b: {  	v25 =	vsel vm0, s7, v25;
	s7 =	sadd.s32 $0xF, s25;
	s25 =	smov.u32 s5;
	v22 =	vadd.f32 v22, v31;
	v31 =	vld [tilespmem:s3+$0xFFFFFF90];
	v36 =	vsub.f32 v36, v14  }
0x15c: {  	v21 =	vsel vm15, v24, v21;
	v23 =	vadd.f32 v23, v37;
	v37 =	vmul.f32 v38, v38;
	v38 =	vld [tilespmem:s29+$0xFFFFFFC0]  }
0x15d: {  	v25 =	vsel vm15, s7, v25;
	v24 =	vsub.f32 v39, v15;
	v36 =	vmul.f32 v36, v36;
	v39 =	vld [tilespmem:s18+$0xFFFFFFD0]  }
0x15e: {  	v29 =	vmul.f32 v29, v29;
	v35 =	vsub.f32 v35, v14;
	v23 =	vadd.f32 v37, v23;
	v37 =	vld [tilespmem:s3+$0xFFFFFFA0]  }
0x15f: {  	v28 =	vadd.f32 v30, v28;
	v33 =	vadd.f32 v33, v36;
	v24 =	vmul.f32 v24, v24;
	v36 =	vld [tilespmem:s29+$0xFFFFFFD0]  }
0x160: {  	v22 =	vadd.f32 v29, v22;
	v29 =	vmul.f32 v35, v35;
	v23 =	vmin.f32 v31, v23;
	v30 =	vld [tilespmem:s0+$0xFFFFFFE0]  }
0x161: {  	v27 =	vmul.f32 v27, v27;
	v28 =	vadd.f32 v32, v28;
	[tilespmem:s3+$0xFFFFFF90] =	vst v23;
	v31 =	vsub.f32 v38, v15;
	v35 =	vld [tilespmem:s18+$0xFFFFFFE0]  }
0x162: {  	v22 =	vmin.f32 v41, v22;
	v26 =	vadd.f32 v26, v29;
	v24 =	vadd.f32 v24, v33;
	v29 =	vld [tilespmem:s3+$0xFFFFFFC0]  }
0x163: {  	v32 =	vsub.f32 v40, v15;
	vm0 =	vgt.f32 v22, v21;
	[tilespmem:s3+$0xFFFFFF80] =	vst v22;
	v31 =	vmul.f32 v31, v31;
	v33 =	vld [tilespmem:s29+$0xFFFFFFE0]  }
0x164: {  	v25 =	vsel vm0, s25, v25;
	v38 =	vsub.f32 v39, v14;
	v24 =	vmin.f32 v37, v24;
	v37 =	vld [tilespmem:s3+$0xFFFFFFB0]  }
0x165: {  	v21 =	vsel vm0, v22, v21;
	[tilespmem:s3+$0xFFFFFFA0] =	vst v24;
	v22 =	vadd.f32 v31, v34;
	v31 =	vsub.f32 v36, v15;
	v34 =	vld [tilespmem:s0+$0x0]  }
0x166: {  	v32 =	vmul.f32 v32, v32;
	v36 =	vmul.f32 v38, v38;
	v35 =	vsub.f32 v35, v14;
	v38 =	vld [tilespmem:s18+$0x0]  }
0x167: {  	v20 =	vmul.f32 v20, v20;
	vm0 =	vgt.f32 v23, v21;
	v22 =	vmin.f32 v29, v22;
	v29 =	vld [tilespmem:s18+$0x10]  }
0x168: {  	v26 =	vadd.f32 v32, v26;
	v30 =	vsub.f32 v30, v16;
	v31 =	vmul.f32 v31, v31;
	[tilespmem:s3+$0xFFFFFFC0] =	vst v22;
	v32 =	vld [tilespmem:s29+$0x0]  }
0x169: {  	v27 =	vadd.f32 v27, v36;
	v33 =	vsub.f32 v33, v15;
	v35 =	vmul.f32 v35, v35;
	v36 =	vld [tilespmem:s3+$0xFFFFFFD0]  }
0x16a: {  	v21 =	vsel vm0, v23, v21;
	v23 =	vmul.f32 v30, v30;
	v30 =	vld [tilespmem:s3+$0xFFFFFFE0];
	v34 =	vsub.f32 v34, v16  }
0x16b: {  	s5 =	sadd.s32 $0x1, s25;
	vm2 =	vgt.f32 v24, v21;
	v27 =	vadd.f32 v31, v27;
	v31 =	vmul.f32 v33, v33;
	v33 =	vld [tilespmem:s29+$0x10]  }
0x16c: {  	v25 =	vsel vm0, s5, v25;
	s5 =	sadd.s32 $0x2, s25;
	v21 =	vsel vm2, v24, v21;
	v24 =	vld [tilespmem:s3+$0xFFFFFFF0];
	v29 =	vsub.f32 v29, v14  }
0x16d: {  	v25 =	vsel vm2, s5, v25;
	v23 =	vadd.f32 v23, v35;
	v34 =	vmul.f32 v34, v34;
	v35 =	vld [tilespmem:s0+$0x40]  }
0x16e: {  	v26 =	vmin.f32 v37, v26;
	v27 =	vmin.f32 v36, v27;
	v36 =	vsub.f32 v38, v14;
	v37 =	vld [tilespmem:s18+$0x40]  }
0x16f: {  	s5 =	sadd.s32 $0x3, s25;
	vm0 =	vgt.f32 v26, v21;
	v23 =	vadd.f32 v31, v23;
	v29 =	vmul.f32 v29, v29;
	[tilespmem:s3+$0xFFFFFFB0] =	vst v26;
	v31 =	vld [tilespmem:s0+$0x20]  }
0x170: {  	v21 =	vsel vm0, v26, v21;
	v25 =	vsel vm0, s5, v25;
	[tilespmem:s3+$0xFFFFFFD0] =	vst v27;
	v26 =	vsub.f32 v33, v15;
	v33 =	vld [tilespmem:s18+$0x20]  }
0x171: {  	vm0 =	vgt.f32 v22, v21;
	v24 =	vmin.f32 v24, v28;
	v28 =	vsub.f32 v32, v15;
	v32 =	vld [tilespmem:s29+$0x20]  }
0x172: {  	s5 =	sadd.s32 $0x4, s25;
	v22 =	vsel vm0, v22, v21;
	v20 =	vadd.f32 v20, v29;
	[tilespmem:s3+$0xFFFFFFF0] =	vst v24;
	v29 =	vld [tilespmem:s3+$0x10];
	v21 =	vsub.f32 v35, v16  }
0x173: {  	v25 =	vsel vm0, s5, v25;
	vm0 =	vgt.f32 v27, v22;
	v26 =	vmul.f32 v26, v26;
	v35 =	vld [tilespmem:s0+$0x30]  }
0x174: {  	v23 =	vmin.f32 v30, v23;
	v22 =	vsel vm0, v27, v22;
	v27 =	vsub.f32 v31, v16;
	v30 =	vld [tilespmem:s18+$0x30]  }
0x175: {  	vm13 =	vgt.f32 v23, v22;
	v31 =	vmul.f32 v28, v28;
	v20 =	vadd.f32 v26, v20;
	[tilespmem:s3+$0xFFFFFFE0] =	vst v23;
	v26 =	vld [tilespmem:s29+$0x30]  }
0x176: {  	v28 =	vmul.f32 v36, v36;
	v36 =	vld [tilespmem:s3+$0x0];
	v32 =	vsub.f32 v32, v15;
	v38 =	vmul.f32 v27, v27  }
0x177: {  	v23 =	vsel vm13, v23, v22;
	v27 =	vsub.f32 v37, v14;
	v20 =	vmin.f32 v29, v20;
	v37 =	vld [tilespmem:s18+$0x50]  }
0x178: {  	vm14 =	vgt.f32 v24, v23;
	v34 =	vadd.f32 v34, v28;
	[tilespmem:s3+$0x10] =	vst v20;
	v22 =	vld [tilespmem:s3+$0x20];
	v35 =	vsub.f32 v35, v16  }
0x179: {  	s5 =	sadd.s32 $0x5, s25;
	v39 =	vsel vm14, v24, v23;
	v23 =	vsub.f32 v33, v14;
	v29 =	vmul.f32 v32, v32;
	v28 =	vld [tilespmem:s29+$0x40]  }
.Ltmp11:
0x17a: {  	v25 =	vsel vm0, s5, v25;
	v31 =	vadd.f32 v31, v34;
	v32 =	vmul.f32 v35, v35;
	v33 =	vld [tilespmem:s29+$0x70];
	(pc) =	sbr.rel @p1 .LBB2_14-.Ltmp11, $4  }
0x17b: {  	v24 =	vmul.f32 v27, v27;
	v34 =	vsub.f32 v30, v14;
	v26 =	vsub.f32 v26, v15;
	v30 =	vld [tilespmem:s0+$0x60]  }
0x17c: {  	v40 =	vmul.f32 v23, v23;
	v36 =	vmin.f32 v36, v31;
	v23 =	vld [tilespmem:s3+$0x30];
	v37 =	vsub.f32 v37, v14  }
0x17d: {  	v35 =	vmul.f32 v34, v34;
	vm15 =	vgt.f32 v36, v39;
	v27 =	vmul.f32 v26, v26;
	[tilespmem:s3+$0x0] =	vst v36;
	v31 =	vld [tilespmem:s18+$0x60]  }
0x17e: {  	s5 =	sadd.s32 $0x6, s25;
	v26 =	vsel vm15, v36, v39;
	v36 =	vadd.f32 v38, v40;
	s3 =	sadd.s32 $0x100, s3;
	v37 =	vmul.f32 v37, v37;
	v34 =	vld [tilespmem:s18+$0x70]  }
0x17f: {  	v32 =	vadd.f32 v32, v35  }
0x180: {  	v33 =	vsub.f32 v33, v15;
	v18 =	vmul.f32 v18, v18;
	v28 =	vsub.f32 v28, v15  }
0x181: {  	v17 =	vmul.f32 v17, v17;
	v21 =	vmul.f32 v21, v21;
	v29 =	vadd.f32 v29, v36  }
0x182: {  	v61 =	vld [tilespmem:s28+$0x60];
	vm0 =	vgt.f32 v20, v26;
	v19 =	vadd.f32 v19, v37;
	v16 =	vsub.f32 v30, v16  }
0x183: {  	v63 =	vld [tilespmem:s1+$0x40];
	v20 =	vsel vm0, v20, v26;
	v27 =	vadd.f32 v27, v32;
	v21 =	vadd.f32 v21, v24  }
0x184: {  	v28 =	vmul.f32 v28, v28;
	v18 =	vadd.f32 v18, v19;
	v62 =	vsub.f32 v31, v14  }
0x185: {  	v22 =	vmin.f32 v22, v29;
	v16 =	vmul.f32 v16, v16;
	v14 =	vsub.f32 v34, v14  }
0x186: {  	vm2 =	vgt.f32 v22, v20;
	v23 =	vmin.f32 v23, v27;
	v21 =	vadd.f32 v28, v21  }
0x187: {  	v15 =	vsub.f32 v61, v15;
	v19 =	vmul.f32 v62, v62;
	v20 =	vsel vm2, v22, v20  }
0x188: {  	v31 =	vld [tilespmem:s1+$0x60];
	v14 =	vmul.f32 v14, v14;
	vm3 =	vgt.f32 v23, v20;
	v32 =	vmin.f32 v63, v21  }
0x189: {  	v16 =	vadd.f32 v16, v19;
	v15 =	vmul.f32 v15, v15;
	v20 =	vsel vm3, v23, v20  }
0x18a: {  	v35 =	vmul.f32 v33, v33;
	v34 =	vld [tilespmem:s1+$0x70];
	v13 =	vmin.f32 v13, v18;
	vm4 =	vgt.f32 v32, v20  }
0x18b: {  	v14 =	vadd.f32 v17, v14;
	v15 =	vadd.f32 v15, v16;
	v36 =	vsel vm4, v32, v20  }
0x18c: {  	vm5 =	vgt.f32 v13, v36  }
0x18d: {  	v14 =	vadd.f32 v35, v14;
	v15 =	vmin.f32 v31, v15;
	v16 =	vsel vm5, v13, v36  }
0x18e: {  	vm6 =	vgt.f32 v15, v16  }
0x18f: {  	v14 =	vmin.f32 v34, v14;
	v16 =	vsel vm6, v15, v16  }
0x190: {  	s0 =	sadd.s32 $0x7, s25;
	v37 =	vsel vm13, s5, v25;
	vm13 =	vgt.f32 v14, v16  }
0x191: {  	s28 =	sadd.s32 $0x8, s25;
	v17 =	vsel vm14, s0, v37;
	v16 =	vsel vm13, v14, v16  }
0x192: {  	s29 =	sadd.s32 $0x9, s25;
	v17 =	vsel vm15, s28, v17;
	(xrf0) =	vmax.scan.msk.f32 $0xffff, v16  }
0x193: {  	s3 =	sadd.s32 $0xA, s25;
	v17 =	vsel vm0, s29, v17  }
0x194: {  	s5 =	sadd.s32 $0xB, s25;
	v17 =	vsel vm2, s3, v17  }
0x195: {  	s7 =	sadd.s32 $0xC, s25;
	v17 =	vsel vm3, s5, v17  }
0x196: {  	s18 =	sadd.s32 $0xD, s25;
	v17 =	vsel vm4, s7, v17  }
0x197: {  	s26 =	sadd.s32 $0xE, s25;
	v17 =	vsel vm5, s18, v17  }
0x198: {  	s28 =	sadd.s32 $0xF, s25;
	v17 =	vsel vm6, s26, v17;
	v38, _, _ =	vpop (xrf0)  }
0x199: {  	v17 =	vsel vm13, s28, v17;
	v18 =	vbroadcast v38, $0xF  }
0x19a: {  	v39 =	vor.u32 $0x80000000, v5;
	v17 =	vshll.u32 v17, $0x4  }
0x19b: {  	v40 =	vxor.u32 v39, v17;
	vm0 =	veq.f32 v16, v18  }
0x19c: {  	v16 =	vnsel vm0, $0xC0000000, v40  }
0x19d: {  	(xrf0) =	vmin.scan.msk.u32 $0xffff, v16;
	_ =	sdelay $0x5  }
0x19e: {  	v16, _, _ =	vpop (xrf0)  }
0x19f: {  	(v2sf) =	vpush v16, $0xF;
	_ =	sdelay $0xe  }
0x1a0: {  	s29 =	spop (v2sf)  }
0x1a1: {  	s3 =	sxor.u32 $0x80000000, s29  }
0x1a2: {  	s7 =	sshra.s32 s3, $0x1F  }
0x1a3: {  	s5 =	sshrl.u32 s7, $0x1C  }
0x1a4: {  	s5 =	sadd.s32 s5, s3  }
0x1a5: {  	p2 =	sgt.s32 s29, $0xFFFFFFFF;
	p1 =	slt.s32 s3, $0x1;
	s7 =	sand.u32 $0xFFFFFFF0, s5  }
0x1a6: {  	[tilespmem:s1+$0x20] =	vst v22;
	p1 =	por p2, p1;
	p6 =	sne.s32 s3, s7  }
0x1a7: {  	[tilespmem:s1+$0x30] =	vst v23;
	p1 =	por !p1, !p6  }
0x1a8: {  	[tilespmem:s1+$0x50] =	vst v13;
	s7 =	simm.s32 $0x1;
	p1 =	por !p1, !p1  }
0x1a9: {  	[tilespmem:s1+$0x40] =	vst v32;
	s5 =	sshrl.u32 s5, $0x4;
	s7 =	simm.s32 @!p1 $0x0  }
0x1aa: {  	[tilespmem:s1+$0x60] =	vst v15;
	s5 =	ssub.s32 s5, s7  }
0x1ab: {  	[tilespmem:s1+$0x70] =	vst v14;
	s18 =	sshll.u32 s5, $0x4  }
0x1ac: {  	v13 =	vld [tilespmem:s18+$0x11100]  }
0x1ad: {  	v14 =	vld [tilespmem:s18+$0x11980]  }
0x1ae: {  	v15 =	vld [tilespmem:s18+$0x10000]  }
0x1af: {  	v41 =	vld [tilespmem:s18+$0x10880]  }
0x1b0: {  	s0 =	sand.u32 $0xF, s29  }
0x1b1: {  	v42 =	vmov s0  }
0x1b2: {  	v14 =	vperm.xlane v14, v42  }
0x1b3: {  	v13 =	vperm.xlane v13, v42;
	v15 =	vcvt.s32.f32 v15  }
0x1b4: {  	v16 =	vperm.xlane v41, v42;
	v14 =	vsel vm9, $0x0, v14  }
0x1b5: {  	s25 =	sadd.s32 s6, s3;
	v15 =	vperm.xlane v15, v42;
	v13 =	vsel vm10, v14, v13  }
0x1b6: {  	s26 =	sshll.u32 s31, $0xB;
	s0 =	scvt.s32.f32 s25;
	v13 =	vsel vm11, v13, v16  }
0x1b7: {  	s1 =	sand.u32 $0x800, s26;
	vm0 =	veq.s32 v5, $0x1;
	v13 =	vsel vm12, v13, v15  }
0x1b8: {  	s28 =	sadd.s32 s1, s2;
	v13 =	vsel vm0, s0, v13  }
0x1b9: {  	s0 =	sadd.s32 $0x800, s28;
	v13 =	vsel vm1, v18, v13  }
0x1ba: {  	s29 =	sadd.s32 s10, s0;
	[tilespmem:$0x12A00] =	vst v13  }
0x1bb: {  	[spmem:s29] =	stream.linear.scatter [tilespmem:s20], [sflag:$0x1], $0x80, $0x38;
	[tilespmem:$0x13F40] =	vst v63  }
0x1bc: {  	_ =	swait.ge [sflag:s21], $0x80  }
0x1bd: {  	[sflag:s21] =	ssyncset.done $0x0  }
0x1be: {  	[sflag:s21] =	ssyncadd.s32 $0xFFFFFF80  }
0x1bf: {  	s0 =	sadd.s32 s12, s0;
	[bflag:$0x0] =	sbarrier.arrive $0xFFFF  }
0x1c0: {  	[tilespmem:s22], [sflag:$0x1] =	stream.linear.gather [spmem:s0], $0x400, $0x38;
	[tilespmem:$0x13F40] =	vst v63  }
0x1c1: {  	_ =	swait.ge [sflag:s21], $0x400  }
0x1c2: {  	[sflag:s21] =	ssyncset.done $0x0  }
0x1c3: {  	[sflag:s21] =	ssyncadd.s32 $0xFFFFFC00  }
0x1c4: {  	v13 =	vld [tilespmem:$0x12B00]  }
0x1c5: {  	v14 =	vld [tilespmem:$0x12A80];
	_ =	sdelay $0x3  }
0x1c6: {  	v15 =	vperm.xlane v13, v4;
	v43 =	vperm.xlane v13, v8  }
0x1c7: {  	v46 =	vld [tilespmem:$0x12B80];
	v44 =	vperm.xlane v14, v4;
	v45 =	vperm.xlane v14, v8;
	_ =	sdelay $0x1  }
0x1c8: {  	vm0 =	veq.f32 v15, v44;
	vm2 =	vlt.f32 v43, v45  }
0x1c9: {  	vm3 =	vgt.f32 v15, v44;
	vm0 =	vmand vm0, vm2  }
0x1ca: {  	vm0 =	vmor vm3, vm0  }
0x1cb: {  	v15 =	vperm.xlane v46, v8;
	v13 =	vsel vm0, v13, v14;
	v14 =	vperm.xlane v46, v4  }
0x1cc: {  	v49 =	vld [tilespmem:$0x12C00];
	v47 =	vperm.xlane v13, v4;
	v48 =	vperm.xlane v13, v8;
	_ =	sdelay $0x1  }
0x1cd: {  	vm0 =	veq.f32 v14, v47;
	vm2 =	vlt.f32 v15, v48  }
0x1ce: {  	vm3 =	vgt.f32 v14, v47;
	vm0 =	vmand vm0, vm2  }
0x1cf: {  	vm0 =	vmor vm3, vm0  }
0x1d0: {  	v14 =	vperm.xlane v49, v4;
	v15 =	vperm.xlane v49, v8;
	v13 =	vsel vm0, v46, v13  }
0x1d1: {  	v52 =	vld [tilespmem:$0x12C80];
	v50 =	vperm.xlane v13, v4;
	v51 =	vperm.xlane v13, v8;
	_ =	sdelay $0x1  }
0x1d2: {  	vm0 =	veq.f32 v14, v50;
	vm2 =	vlt.f32 v15, v51  }
0x1d3: {  	vm3 =	vgt.f32 v14, v50;
	vm0 =	vmand vm0, vm2  }
0x1d4: {  	vm0 =	vmor vm3, vm0  }
0x1d5: {  	v14 =	vperm.xlane v52, v4;
	v15 =	vperm.xlane v52, v8;
	v13 =	vsel vm0, v49, v13  }
0x1d6: {  	v55 =	vld [tilespmem:$0x12D00];
	v53 =	vperm.xlane v13, v4;
	v54 =	vperm.xlane v13, v8;
	_ =	sdelay $0x1  }
0x1d7: {  	vm0 =	veq.f32 v14, v53;
	vm2 =	vlt.f32 v15, v54  }
0x1d8: {  	vm3 =	vgt.f32 v14, v53;
	vm0 =	vmand vm0, vm2  }
0x1d9: {  	vm0 =	vmor vm3, vm0  }
0x1da: {  	v14 =	vperm.xlane v55, v4;
	v15 =	vperm.xlane v55, v8;
	v13 =	vsel vm0, v52, v13  }
0x1db: {  	v58 =	vld [tilespmem:$0x12D80];
	v56 =	vperm.xlane v13, v4;
	v57 =	vperm.xlane v13, v8;
	_ =	sdelay $0x1  }
0x1dc: {  	vm0 =	veq.f32 v14, v56;
	vm2 =	vlt.f32 v15, v57  }
0x1dd: {  	vm3 =	vgt.f32 v14, v56;
	vm0 =	vmand vm0, vm2  }
0x1de: {  	vm0 =	vmor vm3, vm0  }
0x1df: {  	v14 =	vperm.xlane v58, v4;
	v15 =	vperm.xlane v58, v8;
	v13 =	vsel vm0, v55, v13  }
0x1e0: {  	v61 =	vld [tilespmem:$0x12E00];
	v59 =	vperm.xlane v13, v4;
	v60 =	vperm.xlane v13, v8;
	_ =	sdelay $0x1  }
0x1e1: {  	vm0 =	veq.f32 v14, v59;
	vm2 =	vlt.f32 v15, v60  }
0x1e2: {  	vm3 =	vgt.f32 v14, v59;
	vm0 =	vmand vm0, vm2  }
0x1e3: {  	vm0 =	vmor vm3, vm0  }
0x1e4: {  	v14 =	vperm.xlane v61, v4;
	v15 =	vperm.xlane v61, v8;
	v13 =	vsel vm0, v58, v13  }
0x1e5: {  	v62 =	vperm.xlane v13, v4;
	v63 =	vperm.xlane v13, v8  }
.Ltmp12:
0x1e6: {  	_ = 	snop;
	(pc) =	sbr.rel @!p0 .LBB2_16-.Ltmp12, $4  }
0x1e7: {  	vm0 =	veq.f32 v14, v62;
	vm2 =	vlt.f32 v15, v63  }
0x1e8: {  	vm3 =	vgt.f32 v14, v62;
	vm0 =	vmand vm0, vm2  }
0x1e9: {  	vm0 =	vmor vm3, vm0  }
0x1ea: {  	v13 =	vsel vm0, v61, v13  }
0x1eb: {  	s31 =	sadd.s32 $0x1, s31  }
0x1ec: {  	p1 =	seq.s32 s31, $0x400  }
.Ltmp13:
0x1ed: {  	_ = 	snop;
	(pc) =	sbr.rel @!p1 .LBB2_13-.Ltmp13, $4  }
.Ltmp14:
0x1ee: {  	_ = 	snop;
	(pc) =	sbr.rel @p1 .LBB2_18-.Ltmp14, $4  }
0x1ef: {  	_ = 	snop  }
0x1f0: {  	v14 =	vperm.xlane v13, v9  }
0x1f1: {  	v16 =	vperm.xlane v13, v10;
	v15 =	vperm.xlane v13, v12  }
0x1f2: {  	_ = 	snop  }
.LBB2_19:
0x1f3: {  	_ =	sfence.sel $0x180000  }
0x1f4: {  	[bflag:$0x0] =	sbarrier.arrive $0xFFFF  }
0x1f5: {  	_ =	strace $0x90000047  }
0x1f6: {  	s0 =	stileid.u32;
	[bflag:$0x2] =	sbarrier.arrive $0xFFFF  }
0x1f7: {  	p0 =	sne.s32 s0, $0x0;
	s0 =	rddreg [dreg:$0x3]  }
0x1f8: {  	s0 =	sadd.s32 @!p0 $0x100000, s0  }
0x1f9: {  	[sflag:s0] =	ssyncadd.tile.s32 @!p0 $0x1;
	_ =	shalt  }
.Lfunc_end2:
_tile_overlayer_lowered:
.L_overlay_start_2:
0x1fa: {  	(tag) =	ssettag $0x2  }
0x1fb: {  	s0 =	rddreg [dreg:$0x0];
	s2 =	stileid.u32  }
0x1fc: {  	s1 =	rddreg [dreg:$0x1];
	p0 =	sne.s32 s2, $0x0  }
0x1fd: {  	s3 =	rddreg [dreg:$0x2];
	[bflag:$0x3] =	sbarrier.arrive $0xFFFF;
	s2 =	simm.s32 @!p0 $0x1C01  }
0x1fe: {  	[timem:s3], [sflag:s2] =	dma.local @!p0 [hbm:s0], s1  }
0x1ff: {  	s0 =	simm.s32 @!p0 $0x1  }
0x200: {  	_ =	swait.ge @!p0 [sflag:s0], s1  }
0x201: {  	s1 =	ssub.s32 @!p0 $0x0, s1;
	[sflag:s0] =	ssyncset.done @!p0 $0x0  }
0x202: {  	[sflag:s0] =	ssyncadd.s32 @!p0 s1  }
0x203: {  	[bflag:$0x3] =	sbarrier.arrive $0xFFFF  }
0x204: {  	_ =	shalt  }

</sc_bundles>
